<compile_context>
chip_gen: v7x
topology: tpu7x:2x2x1
jax: 0.10.2.dev20260603
libtpu: 0.0.44.dev20260713+nightly
codegen_flags: <defaults>
</compile_context>

<pallas_src>
import functools

import jax
import jax.numpy as jnp
from jax import lax
from jax.experimental import pallas as pl
from jax.experimental.pallas import tpu as pltpu
from jax.experimental.pallas import tpu_sc as plsc

N = 10000
E = 320000
D = 128

NC = 2
NS = 16
HALF = 5056
ZROWS = 64
CHUNK = 16
SECC = 6
SECE = SECC * CHUNK
SECT = 210
EPT = SECT * SECE
E_PAD = NS * EPT
ACC_ROWS = 10112
ZPT = ACC_ROWS // NS
SPT = HALF // 8

_mesh = plsc.VectorSubcoreMesh(core_axis_name="c", subcore_axis_name="s")


@functools.partial(
    pl.kernel,
    out_type=jax.ShapeDtypeStruct((NC, ACC_ROWS, D), jnp.float32),
    mesh=_mesh,
    scratch_types=[
        pltpu.VMEM((12, CHUNK), jnp.int32),
        pltpu.VMEM((12, CHUNK), jnp.int32),
        pltpu.VMEM((CHUNK, D), jnp.float32),
        pltpu.VMEM((CHUNK, D), jnp.float32),
        pltpu.VMEM_SHARED((ACC_ROWS, D), jnp.float32),
        pltpu.VMEM_SHARED((HALF + ZROWS, D), jnp.float32),
        pltpu.SemaphoreType.DMA,
        pltpu.SemaphoreType.DMA,
        pltpu.SemaphoreType.DMA,
        pltpu.SemaphoreType.DMA,
        pltpu.SemaphoreType.DMA,
        pltpu.SemaphoreType.DMA,
    ],
)
def _sc_agg(h_hbm, sec_hbm, zeros_hbm, out_hbm,
            sb0, sb1, rb0, rb1, acc, staged,
            semA, semB, semG0, semG1, semS0, semS1):
    cid = lax.axis_index("c")
    sid = lax.axis_index("s")

    pltpu.sync_copy(zeros_hbm.at[pl.ds(sid * ZPT, ZPT)],
                    acc.at[pl.ds(sid * ZPT, ZPT)])

    @pl.when(sid < 8)
    def _():
        pltpu.sync_copy(h_hbm.at[pl.ds(cid * HALF + sid * SPT, SPT)],
                        staged.at[pl.ds(sid * SPT, SPT)])

    @pl.when(sid == 8)
    def _():
        pltpu.sync_copy(zeros_hbm.at[pl.ds(0, ZROWS)],
                        staged.at[pl.ds(HALF, ZROWS)])

    plsc.subcore_barrier()

    base = (cid * NS + sid) * SECT

    def process_section(sb):
        pltpu.make_async_copy(rb0, acc.at[sb.at[6]], semS0).wait()
        pltpu.async_copy(staged.at[sb.at[0]], rb0, semG0)
        for k in range(SECC):
            rb, semG, semS = ((rb0, semG0, semS0) if k % 2 == 0
                              else (rb1, semG1, semS1))
            nrb, nsemG, nsemS = ((rb1, semG1, semS1) if k % 2 == 0
                                 else (rb0, semG0, semS0))
            if k + 1 < SECC:
                pltpu.make_async_copy(nrb, acc.at[sb.at[7 + k]], nsemS).wait()
                pltpu.async_copy(staged.at[sb.at[k + 1]], nrb, nsemG)
            pltpu.make_async_copy(staged.at[sb.at[k]], rb, semG).wait()
            pltpu.async_copy(rb, acc.at[sb.at[6 + k]], semS, add=True)

    pltpu.async_copy(sec_hbm.at[base], sb0, semA)
    pltpu.async_copy(sec_hbm.at[base + 1], sb1, semB)
    pltpu.async_copy(rb0, acc.at[pl.ds(ACC_ROWS - CHUNK, CHUNK)], semS0)
    pltpu.async_copy(rb1, acc.at[pl.ds(ACC_ROWS - CHUNK, CHUNK)], semS1)

    @pl.loop(0, SECT, step=2)
    def _(s):
        pltpu.make_async_copy(sec_hbm.at[base + s], sb0, semA).wait()
        process_section(sb0)

        @pl.when(s + 2 < SECT)
        def _():
            pltpu.async_copy(sec_hbm.at[base + s + 2], sb0, semA)

        pltpu.make_async_copy(sec_hbm.at[base + s + 1], sb1, semB).wait()
        process_section(sb1)

        @pl.when(s + 3 < SECT)
        def _():
            pltpu.async_copy(sec_hbm.at[base + s + 3], sb1, semB)

    pltpu.make_async_copy(rb0, acc.at[pl.ds(ACC_ROWS - CHUNK, CHUNK)],
                          semS0).wait()
    pltpu.make_async_copy(rb1, acc.at[pl.ds(ACC_ROWS - CHUNK, CHUNK)],
                          semS1).wait()
    plsc.subcore_barrier()
    pltpu.sync_copy(acc.at[pl.ds(sid * ZPT, ZPT)],
                    out_hbm.at[cid].at[pl.ds(sid * ZPT, ZPT)])


def _tc_body(h_ref, p_ref, w_ref, b_ref, s_ref, o_ref, *, relu):
    z = s_ref[0, 0] * h_ref[...] + (p_ref[0] + p_ref[1])
    y = lax.dot_general(z, w_ref[...], (((1,), (1,)), ((), ())),
                        preferred_element_type=jnp.float32)
    y = y + b_ref[...]
    o_ref[...] = jnp.maximum(y, 0.0) if relu else y


def _tc_layer(relu):
    return pl.pallas_call(
        functools.partial(_tc_body, relu=relu),
        out_shape=jax.ShapeDtypeStruct((N, D), jnp.float32),
    )


def _build_sections(src, dst):
    pad = E_PAD - E
    secs = []
    for c in range(NC):
        in_half = (src // HALF) == c
        zrow = HALF + (jnp.arange(E, dtype=jnp.int32) % ZROWS)
        gsrc = jnp.where(in_half, src - c * HALF, zrow)
        gsrc = jnp.concatenate(
            [gsrc, HALF + (jnp.arange(pad, dtype=jnp.int32) % ZROWS)])
        gdst = jnp.concatenate([dst, jnp.zeros((pad,), jnp.int32)])
        s6 = gsrc.reshape(NS, SECT, SECC, CHUNK)
        d6 = gdst.reshape(NS, SECT, SECC, CHUNK)
        secs.append(jnp.concatenate([s6, d6], axis=2))
    return jnp.stack(secs).reshape(NC * NS * SECT, 12, CHUNK)


def kernel(x, edge_index, W1, b1, eps1, W2, b2, eps2, W3, b3, eps3):
    src = edge_index[0].astype(jnp.int32)
    dst = edge_index[1].astype(jnp.int32)
    sec = _build_sections(src, dst)
    zeros = jnp.zeros((ACC_ROWS, D), jnp.float32)

    h = x
    for W, b, eps, relu in ((W1, b1, eps1, True),
                            (W2, b2, eps2, True),
                            (W3, b3, eps3, False)):
        hpad = jnp.pad(h, ((0, ACC_ROWS - N), (0, 0)))
        parts = _sc_agg(hpad, sec, zeros)[:, :N]
        scale = jnp.reshape(1.0 + eps, (1, 1)).astype(jnp.float32)
        h = _tc_layer(relu)(h, parts, W, b.reshape(1, D), scale)
    return h

# --- scband reference (transcript-rebuilt; emitter-appended) ---
"""Pipeline reference for scband-gin-74904229642495 (READ-ONLY COPY).

The authoritative reference and input builder live on the scoring server;
editing this copy changes nothing except your own understanding.
"""

import jax, jax.numpy as jnp
import numpy as np

N = 10000
E = 320000
D = 128

def setup_inputs(seed: int = 0) -> dict:
    key = jax.random.key(seed)
    ks = jax.random.split(key, 10)
    x = jax.random.normal(ks[0], (N, D), dtype=jnp.float32)
    edge_index = jax.random.randint(ks[1], (2, E), 0, N, dtype=jnp.int64)
    # GINConv with train_eps=True: eps initialized to 0.0 (learnable scalar)
    # torch Linear weights: [out_features, in_features], Kaiming-uniform-ish init
    def lin(k, out_f, in_f):
        bound = 1.0 / np.sqrt(in_f)
        kW, kb = jax.random.split(k)
        W = jax.random.uniform(kW, (out_f, in_f), minval=-bound, maxval=bound, dtype=jnp.float32)
        b = jax.random.uniform(kb, (out_f,), minval=-bound, maxval=bound, dtype=jnp.float32)
        return W, b
    W1, b1 = lin(ks[2], D, D)
    W2, b2 = lin(ks[3], D, D)
    W3, b3 = lin(ks[4], D, D)
    eps1 = jnp.zeros((), dtype=jnp.float32)
    eps2 = jnp.zeros((), dtype=jnp.float32)
    eps3 = jnp.zeros((), dtype=jnp.float32)
    return {"x": x, "edge_index": edge_index,
            "W1": W1, "b1": b1, "eps1": eps1,
            "W2": W2, "b2": b2, "eps2": eps2,
            "W3": W3, "b3": b3, "eps3": eps3}

def reference(x, edge_index, W1, b1, eps1, W2, b2, eps2, W3, b3, eps3):
    src = edge_index[0]
    dst = edge_index[1]
    def gin_conv(h, W, b, eps):
        # message: neighbor features gathered by src, sum-aggregated at dst
        agg = jax.ops.segment_sum(h[src], dst, num_segments=N)
        out = (1.0 + eps) * h + agg
        return out @ W.T + b
    h = gin_conv(x, W1, b1, eps1)
    h = jax.nn.relu(h)
    # dropout p=0.0 -> identity
    h = gin_conv(h, W2, b2, eps2)
    h = jax.nn.relu(h)
    h = gin_conv(h, W3, b3, eps3)
    return h

if __name__ == "__main__":
    import jax
    _d = setup_inputs()
    print(jax.jit(kernel)(*tuple(_d.values())))

</pallas_src>

<mosaic_0001>
#map = affine_map<(d0, d1) -> (0, 0)>
#map1 = affine_map<(d0, d1) -> (0, 0, 0)>
module attributes {stable_mosaic.version = 14 : i64} {
  func.func @_sc_agg(%arg0: i32, %arg1: i32, %arg2: memref<10112x128xf32, #tpu.memory_space<hbm>>, %arg3: memref<6720x12x16xi32, #tpu.memory_space<hbm>>, %arg4: memref<10112x128xf32, #tpu.memory_space<hbm>>, %arg5: memref<2x10112x128xf32, #tpu.memory_space<hbm>>, %arg6: memref<12x16xi32, #tpu.memory_space<vmem>>, %arg7: memref<12x16xi32, #tpu.memory_space<vmem>>, %arg8: memref<16x128xf32, #tpu.memory_space<vmem>>, %arg9: memref<16x128xf32, #tpu.memory_space<vmem>>, %arg10: memref<10112x128xf32, #tpu.memory_space<vmem_shared>>, %arg11: memref<5120x128xf32, #tpu.memory_space<vmem_shared>>, %arg12: memref<!tpu.dma_semaphore, #tpu.memory_space<semaphore_mem>>, %arg13: memref<!tpu.dma_semaphore, #tpu.memory_space<semaphore_mem>>, %arg14: memref<!tpu.dma_semaphore, #tpu.memory_space<semaphore_mem>>, %arg15: memref<!tpu.dma_semaphore, #tpu.memory_space<semaphore_mem>>, %arg16: memref<!tpu.dma_semaphore, #tpu.memory_space<semaphore_mem>>, %arg17: memref<!tpu.dma_semaphore, #tpu.memory_space<semaphore_mem>>) attributes {dimension_semantics = [#tpu.dimension_semantics<core_parallel>, #tpu.dimension_semantics<subcore_parallel>], iteration_bounds = array<i64: 2, 16>, scalar_prefetch = 0 : i64, scratch_operands = 12 : i64, tpu.core_type = #tpu.core_type<sc_vector_subcore>, window_params = [{transform_indices = #map}, {transform_indices = #map1}, {transform_indices = #map}, {transform_indices = #map1}]} {
    %mul3A = arith.constant 632 : i32
    %mul3A_0 = arith.muli %arg1, %mul3A : i32
    %mul3A_1 = arith.constant 632 : i32
    %mul3A_2 = arith.muli %arg1, %mul3A_1 : i32
    "tpu.region"() ({
      %run_scoped3A = tpu.sem_alloc : memref<!tpu.dma_semaphore, #tpu.memory_space<semaphore_mem>>
      %dma_start3A_62 = arith.constant 0 : i32
      %dma_start3A_63 = tpu.memref_slice %arg10[%mul3A_2, %dma_start3A_62] : memref<10112x128xf32, #tpu.memory_space<vmem_shared>> -> memref<632x128xf32, #tpu.memory_space<vmem_shared>>
      %dma_start3A_64 = arith.constant 0 : i32
      %dma_start3A_65 = tpu.memref_slice %arg4[%mul3A_0, %dma_start3A_64] : memref<10112x128xf32, #tpu.memory_space<hbm>> -> memref<632x128xf32, #tpu.memory_space<hbm>>
      tpu.enqueue_dma source(%dma_start3A_65 : memref<632x128xf32, #tpu.memory_space<hbm>>) target(%dma_start3A_63 : memref<632x128xf32, #tpu.memory_space<vmem_shared>>) target_semaphore(%run_scoped3A : memref<!tpu.dma_semaphore, #tpu.memory_space<semaphore_mem>>)
      %dma_wait3A_66 = arith.constant 0 : i32
      %dma_wait3A_67 = tpu.memref_slice %arg10[%mul3A_2, %dma_wait3A_66] : memref<10112x128xf32, #tpu.memory_space<vmem_shared>> -> memref<632x128xf32, #tpu.memory_space<vmem_shared>>
      %dma_wait3A_68 = arith.constant 0 : i32
      %dma_wait3A_69 = tpu.memref_slice %arg4[%mul3A_0, %dma_wait3A_68] : memref<10112x128xf32, #tpu.memory_space<hbm>> -> memref<632x128xf32, #tpu.memory_space<hbm>>
      tpu.wait_dma2 semaphore(%run_scoped3A : memref<!tpu.dma_semaphore, #tpu.memory_space<semaphore_mem>>) src(%dma_wait3A_69 : memref<632x128xf32, #tpu.memory_space<hbm>>) dst(%dma_wait3A_67 : memref<632x128xf32, #tpu.memory_space<vmem_shared>>)
      tpu.yield
    }) : () -> ()
    %lt3A = arith.constant 8 : i32
    %lt3A_3 = arith.cmpi slt, %arg1, %lt3A : i32
    %convert_element_type3A = arith.extui %lt3A_3 : i1 to i32
    %cond3A = arith.constant 0 : i32
    %cond3A_4 = arith.cmpi ne, %convert_element_type3A, %cond3A : i32
    scf.if %cond3A_4 {
      %mul3A_62 = arith.constant 5056 : i32
      %mul3A_63 = arith.muli %arg0, %mul3A_62 : i32
      %mul3A_64 = arith.constant 632 : i32
      %mul3A_65 = arith.muli %arg1, %mul3A_64 : i32
      %add3A_66 = arith.addi %mul3A_63, %mul3A_65 : i32
      %mul3A_67 = arith.constant 632 : i32
      %mul3A_68 = arith.muli %arg1, %mul3A_67 : i32
      "tpu.region"() ({
        %run_scoped3A = tpu.sem_alloc : memref<!tpu.dma_semaphore, #tpu.memory_space<semaphore_mem>>
        %dma_start3A_69 = arith.constant 0 : i32
        %dma_start3A_70 = tpu.memref_slice %arg11[%mul3A_68, %dma_start3A_69] : memref<5120x128xf32, #tpu.memory_space<vmem_shared>> -> memref<632x128xf32, #tpu.memory_space<vmem_shared>>
        %dma_start3A_71 = arith.constant 0 : i32
        %dma_start3A_72 = tpu.memref_slice %arg2[%add3A_66, %dma_start3A_71] : memref<10112x128xf32, #tpu.memory_space<hbm>> -> memref<632x128xf32, #tpu.memory_space<hbm>>
        tpu.enqueue_dma source(%dma_start3A_72 : memref<632x128xf32, #tpu.memory_space<hbm>>) target(%dma_start3A_70 : memref<632x128xf32, #tpu.memory_space<vmem_shared>>) target_semaphore(%run_scoped3A : memref<!tpu.dma_semaphore, #tpu.memory_space<semaphore_mem>>)
        %dma_wait3A_73 = arith.constant 0 : i32
        %dma_wait3A_74 = tpu.memref_slice %arg11[%mul3A_68, %dma_wait3A_73] : memref<5120x128xf32, #tpu.memory_space<vmem_shared>> -> memref<632x128xf32, #tpu.memory_space<vmem_shared>>
        %dma_wait3A_75 = arith.constant 0 : i32
        %dma_wait3A_76 = tpu.memref_slice %arg2[%add3A_66, %dma_wait3A_75] : memref<10112x128xf32, #tpu.memory_space<hbm>> -> memref<632x128xf32, #tpu.memory_space<hbm>>
        tpu.wait_dma2 semaphore(%run_scoped3A : memref<!tpu.dma_semaphore, #tpu.memory_space<semaphore_mem>>) src(%dma_wait3A_76 : memref<632x128xf32, #tpu.memory_space<hbm>>) dst(%dma_wait3A_74 : memref<632x128xf32, #tpu.memory_space<vmem_shared>>)
        tpu.yield
      }) : () -> ()
    } else {
    }
    %eq3A = arith.constant 8 : i32
    %eq3A_5 = arith.cmpi eq, %arg1, %eq3A : i32
    %convert_element_type3A_6 = arith.extui %eq3A_5 : i1 to i32
    %cond3A_7 = arith.constant 0 : i32
    %cond3A_8 = arith.cmpi ne, %convert_element_type3A_6, %cond3A_7 : i32
    scf.if %cond3A_8 {
      "tpu.region"() ({
        %run_scoped3A = tpu.sem_alloc : memref<!tpu.dma_semaphore, #tpu.memory_space<semaphore_mem>>
        %dma_start3A_62 = arith.constant 5056 : i32
        %dma_start3A_63 = arith.constant 0 : i32
        %dma_start3A_64 = tpu.memref_slice %arg11[%dma_start3A_62, %dma_start3A_63] : memref<5120x128xf32, #tpu.memory_space<vmem_shared>> -> memref<64x128xf32, #tpu.memory_space<vmem_shared>>
        %dma_start3A_65 = arith.constant 0 : i32
        %dma_start3A_66 = arith.constant 0 : i32
        %dma_start3A_67 = tpu.memref_slice %arg4[%dma_start3A_65, %dma_start3A_66] : memref<10112x128xf32, #tpu.memory_space<hbm>> -> memref<64x128xf32, #tpu.memory_space<hbm>>
        tpu.enqueue_dma source(%dma_start3A_67 : memref<64x128xf32, #tpu.memory_space<hbm>>) target(%dma_start3A_64 : memref<64x128xf32, #tpu.memory_space<vmem_shared>>) target_semaphore(%run_scoped3A : memref<!tpu.dma_semaphore, #tpu.memory_space<semaphore_mem>>)
        %dma_wait3A_68 = arith.constant 5056 : i32
        %dma_wait3A_69 = arith.constant 0 : i32
        %dma_wait3A_70 = tpu.memref_slice %arg11[%dma_wait3A_68, %dma_wait3A_69] : memref<5120x128xf32, #tpu.memory_space<vmem_shared>> -> memref<64x128xf32, #tpu.memory_space<vmem_shared>>
        %dma_wait3A_71 = arith.constant 0 : i32
        %dma_wait3A_72 = arith.constant 0 : i32
        %dma_wait3A_73 = tpu.memref_slice %arg4[%dma_wait3A_71, %dma_wait3A_72] : memref<10112x128xf32, #tpu.memory_space<hbm>> -> memref<64x128xf32, #tpu.memory_space<hbm>>
        tpu.wait_dma2 semaphore(%run_scoped3A : memref<!tpu.dma_semaphore, #tpu.memory_space<semaphore_mem>>) src(%dma_wait3A_73 : memref<64x128xf32, #tpu.memory_space<hbm>>) dst(%dma_wait3A_70 : memref<64x128xf32, #tpu.memory_space<vmem_shared>>)
        tpu.yield
      }) : () -> ()
    } else {
    }
    %barrier3A = arith.constant 0 : index
    tpu.barrier barrier_id(%barrier3A)
    %mul3A_9 = arith.constant 16 : i32
    %mul3A_10 = arith.muli %arg0, %mul3A_9 : i32
    %add3A = arith.addi %mul3A_10, %arg1 : i32
    %mul3A_11 = arith.constant 210 : i32
    %mul3A_12 = arith.muli %add3A, %mul3A_11 : i32
    %dma_start3A = arith.constant 0 : i32
    %dma_start3A_13 = arith.constant 0 : i32
    %dma_start3A_14 = tpu.memref_slice %arg3[%mul3A_12, %dma_start3A, %dma_start3A_13] : memref<6720x12x16xi32, #tpu.memory_space<hbm>> -> memref<1x12x16xi32, #tpu.memory_space<hbm>>
    %dma_start3A_15 = tpu.memref_squeeze %dma_start3A_14 : memref<1x12x16xi32, #tpu.memory_space<hbm>> -> memref<12x16xi32, #tpu.memory_space<hbm>>
    %dma_start3A_16 = arith.constant 0 : i32
    %dma_start3A_17 = arith.constant 0 : i32
    %dma_start3A_18 = tpu.memref_slice %arg3[%mul3A_12, %dma_start3A_16, %dma_start3A_17] : memref<6720x12x16xi32, #tpu.memory_space<hbm>> -> memref<1x12x16xi32, #tpu.memory_space<hbm>>
    %dma_start3A_19 = tpu.memref_squeeze %dma_start3A_18 : memref<1x12x16xi32, #tpu.memory_space<hbm>> -> memref<12x16xi32, #tpu.memory_space<hbm>>
    tpu.enqueue_dma source(%dma_start3A_19 : memref<12x16xi32, #tpu.memory_space<hbm>>) target(%arg6 : memref<12x16xi32, #tpu.memory_space<vmem>>) target_semaphore(%arg12 : memref<!tpu.dma_semaphore, #tpu.memory_space<semaphore_mem>>)
    %add3A_20 = arith.constant 1 : i32
    %add3A_21 = arith.addi %mul3A_12, %add3A_20 : i32
    %dma_start3A_22 = arith.constant 0 : i32
    %dma_start3A_23 = arith.constant 0 : i32
    %dma_start3A_24 = tpu.memref_slice %arg3[%add3A_21, %dma_start3A_22, %dma_start3A_23] : memref<6720x12x16xi32, #tpu.memory_space<hbm>> -> memref<1x12x16xi32, #tpu.memory_space<hbm>>
    %dma_start3A_25 = tpu.memref_squeeze %dma_start3A_24 : memref<1x12x16xi32, #tpu.memory_space<hbm>> -> memref<12x16xi32, #tpu.memory_space<hbm>>
    %dma_start3A_26 = arith.constant 0 : i32
    %dma_start3A_27 = arith.constant 0 : i32
    %dma_start3A_28 = tpu.memref_slice %arg3[%add3A_21, %dma_start3A_26, %dma_start3A_27] : memref<6720x12x16xi32, #tpu.memory_space<hbm>> -> memref<1x12x16xi32, #tpu.memory_space<hbm>>
    %dma_start3A_29 = tpu.memref_squeeze %dma_start3A_28 : memref<1x12x16xi32, #tpu.memory_space<hbm>> -> memref<12x16xi32, #tpu.memory_space<hbm>>
    tpu.enqueue_dma source(%dma_start3A_29 : memref<12x16xi32, #tpu.memory_space<hbm>>) target(%arg7 : memref<12x16xi32, #tpu.memory_space<vmem>>) target_semaphore(%arg13 : memref<!tpu.dma_semaphore, #tpu.memory_space<semaphore_mem>>)
    %dma_start3A_30 = arith.constant 10096 : i32
    %dma_start3A_31 = arith.constant 0 : i32
    %dma_start3A_32 = tpu.memref_slice %arg10[%dma_start3A_30, %dma_start3A_31] : memref<10112x128xf32, #tpu.memory_space<vmem_shared>> -> memref<16x128xf32, #tpu.memory_space<vmem_shared>>
    %dma_start3A_33 = arith.constant 10096 : i32
    %dma_start3A_34 = arith.constant 0 : i32
    %dma_start3A_35 = tpu.memref_slice %arg10[%dma_start3A_33, %dma_start3A_34] : memref<10112x128xf32, #tpu.memory_space<vmem_shared>> -> memref<16x128xf32, #tpu.memory_space<vmem_shared>>
    tpu.enqueue_dma source(%arg8 : memref<16x128xf32, #tpu.memory_space<vmem>>) target(%dma_start3A_35 : memref<16x128xf32, #tpu.memory_space<vmem_shared>>) target_semaphore(%arg16 : memref<!tpu.dma_semaphore, #tpu.memory_space<semaphore_mem>>)
    %dma_start3A_36 = arith.constant 10096 : i32
    %dma_start3A_37 = arith.constant 0 : i32
    %dma_start3A_38 = tpu.memref_slice %arg10[%dma_start3A_36, %dma_start3A_37] : memref<10112x128xf32, #tpu.memory_space<vmem_shared>> -> memref<16x128xf32, #tpu.memory_space<vmem_shared>>
    %dma_start3A_39 = arith.constant 10096 : i32
    %dma_start3A_40 = arith.constant 0 : i32
    %dma_start3A_41 = tpu.memref_slice %arg10[%dma_start3A_39, %dma_start3A_40] : memref<10112x128xf32, #tpu.memory_space<vmem_shared>> -> memref<16x128xf32, #tpu.memory_space<vmem_shared>>
    tpu.enqueue_dma source(%arg9 : memref<16x128xf32, #tpu.memory_space<vmem>>) target(%dma_start3A_41 : memref<16x128xf32, #tpu.memory_space<vmem_shared>>) target_semaphore(%arg17 : memref<!tpu.dma_semaphore, #tpu.memory_space<semaphore_mem>>)
    %scan3A = arith.constant 0 : i32
    %scan3A_42 = arith.constant 105 : i32
    %scan3A_43 = arith.addi %scan3A, %scan3A_42 : i32
    %scan3A_44 = arith.constant 1 : i32
    scf.for %scan3A_62 = %scan3A to %scan3A_43 step %scan3A_44  : i32 {
      %mul3A_63 = arith.constant 2 : i32
      %mul3A_64 = arith.muli %scan3A_62, %mul3A_63 : i32
      %add3A_65 = arith.constant 0 : i32
      %add3A_66 = arith.addi %add3A_65, %mul3A_64 : i32
      %add3A_67 = arith.addi %mul3A_12, %add3A_66 : i32
      %dma_wait3A_68 = arith.constant 0 : i32
      %dma_wait3A_69 = arith.constant 0 : i32
      %dma_wait3A_70 = tpu.memref_slice %arg3[%add3A_67, %dma_wait3A_68, %dma_wait3A_69] : memref<6720x12x16xi32, #tpu.memory_space<hbm>> -> memref<1x12x16xi32, #tpu.memory_space<hbm>>
      %dma_wait3A_71 = tpu.memref_squeeze %dma_wait3A_70 : memref<1x12x16xi32, #tpu.memory_space<hbm>> -> memref<12x16xi32, #tpu.memory_space<hbm>>
      %dma_wait3A_72 = arith.constant 0 : i32
      %dma_wait3A_73 = arith.constant 0 : i32
      %dma_wait3A_74 = tpu.memref_slice %arg3[%add3A_67, %dma_wait3A_72, %dma_wait3A_73] : memref<6720x12x16xi32, #tpu.memory_space<hbm>> -> memref<1x12x16xi32, #tpu.memory_space<hbm>>
      %dma_wait3A_75 = tpu.memref_squeeze %dma_wait3A_74 : memref<1x12x16xi32, #tpu.memory_space<hbm>> -> memref<12x16xi32, #tpu.memory_space<hbm>>
      tpu.wait_dma2 semaphore(%arg12 : memref<!tpu.dma_semaphore, #tpu.memory_space<semaphore_mem>>) src(%dma_wait3A_75 : memref<12x16xi32, #tpu.memory_space<hbm>>) dst(%arg6 : memref<12x16xi32, #tpu.memory_space<vmem>>)
      %dma_wait3A_76 = arith.constant 6 : i32
      %dma_wait3A_77 = arith.constant 0 : i32
      %dma_wait3A_78 = tpu.memref_slice %arg6[%dma_wait3A_76, %dma_wait3A_77] : memref<12x16xi32, #tpu.memory_space<vmem>> -> memref<1x16xi32, #tpu.memory_space<vmem>>
      %dma_wait3A_79 = tpu.memref_squeeze %dma_wait3A_78 : memref<1x16xi32, #tpu.memory_space<vmem>> -> memref<16xi32, #tpu.memory_space<vmem>>
      %dma_wait3A_80 = arith.constant 0 : i32
      %dma_wait3A_81 = arith.constant 0 : i32
      %dma_wait3A_82 = tpu.memref_slice %arg10[%dma_wait3A_80, %dma_wait3A_81] : memref<10112x128xf32, #tpu.memory_space<vmem_shared>> -> memref<10112x128xf32, #tpu.memory_space<vmem_shared>>
      tpu.wait_indirect_dma semaphore(%arg16 : memref<!tpu.dma_semaphore, #tpu.memory_space<semaphore_mem>>) src(%arg8 : memref<16x128xf32, #tpu.memory_space<vmem>>) dst(%dma_wait3A_82 : memref<10112x128xf32, #tpu.memory_space<vmem_shared>>)
      %dma_start3A_83 = arith.constant 0 : i32
      %dma_start3A_84 = arith.constant 0 : i32
      %dma_start3A_85 = tpu.memref_slice %arg6[%dma_start3A_83, %dma_start3A_84] : memref<12x16xi32, #tpu.memory_space<vmem>> -> memref<1x16xi32, #tpu.memory_space<vmem>>
      %dma_start3A_86 = tpu.memref_squeeze %dma_start3A_85 : memref<1x16xi32, #tpu.memory_space<vmem>> -> memref<16xi32, #tpu.memory_space<vmem>>
      %dma_start3A_87 = arith.constant 0 : i32
      %dma_start3A_88 = arith.constant 0 : i32
      %dma_start3A_89 = tpu.memref_slice %arg11[%dma_start3A_87, %dma_start3A_88] : memref<5120x128xf32, #tpu.memory_space<vmem_shared>> -> memref<5120x128xf32, #tpu.memory_space<vmem_shared>>
      tpu.enqueue_indirect_dma source(%dma_start3A_89 : memref<5120x128xf32, #tpu.memory_space<vmem_shared>>) target(%arg8 : memref<16x128xf32, #tpu.memory_space<vmem>>) offsets(%dma_start3A_86 : memref<16xi32, #tpu.memory_space<vmem>>) semaphore(%arg14 : memref<!tpu.dma_semaphore, #tpu.memory_space<semaphore_mem>>)
      %dma_wait3A_90 = arith.constant 7 : i32
      %dma_wait3A_91 = arith.constant 0 : i32
      %dma_wait3A_92 = tpu.memref_slice %arg6[%dma_wait3A_90, %dma_wait3A_91] : memref<12x16xi32, #tpu.memory_space<vmem>> -> memref<1x16xi32, #tpu.memory_space<vmem>>
      %dma_wait3A_93 = tpu.memref_squeeze %dma_wait3A_92 : memref<1x16xi32, #tpu.memory_space<vmem>> -> memref<16xi32, #tpu.memory_space<vmem>>
      %dma_wait3A_94 = arith.constant 0 : i32
      %dma_wait3A_95 = arith.constant 0 : i32
      %dma_wait3A_96 = tpu.memref_slice %arg10[%dma_wait3A_94, %dma_wait3A_95] : memref<10112x128xf32, #tpu.memory_space<vmem_shared>> -> memref<10112x128xf32, #tpu.memory_space<vmem_shared>>
      tpu.wait_indirect_dma semaphore(%arg17 : memref<!tpu.dma_semaphore, #tpu.memory_space<semaphore_mem>>) src(%arg9 : memref<16x128xf32, #tpu.memory_space<vmem>>) dst(%dma_wait3A_96 : memref<10112x128xf32, #tpu.memory_space<vmem_shared>>)
      %dma_start3A_97 = arith.constant 1 : i32
      %dma_start3A_98 = arith.constant 0 : i32
      %dma_start3A_99 = tpu.memref_slice %arg6[%dma_start3A_97, %dma_start3A_98] : memref<12x16xi32, #tpu.memory_space<vmem>> -> memref<1x16xi32, #tpu.memory_space<vmem>>
      %dma_start3A_100 = tpu.memref_squeeze %dma_start3A_99 : memref<1x16xi32, #tpu.memory_space<vmem>> -> memref<16xi32, #tpu.memory_space<vmem>>
      %dma_start3A_101 = arith.constant 0 : i32
      %dma_start3A_102 = arith.constant 0 : i32
      %dma_start3A_103 = tpu.memref_slice %arg11[%dma_start3A_101, %dma_start3A_102] : memref<5120x128xf32, #tpu.memory_space<vmem_shared>> -> memref<5120x128xf32, #tpu.memory_space<vmem_shared>>
      tpu.enqueue_indirect_dma source(%dma_start3A_103 : memref<5120x128xf32, #tpu.memory_space<vmem_shared>>) target(%arg9 : memref<16x128xf32, #tpu.memory_space<vmem>>) offsets(%dma_start3A_100 : memref<16xi32, #tpu.memory_space<vmem>>) semaphore(%arg15 : memref<!tpu.dma_semaphore, #tpu.memory_space<semaphore_mem>>)
      %dma_wait3A_104 = arith.constant 0 : i32
      %dma_wait3A_105 = arith.constant 0 : i32
      %dma_wait3A_106 = tpu.memref_slice %arg6[%dma_wait3A_104, %dma_wait3A_105] : memref<12x16xi32, #tpu.memory_space<vmem>> -> memref<1x16xi32, #tpu.memory_space<vmem>>
      %dma_wait3A_107 = tpu.memref_squeeze %dma_wait3A_106 : memref<1x16xi32, #tpu.memory_space<vmem>> -> memref<16xi32, #tpu.memory_space<vmem>>
      %dma_wait3A_108 = arith.constant 0 : i32
      %dma_wait3A_109 = arith.constant 0 : i32
      %dma_wait3A_110 = tpu.memref_slice %arg11[%dma_wait3A_108, %dma_wait3A_109] : memref<5120x128xf32, #tpu.memory_space<vmem_shared>> -> memref<5120x128xf32, #tpu.memory_space<vmem_shared>>
      tpu.wait_indirect_dma semaphore(%arg14 : memref<!tpu.dma_semaphore, #tpu.memory_space<semaphore_mem>>) src(%dma_wait3A_110 : memref<5120x128xf32, #tpu.memory_space<vmem_shared>>) dst(%arg8 : memref<16x128xf32, #tpu.memory_space<vmem>>)
      %dma_start3A_111 = arith.constant 6 : i32
      %dma_start3A_112 = arith.constant 0 : i32
      %dma_start3A_113 = tpu.memref_slice %arg6[%dma_start3A_111, %dma_start3A_112] : memref<12x16xi32, #tpu.memory_space<vmem>> -> memref<1x16xi32, #tpu.memory_space<vmem>>
      %dma_start3A_114 = tpu.memref_squeeze %dma_start3A_113 : memref<1x16xi32, #tpu.memory_space<vmem>> -> memref<16xi32, #tpu.memory_space<vmem>>
      %dma_start3A_115 = arith.constant 0 : i32
      %dma_start3A_116 = arith.constant 0 : i32
      %dma_start3A_117 = tpu.memref_slice %arg10[%dma_start3A_115, %dma_start3A_116] : memref<10112x128xf32, #tpu.memory_space<vmem_shared>> -> memref<10112x128xf32, #tpu.memory_space<vmem_shared>>
      tpu.enqueue_indirect_dma source(%arg8 : memref<16x128xf32, #tpu.memory_space<vmem>>) target(%dma_start3A_117 : memref<10112x128xf32, #tpu.memory_space<vmem_shared>>) offsets(%dma_start3A_114 : memref<16xi32, #tpu.memory_space<vmem>>) semaphore(%arg16 : memref<!tpu.dma_semaphore, #tpu.memory_space<semaphore_mem>>) {add = true}
      %dma_wait3A_118 = arith.constant 8 : i32
      %dma_wait3A_119 = arith.constant 0 : i32
      %dma_wait3A_120 = tpu.memref_slice %arg6[%dma_wait3A_118, %dma_wait3A_119] : memref<12x16xi32, #tpu.memory_space<vmem>> -> memref<1x16xi32, #tpu.memory_space<vmem>>
      %dma_wait3A_121 = tpu.memref_squeeze %dma_wait3A_120 : memref<1x16xi32, #tpu.memory_space<vmem>> -> memref<16xi32, #tpu.memory_space<vmem>>
      %dma_wait3A_122 = arith.constant 0 : i32
      %dma_wait3A_123 = arith.constant 0 : i32
      %dma_wait3A_124 = tpu.memref_slice %arg10[%dma_wait3A_122, %dma_wait3A_123] : memref<10112x128xf32, #tpu.memory_space<vmem_shared>> -> memref<10112x128xf32, #tpu.memory_space<vmem_shared>>
      tpu.wait_indirect_dma semaphore(%arg16 : memref<!tpu.dma_semaphore, #tpu.memory_space<semaphore_mem>>) src(%arg8 : memref<16x128xf32, #tpu.memory_space<vmem>>) dst(%dma_wait3A_124 : memref<10112x128xf32, #tpu.memory_space<vmem_shared>>)
      %dma_start3A_125 = arith.constant 2 : i32
      %dma_start3A_126 = arith.constant 0 : i32
      %dma_start3A_127 = tpu.memref_slice %arg6[%dma_start3A_125, %dma_start3A_126] : memref<12x16xi32, #tpu.memory_space<vmem>> -> memref<1x16xi32, #tpu.memory_space<vmem>>
      %dma_start3A_128 = tpu.memref_squeeze %dma_start3A_127 : memref<1x16xi32, #tpu.memory_space<vmem>> -> memref<16xi32, #tpu.memory_space<vmem>>
      %dma_start3A_129 = arith.constant 0 : i32
      %dma_start3A_130 = arith.constant 0 : i32
      %dma_start3A_131 = tpu.memref_slice %arg11[%dma_start3A_129, %dma_start3A_130] : memref<5120x128xf32, #tpu.memory_space<vmem_shared>> -> memref<5120x128xf32, #tpu.memory_space<vmem_shared>>
      tpu.enqueue_indirect_dma source(%dma_start3A_131 : memref<5120x128xf32, #tpu.memory_space<vmem_shared>>) target(%arg8 : memref<16x128xf32, #tpu.memory_space<vmem>>) offsets(%dma_start3A_128 : memref<16xi32, #tpu.memory_space<vmem>>) semaphore(%arg14 : memref<!tpu.dma_semaphore, #tpu.memory_space<semaphore_mem>>)
      %dma_wait3A_132 = arith.constant 1 : i32
      %dma_wait3A_133 = arith.constant 0 : i32
      %dma_wait3A_134 = tpu.memref_slice %arg6[%dma_wait3A_132, %dma_wait3A_133] : memref<12x16xi32, #tpu.memory_space<vmem>> -> memref<1x16xi32, #tpu.memory_space<vmem>>
      %dma_wait3A_135 = tpu.memref_squeeze %dma_wait3A_134 : memref<1x16xi32, #tpu.memory_space<vmem>> -> memref<16xi32, #tpu.memory_space<vmem>>
      %dma_wait3A_136 = arith.constant 0 : i32
      %dma_wait3A_137 = arith.constant 0 : i32
      %dma_wait3A_138 = tpu.memref_slice %arg11[%dma_wait3A_136, %dma_wait3A_137] : memref<5120x128xf32, #tpu.memory_space<vmem_shared>> -> memref<5120x128xf32, #tpu.memory_space<vmem_shared>>
      tpu.wait_indirect_dma semaphore(%arg15 : memref<!tpu.dma_semaphore, #tpu.memory_space<semaphore_mem>>) src(%dma_wait3A_138 : memref<5120x128xf32, #tpu.memory_space<vmem_shared>>) dst(%arg9 : memref<16x128xf32, #tpu.memory_space<vmem>>)
      %dma_start3A_139 = arith.constant 7 : i32
      %dma_start3A_140 = arith.constant 0 : i32
      %dma_start3A_141 = tpu.memref_slice %arg6[%dma_start3A_139, %dma_start3A_140] : memref<12x16xi32, #tpu.memory_space<vmem>> -> memref<1x16xi32, #tpu.memory_space<vmem>>
      %dma_start3A_142 = tpu.memref_squeeze %dma_start3A_141 : memref<1x16xi32, #tpu.memory_space<vmem>> -> memref<16xi32, #tpu.memory_space<vmem>>
      %dma_start3A_143 = arith.constant 0 : i32
      %dma_start3A_144 = arith.constant 0 : i32
      %dma_start3A_145 = tpu.memref_slice %arg10[%dma_start3A_143, %dma_start3A_144] : memref<10112x128xf32, #tpu.memory_space<vmem_shared>> -> memref<10112x128xf32, #tpu.memory_space<vmem_shared>>
      tpu.enqueue_indirect_dma source(%arg9 : memref<16x128xf32, #tpu.memory_space<vmem>>) target(%dma_start3A_145 : memref<10112x128xf32, #tpu.memory_space<vmem_shared>>) offsets(%dma_start3A_142 : memref<16xi32, #tpu.memory_space<vmem>>) semaphore(%arg17 : memref<!tpu.dma_semaphore, #tpu.memory_space<semaphore_mem>>) {add = true}
      %dma_wait3A_146 = arith.constant 9 : i32
      %dma_wait3A_147 = arith.constant 0 : i32
      %dma_wait3A_148 = tpu.memref_slice %arg6[%dma_wait3A_146, %dma_wait3A_147] : memref<12x16xi32, #tpu.memory_space<vmem>> -> memref<1x16xi32, #tpu.memory_space<vmem>>
      %dma_wait3A_149 = tpu.memref_squeeze %dma_wait3A_148 : memref<1x16xi32, #tpu.memory_space<vmem>> -> memref<16xi32, #tpu.memory_space<vmem>>
      %dma_wait3A_150 = arith.constant 0 : i32
      %dma_wait3A_151 = arith.constant 0 : i32
      %dma_wait3A_152 = tpu.memref_slice %arg10[%dma_wait3A_150, %dma_wait3A_151] : memref<10112x128xf32, #tpu.memory_space<vmem_shared>> -> memref<10112x128xf32, #tpu.memory_space<vmem_shared>>
      tpu.wait_indirect_dma semaphore(%arg17 : memref<!tpu.dma_semaphore, #tpu.memory_space<semaphore_mem>>) src(%arg9 : memref<16x128xf32, #tpu.memory_space<vmem>>) dst(%dma_wait3A_152 : memref<10112x128xf32, #tpu.memory_space<vmem_shared>>)
      %dma_start3A_153 = arith.constant 3 : i32
      %dma_start3A_154 = arith.constant 0 : i32
      %dma_start3A_155 = tpu.memref_slice %arg6[%dma_start3A_153, %dma_start3A_154] : memref<12x16xi32, #tpu.memory_space<vmem>> -> memref<1x16xi32, #tpu.memory_space<vmem>>
      %dma_start3A_156 = tpu.memref_squeeze %dma_start3A_155 : memref<1x16xi32, #tpu.memory_space<vmem>> -> memref<16xi32, #tpu.memory_space<vmem>>
      %dma_start3A_157 = arith.constant 0 : i32
      %dma_start3A_158 = arith.constant 0 : i32
      %dma_start3A_159 = tpu.memref_slice %arg11[%dma_start3A_157, %dma_start3A_158] : memref<5120x128xf32, #tpu.memory_space<vmem_shared>> -> memref<5120x128xf32, #tpu.memory_space<vmem_shared>>
      tpu.enqueue_indirect_dma source(%dma_start3A_159 : memref<5120x128xf32, #tpu.memory_space<vmem_shared>>) target(%arg9 : memref<16x128xf32, #tpu.memory_space<vmem>>) offsets(%dma_start3A_156 : memref<16xi32, #tpu.memory_space<vmem>>) semaphore(%arg15 : memref<!tpu.dma_semaphore, #tpu.memory_space<semaphore_mem>>)
      %dma_wait3A_160 = arith.constant 2 : i32
      %dma_wait3A_161 = arith.constant 0 : i32
      %dma_wait3A_162 = tpu.memref_slice %arg6[%dma_wait3A_160, %dma_wait3A_161] : memref<12x16xi32, #tpu.memory_space<vmem>> -> memref<1x16xi32, #tpu.memory_space<vmem>>
      %dma_wait3A_163 = tpu.memref_squeeze %dma_wait3A_162 : memref<1x16xi32, #tpu.memory_space<vmem>> -> memref<16xi32, #tpu.memory_space<vmem>>
      %dma_wait3A_164 = arith.constant 0 : i32
      %dma_wait3A_165 = arith.constant 0 : i32
      %dma_wait3A_166 = tpu.memref_slice %arg11[%dma_wait3A_164, %dma_wait3A_165] : memref<5120x128xf32, #tpu.memory_space<vmem_shared>> -> memref<5120x128xf32, #tpu.memory_space<vmem_shared>>
      tpu.wait_indirect_dma semaphore(%arg14 : memref<!tpu.dma_semaphore, #tpu.memory_space<semaphore_mem>>) src(%dma_wait3A_166 : memref<5120x128xf32, #tpu.memory_space<vmem_shared>>) dst(%arg8 : memref<16x128xf32, #tpu.memory_space<vmem>>)
      %dma_start3A_167 = arith.constant 8 : i32
      %dma_start3A_168 = arith.constant 0 : i32
      %dma_start3A_169 = tpu.memref_slice %arg6[%dma_start3A_167, %dma_start3A_168] : memref<12x16xi32, #tpu.memory_space<vmem>> -> memref<1x16xi32, #tpu.memory_space<vmem>>
      %dma_start3A_170 = tpu.memref_squeeze %dma_start3A_169 : memref<1x16xi32, #tpu.memory_space<vmem>> -> memref<16xi32, #tpu.memory_space<vmem>>
      %dma_start3A_171 = arith.constant 0 : i32
      %dma_start3A_172 = arith.constant 0 : i32
      %dma_start3A_173 = tpu.memref_slice %arg10[%dma_start3A_171, %dma_start3A_172] : memref<10112x128xf32, #tpu.memory_space<vmem_shared>> -> memref<10112x128xf32, #tpu.memory_space<vmem_shared>>
      tpu.enqueue_indirect_dma source(%arg8 : memref<16x128xf32, #tpu.memory_space<vmem>>) target(%dma_start3A_173 : memref<10112x128xf32, #tpu.memory_space<vmem_shared>>) offsets(%dma_start3A_170 : memref<16xi32, #tpu.memory_space<vmem>>) semaphore(%arg16 : memref<!tpu.dma_semaphore, #tpu.memory_space<semaphore_mem>>) {add = true}
      %dma_wait3A_174 = arith.constant 10 : i32
      %dma_wait3A_175 = arith.constant 0 : i32
      %dma_wait3A_176 = tpu.memref_slice %arg6[%dma_wait3A_174, %dma_wait3A_175] : memref<12x16xi32, #tpu.memory_space<vmem>> -> memref<1x16xi32, #tpu.memory_space<vmem>>
      %dma_wait3A_177 = tpu.memref_squeeze %dma_wait3A_176 : memref<1x16xi32, #tpu.memory_space<vmem>> -> memref<16xi32, #tpu.memory_space<vmem>>
      %dma_wait3A_178 = arith.constant 0 : i32
      %dma_wait3A_179 = arith.constant 0 : i32
      %dma_wait3A_180 = tpu.memref_slice %arg10[%dma_wait3A_178, %dma_wait3A_179] : memref<10112x128xf32, #tpu.memory_space<vmem_shared>> -> memref<10112x128xf32, #tpu.memory_space<vmem_shared>>
      tpu.wait_indirect_dma semaphore(%arg16 : memref<!tpu.dma_semaphore, #tpu.memory_space<semaphore_mem>>) src(%arg8 : memref<16x128xf32, #tpu.memory_space<vmem>>) dst(%dma_wait3A_180 : memref<10112x128xf32, #tpu.memory_space<vmem_shared>>)
      %dma_start3A_181 = arith.constant 4 : i32
      %dma_start3A_182 = arith.constant 0 : i32
      %dma_start3A_183 = tpu.memref_slice %arg6[%dma_start3A_181, %dma_start3A_182] : memref<12x16xi32, #tpu.memory_space<vmem>> -> memref<1x16xi32, #tpu.memory_space<vmem>>
      %dma_start3A_184 = tpu.memref_squeeze %dma_start3A_183 : memref<1x16xi32, #tpu.memory_space<vmem>> -> memref<16xi32, #tpu.memory_space<vmem>>
      %dma_start3A_185 = arith.constant 0 : i32
      %dma_start3A_186 = arith.constant 0 : i32
      %dma_start3A_187 = tpu.memref_slice %arg11[%dma_start3A_185, %dma_start3A_186] : memref<5120x128xf32, #tpu.memory_space<vmem_shared>> -> memref<5120x128xf32, #tpu.memory_space<vmem_shared>>
      tpu.enqueue_indirect_dma source(%dma_start3A_187 : memref<5120x128xf32, #tpu.memory_space<vmem_shared>>) target(%arg8 : memref<16x128xf32, #tpu.memory_space<vmem>>) offsets(%dma_start3A_184 : memref<16xi32, #tpu.memory_space<vmem>>) semaphore(%arg14 : memref<!tpu.dma_semaphore, #tpu.memory_space<semaphore_mem>>)
      %dma_wait3A_188 = arith.constant 3 : i32
      %dma_wait3A_189 = arith.constant 0 : i32
      %dma_wait3A_190 = tpu.memref_slice %arg6[%dma_wait3A_188, %dma_wait3A_189] : memref<12x16xi32, #tpu.memory_space<vmem>> -> memref<1x16xi32, #tpu.memory_space<vmem>>
      %dma_wait3A_191 = tpu.memref_squeeze %dma_wait3A_190 : memref<1x16xi32, #tpu.memory_space<vmem>> -> memref<16xi32, #tpu.memory_space<vmem>>
      %dma_wait3A_192 = arith.constant 0 : i32
      %dma_wait3A_193 = arith.constant 0 : i32
      %dma_wait3A_194 = tpu.memref_slice %arg11[%dma_wait3A_192, %dma_wait3A_193] : memref<5120x128xf32, #tpu.memory_space<vmem_shared>> -> memref<5120x128xf32, #tpu.memory_space<vmem_shared>>
      tpu.wait_indirect_dma semaphore(%arg15 : memref<!tpu.dma_semaphore, #tpu.memory_space<semaphore_mem>>) src(%dma_wait3A_194 : memref<5120x128xf32, #tpu.memory_space<vmem_shared>>) dst(%arg9 : memref<16x128xf32, #tpu.memory_space<vmem>>)
      %dma_start3A_195 = arith.constant 9 : i32
      %dma_start3A_196 = arith.constant 0 : i32
      %dma_start3A_197 = tpu.memref_slice %arg6[%dma_start3A_195, %dma_start3A_196] : memref<12x16xi32, #tpu.memory_space<vmem>> -> memref<1x16xi32, #tpu.memory_space<vmem>>
      %dma_start3A_198 = tpu.memref_squeeze %dma_start3A_197 : memref<1x16xi32, #tpu.memory_space<vmem>> -> memref<16xi32, #tpu.memory_space<vmem>>
      %dma_start3A_199 = arith.constant 0 : i32
      %dma_start3A_200 = arith.constant 0 : i32
      %dma_start3A_201 = tpu.memref_slice %arg10[%dma_start3A_199, %dma_start3A_200] : memref<10112x128xf32, #tpu.memory_space<vmem_shared>> -> memref<10112x128xf32, #tpu.memory_space<vmem_shared>>
      tpu.enqueue_indirect_dma source(%arg9 : memref<16x128xf32, #tpu.memory_space<vmem>>) target(%dma_start3A_201 : memref<10112x128xf32, #tpu.memory_space<vmem_shared>>) offsets(%dma_start3A_198 : memref<16xi32, #tpu.memory_space<vmem>>) semaphore(%arg17 : memref<!tpu.dma_semaphore, #tpu.memory_space<semaphore_mem>>) {add = true}
      %dma_wait3A_202 = arith.constant 11 : i32
      %dma_wait3A_203 = arith.constant 0 : i32
      %dma_wait3A_204 = tpu.memref_slice %arg6[%dma_wait3A_202, %dma_wait3A_203] : memref<12x16xi32, #tpu.memory_space<vmem>> -> memref<1x16xi32, #tpu.memory_space<vmem>>
      %dma_wait3A_205 = tpu.memref_squeeze %dma_wait3A_204 : memref<1x16xi32, #tpu.memory_space<vmem>> -> memref<16xi32, #tpu.memory_space<vmem>>
      %dma_wait3A_206 = arith.constant 0 : i32
      %dma_wait3A_207 = arith.constant 0 : i32
      %dma_wait3A_208 = tpu.memref_slice %arg10[%dma_wait3A_206, %dma_wait3A_207] : memref<10112x128xf32, #tpu.memory_space<vmem_shared>> -> memref<10112x128xf32, #tpu.memory_space<vmem_shared>>
      tpu.wait_indirect_dma semaphore(%arg17 : memref<!tpu.dma_semaphore, #tpu.memory_space<semaphore_mem>>) src(%arg9 : memref<16x128xf32, #tpu.memory_space<vmem>>) dst(%dma_wait3A_208 : memref<10112x128xf32, #tpu.memory_space<vmem_shared>>)
      %dma_start3A_209 = arith.constant 5 : i32
      %dma_start3A_210 = arith.constant 0 : i32
      %dma_start3A_211 = tpu.memref_slice %arg6[%dma_start3A_209, %dma_start3A_210] : memref<12x16xi32, #tpu.memory_space<vmem>> -> memref<1x16xi32, #tpu.memory_space<vmem>>
      %dma_start3A_212 = tpu.memref_squeeze %dma_start3A_211 : memref<1x16xi32, #tpu.memory_space<vmem>> -> memref<16xi32, #tpu.memory_space<vmem>>
      %dma_start3A_213 = arith.constant 0 : i32
      %dma_start3A_214 = arith.constant 0 : i32
      %dma_start3A_215 = tpu.memref_slice %arg11[%dma_start3A_213, %dma_start3A_214] : memref<5120x128xf32, #tpu.memory_space<vmem_shared>> -> memref<5120x128xf32, #tpu.memory_space<vmem_shared>>
      tpu.enqueue_indirect_dma source(%dma_start3A_215 : memref<5120x128xf32, #tpu.memory_space<vmem_shared>>) target(%arg9 : memref<16x128xf32, #tpu.memory_space<vmem>>) offsets(%dma_start3A_212 : memref<16xi32, #tpu.memory_space<vmem>>) semaphore(%arg15 : memref<!tpu.dma_semaphore, #tpu.memory_space<semaphore_mem>>)
      %dma_wait3A_216 = arith.constant 4 : i32
      %dma_wait3A_217 = arith.constant 0 : i32
      %dma_wait3A_218 = tpu.memref_slice %arg6[%dma_wait3A_216, %dma_wait3A_217] : memref<12x16xi32, #tpu.memory_space<vmem>> -> memref<1x16xi32, #tpu.memory_space<vmem>>
      %dma_wait3A_219 = tpu.memref_squeeze %dma_wait3A_218 : memref<1x16xi32, #tpu.memory_space<vmem>> -> memref<16xi32, #tpu.memory_space<vmem>>
      %dma_wait3A_220 = arith.constant 0 : i32
      %dma_wait3A_221 = arith.constant 0 : i32
      %dma_wait3A_222 = tpu.memref_slice %arg11[%dma_wait3A_220, %dma_wait3A_221] : memref<5120x128xf32, #tpu.memory_space<vmem_shared>> -> memref<5120x128xf32, #tpu.memory_space<vmem_shared>>
      tpu.wait_indirect_dma semaphore(%arg14 : memref<!tpu.dma_semaphore, #tpu.memory_space<semaphore_mem>>) src(%dma_wait3A_222 : memref<5120x128xf32, #tpu.memory_space<vmem_shared>>) dst(%arg8 : memref<16x128xf32, #tpu.memory_space<vmem>>)
      %dma_start3A_223 = arith.constant 10 : i32
      %dma_start3A_224 = arith.constant 0 : i32
      %dma_start3A_225 = tpu.memref_slice %arg6[%dma_start3A_223, %dma_start3A_224] : memref<12x16xi32, #tpu.memory_space<vmem>> -> memref<1x16xi32, #tpu.memory_space<vmem>>
      %dma_start3A_226 = tpu.memref_squeeze %dma_start3A_225 : memref<1x16xi32, #tpu.memory_space<vmem>> -> memref<16xi32, #tpu.memory_space<vmem>>
      %dma_start3A_227 = arith.constant 0 : i32
      %dma_start3A_228 = arith.constant 0 : i32
      %dma_start3A_229 = tpu.memref_slice %arg10[%dma_start3A_227, %dma_start3A_228] : memref<10112x128xf32, #tpu.memory_space<vmem_shared>> -> memref<10112x128xf32, #tpu.memory_space<vmem_shared>>
      tpu.enqueue_indirect_dma source(%arg8 : memref<16x128xf32, #tpu.memory_space<vmem>>) target(%dma_start3A_229 : memref<10112x128xf32, #tpu.memory_space<vmem_shared>>) offsets(%dma_start3A_226 : memref<16xi32, #tpu.memory_space<vmem>>) semaphore(%arg16 : memref<!tpu.dma_semaphore, #tpu.memory_space<semaphore_mem>>) {add = true}
      %dma_wait3A_230 = arith.constant 5 : i32
      %dma_wait3A_231 = arith.constant 0 : i32
      %dma_wait3A_232 = tpu.memref_slice %arg6[%dma_wait3A_230, %dma_wait3A_231] : memref<12x16xi32, #tpu.memory_space<vmem>> -> memref<1x16xi32, #tpu.memory_space<vmem>>
      %dma_wait3A_233 = tpu.memref_squeeze %dma_wait3A_232 : memref<1x16xi32, #tpu.memory_space<vmem>> -> memref<16xi32, #tpu.memory_space<vmem>>
      %dma_wait3A_234 = arith.constant 0 : i32
      %dma_wait3A_235 = arith.constant 0 : i32
      %dma_wait3A_236 = tpu.memref_slice %arg11[%dma_wait3A_234, %dma_wait3A_235] : memref<5120x128xf32, #tpu.memory_space<vmem_shared>> -> memref<5120x128xf32, #tpu.memory_space<vmem_shared>>
      tpu.wait_indirect_dma semaphore(%arg15 : memref<!tpu.dma_semaphore, #tpu.memory_space<semaphore_mem>>) src(%dma_wait3A_236 : memref<5120x128xf32, #tpu.memory_space<vmem_shared>>) dst(%arg9 : memref<16x128xf32, #tpu.memory_space<vmem>>)
      %dma_start3A_237 = arith.constant 11 : i32
      %dma_start3A_238 = arith.constant 0 : i32
      %dma_start3A_239 = tpu.memref_slice %arg6[%dma_start3A_237, %dma_start3A_238] : memref<12x16xi32, #tpu.memory_space<vmem>> -> memref<1x16xi32, #tpu.memory_space<vmem>>
      %dma_start3A_240 = tpu.memref_squeeze %dma_start3A_239 : memref<1x16xi32, #tpu.memory_space<vmem>> -> memref<16xi32, #tpu.memory_space<vmem>>
      %dma_start3A_241 = arith.constant 0 : i32
      %dma_start3A_242 = arith.constant 0 : i32
      %dma_start3A_243 = tpu.memref_slice %arg10[%dma_start3A_241, %dma_start3A_242] : memref<10112x128xf32, #tpu.memory_space<vmem_shared>> -> memref<10112x128xf32, #tpu.memory_space<vmem_shared>>
      tpu.enqueue_indirect_dma source(%arg9 : memref<16x128xf32, #tpu.memory_space<vmem>>) target(%dma_start3A_243 : memref<10112x128xf32, #tpu.memory_space<vmem_shared>>) offsets(%dma_start3A_240 : memref<16xi32, #tpu.memory_space<vmem>>) semaphore(%arg17 : memref<!tpu.dma_semaphore, #tpu.memory_space<semaphore_mem>>) {add = true}
      %add3A_244 = arith.constant 2 : i32
      %add3A_245 = arith.addi %add3A_66, %add3A_244 : i32
      %lt3A_246 = arith.constant 210 : i32
      %lt3A_247 = arith.cmpi slt, %add3A_245, %lt3A_246 : i32
      %convert_element_type3A_248 = arith.extui %lt3A_247 : i1 to i32
      %cond3A_249 = arith.constant 0 : i32
      %cond3A_250 = arith.cmpi ne, %convert_element_type3A_248, %cond3A_249 : i32
      scf.if %cond3A_250 {
        %add3A_437 = arith.addi %mul3A_12, %add3A_66 : i32
        %add3A_438 = arith.constant 2 : i32
        %add3A_439 = arith.addi %add3A_437, %add3A_438 : i32
        %dma_start3A_440 = arith.constant 0 : i32
        %dma_start3A_441 = arith.constant 0 : i32
        %dma_start3A_442 = tpu.memref_slice %arg3[%add3A_439, %dma_start3A_440, %dma_start3A_441] : memref<6720x12x16xi32, #tpu.memory_space<hbm>> -> memref<1x12x16xi32, #tpu.memory_space<hbm>>
        %dma_start3A_443 = tpu.memref_squeeze %dma_start3A_442 : memref<1x12x16xi32, #tpu.memory_space<hbm>> -> memref<12x16xi32, #tpu.memory_space<hbm>>
        %dma_start3A_444 = arith.constant 0 : i32
        %dma_start3A_445 = arith.constant 0 : i32
        %dma_start3A_446 = tpu.memref_slice %arg3[%add3A_439, %dma_start3A_444, %dma_start3A_445] : memref<6720x12x16xi32, #tpu.memory_space<hbm>> -> memref<1x12x16xi32, #tpu.memory_space<hbm>>
        %dma_start3A_447 = tpu.memref_squeeze %dma_start3A_446 : memref<1x12x16xi32, #tpu.memory_space<hbm>> -> memref<12x16xi32, #tpu.memory_space<hbm>>
        tpu.enqueue_dma source(%dma_start3A_447 : memref<12x16xi32, #tpu.memory_space<hbm>>) target(%arg6 : memref<12x16xi32, #tpu.memory_space<vmem>>) target_semaphore(%arg12 : memref<!tpu.dma_semaphore, #tpu.memory_space<semaphore_mem>>)
      } else {
      }
      %add3A_251 = arith.addi %mul3A_12, %add3A_66 : i32
      %add3A_252 = arith.constant 1 : i32
      %add3A_253 = arith.addi %add3A_251, %add3A_252 : i32
      %dma_wait3A_254 = arith.constant 0 : i32
      %dma_wait3A_255 = arith.constant 0 : i32
      %dma_wait3A_256 = tpu.memref_slice %arg3[%add3A_253, %dma_wait3A_254, %dma_wait3A_255] : memref<6720x12x16xi32, #tpu.memory_space<hbm>> -> memref<1x12x16xi32, #tpu.memory_space<hbm>>
      %dma_wait3A_257 = tpu.memref_squeeze %dma_wait3A_256 : memref<1x12x16xi32, #tpu.memory_space<hbm>> -> memref<12x16xi32, #tpu.memory_space<hbm>>
      %dma_wait3A_258 = arith.constant 0 : i32
      %dma_wait3A_259 = arith.constant 0 : i32
      %dma_wait3A_260 = tpu.memref_slice %arg3[%add3A_253, %dma_wait3A_258, %dma_wait3A_259] : memref<6720x12x16xi32, #tpu.memory_space<hbm>> -> memref<1x12x16xi32, #tpu.memory_space<hbm>>
      %dma_wait3A_261 = tpu.memref_squeeze %dma_wait3A_260 : memref<1x12x16xi32, #tpu.memory_space<hbm>> -> memref<12x16xi32, #tpu.memory_space<hbm>>
      tpu.wait_dma2 semaphore(%arg13 : memref<!tpu.dma_semaphore, #tpu.memory_space<semaphore_mem>>) src(%dma_wait3A_261 : memref<12x16xi32, #tpu.memory_space<hbm>>) dst(%arg7 : memref<12x16xi32, #tpu.memory_space<vmem>>)
      %dma_wait3A_262 = arith.constant 6 : i32
      %dma_wait3A_263 = arith.constant 0 : i32
      %dma_wait3A_264 = tpu.memref_slice %arg7[%dma_wait3A_262, %dma_wait3A_263] : memref<12x16xi32, #tpu.memory_space<vmem>> -> memref<1x16xi32, #tpu.memory_space<vmem>>
      %dma_wait3A_265 = tpu.memref_squeeze %dma_wait3A_264 : memref<1x16xi32, #tpu.memory_space<vmem>> -> memref<16xi32, #tpu.memory_space<vmem>>
      %dma_wait3A_266 = arith.constant 0 : i32
      %dma_wait3A_267 = arith.constant 0 : i32
      %dma_wait3A_268 = tpu.memref_slice %arg10[%dma_wait3A_266, %dma_wait3A_267] : memref<10112x128xf32, #tpu.memory_space<vmem_shared>> -> memref<10112x128xf32, #tpu.memory_space<vmem_shared>>
      tpu.wait_indirect_dma semaphore(%arg16 : memref<!tpu.dma_semaphore, #tpu.memory_space<semaphore_mem>>) src(%arg8 : memref<16x128xf32, #tpu.memory_space<vmem>>) dst(%dma_wait3A_268 : memref<10112x128xf32, #tpu.memory_space<vmem_shared>>)
      %dma_start3A_269 = arith.constant 0 : i32
      %dma_start3A_270 = arith.constant 0 : i32
      %dma_start3A_271 = tpu.memref_slice %arg7[%dma_start3A_269, %dma_start3A_270] : memref<12x16xi32, #tpu.memory_space<vmem>> -> memref<1x16xi32, #tpu.memory_space<vmem>>
      %dma_start3A_272 = tpu.memref_squeeze %dma_start3A_271 : memref<1x16xi32, #tpu.memory_space<vmem>> -> memref<16xi32, #tpu.memory_space<vmem>>
      %dma_start3A_273 = arith.constant 0 : i32
      %dma_start3A_274 = arith.constant 0 : i32
      %dma_start3A_275 = tpu.memref_slice %arg11[%dma_start3A_273, %dma_start3A_274] : memref<5120x128xf32, #tpu.memory_space<vmem_shared>> -> memref<5120x128xf32, #tpu.memory_space<vmem_shared>>
      tpu.enqueue_indirect_dma source(%dma_start3A_275 : memref<5120x128xf32, #tpu.memory_space<vmem_shared>>) target(%arg8 : memref<16x128xf32, #tpu.memory_space<vmem>>) offsets(%dma_start3A_272 : memref<16xi32, #tpu.memory_space<vmem>>) semaphore(%arg14 : memref<!tpu.dma_semaphore, #tpu.memory_space<semaphore_mem>>)
      %dma_wait3A_276 = arith.constant 7 : i32
      %dma_wait3A_277 = arith.constant 0 : i32
      %dma_wait3A_278 = tpu.memref_slice %arg7[%dma_wait3A_276, %dma_wait3A_277] : memref<12x16xi32, #tpu.memory_space<vmem>> -> memref<1x16xi32, #tpu.memory_space<vmem>>
      %dma_wait3A_279 = tpu.memref_squeeze %dma_wait3A_278 : memref<1x16xi32, #tpu.memory_space<vmem>> -> memref<16xi32, #tpu.memory_space<vmem>>
      %dma_wait3A_280 = arith.constant 0 : i32
      %dma_wait3A_281 = arith.constant 0 : i32
      %dma_wait3A_282 = tpu.memref_slice %arg10[%dma_wait3A_280, %dma_wait3A_281] : memref<10112x128xf32, #tpu.memory_space<vmem_shared>> -> memref<10112x128xf32, #tpu.memory_space<vmem_shared>>
      tpu.wait_indirect_dma semaphore(%arg17 : memref<!tpu.dma_semaphore, #tpu.memory_space<semaphore_mem>>) src(%arg9 : memref<16x128xf32, #tpu.memory_space<vmem>>) dst(%dma_wait3A_282 : memref<10112x128xf32, #tpu.memory_space<vmem_shared>>)
      %dma_start3A_283 = arith.constant 1 : i32
      %dma_start3A_284 = arith.constant 0 : i32
      %dma_start3A_285 = tpu.memref_slice %arg7[%dma_start3A_283, %dma_start3A_284] : memref<12x16xi32, #tpu.memory_space<vmem>> -> memref<1x16xi32, #tpu.memory_space<vmem>>
      %dma_start3A_286 = tpu.memref_squeeze %dma_start3A_285 : memref<1x16xi32, #tpu.memory_space<vmem>> -> memref<16xi32, #tpu.memory_space<vmem>>
      %dma_start3A_287 = arith.constant 0 : i32
      %dma_start3A_288 = arith.constant 0 : i32
      %dma_start3A_289 = tpu.memref_slice %arg11[%dma_start3A_287, %dma_start3A_288] : memref<5120x128xf32, #tpu.memory_space<vmem_shared>> -> memref<5120x128xf32, #tpu.memory_space<vmem_shared>>
      tpu.enqueue_indirect_dma source(%dma_start3A_289 : memref<5120x128xf32, #tpu.memory_space<vmem_shared>>) target(%arg9 : memref<16x128xf32, #tpu.memory_space<vmem>>) offsets(%dma_start3A_286 : memref<16xi32, #tpu.memory_space<vmem>>) semaphore(%arg15 : memref<!tpu.dma_semaphore, #tpu.memory_space<semaphore_mem>>)
      %dma_wait3A_290 = arith.constant 0 : i32
      %dma_wait3A_291 = arith.constant 0 : i32
      %dma_wait3A_292 = tpu.memref_slice %arg7[%dma_wait3A_290, %dma_wait3A_291] : memref<12x16xi32, #tpu.memory_space<vmem>> -> memref<1x16xi32, #tpu.memory_space<vmem>>
      %dma_wait3A_293 = tpu.memref_squeeze %dma_wait3A_292 : memref<1x16xi32, #tpu.memory_space<vmem>> -> memref<16xi32, #tpu.memory_space<vmem>>
      %dma_wait3A_294 = arith.constant 0 : i32
      %dma_wait3A_295 = arith.constant 0 : i32
      %dma_wait3A_296 = tpu.memref_slice %arg11[%dma_wait3A_294, %dma_wait3A_295] : memref<5120x128xf32, #tpu.memory_space<vmem_shared>> -> memref<5120x128xf32, #tpu.memory_space<vmem_shared>>
      tpu.wait_indirect_dma semaphore(%arg14 : memref<!tpu.dma_semaphore, #tpu.memory_space<semaphore_mem>>) src(%dma_wait3A_296 : memref<5120x128xf32, #tpu.memory_space<vmem_shared>>) dst(%arg8 : memref<16x128xf32, #tpu.memory_space<vmem>>)
      %dma_start3A_297 = arith.constant 6 : i32
      %dma_start3A_298 = arith.constant 0 : i32
      %dma_start3A_299 = tpu.memref_slice %arg7[%dma_start3A_297, %dma_start3A_298] : memref<12x16xi32, #tpu.memory_space<vmem>> -> memref<1x16xi32, #tpu.memory_space<vmem>>
      %dma_start3A_300 = tpu.memref_squeeze %dma_start3A_299 : memref<1x16xi32, #tpu.memory_space<vmem>> -> memref<16xi32, #tpu.memory_space<vmem>>
      %dma_start3A_301 = arith.constant 0 : i32
      %dma_start3A_302 = arith.constant 0 : i32
      %dma_start3A_303 = tpu.memref_slice %arg10[%dma_start3A_301, %dma_start3A_302] : memref<10112x128xf32, #tpu.memory_space<vmem_shared>> -> memref<10112x128xf32, #tpu.memory_space<vmem_shared>>
      tpu.enqueue_indirect_dma source(%arg8 : memref<16x128xf32, #tpu.memory_space<vmem>>) target(%dma_start3A_303 : memref<10112x128xf32, #tpu.memory_space<vmem_shared>>) offsets(%dma_start3A_300 : memref<16xi32, #tpu.memory_space<vmem>>) semaphore(%arg16 : memref<!tpu.dma_semaphore, #tpu.memory_space<semaphore_mem>>) {add = true}
      %dma_wait3A_304 = arith.constant 8 : i32
      %dma_wait3A_305 = arith.constant 0 : i32
      %dma_wait3A_306 = tpu.memref_slice %arg7[%dma_wait3A_304, %dma_wait3A_305] : memref<12x16xi32, #tpu.memory_space<vmem>> -> memref<1x16xi32, #tpu.memory_space<vmem>>
      %dma_wait3A_307 = tpu.memref_squeeze %dma_wait3A_306 : memref<1x16xi32, #tpu.memory_space<vmem>> -> memref<16xi32, #tpu.memory_space<vmem>>
      %dma_wait3A_308 = arith.constant 0 : i32
      %dma_wait3A_309 = arith.constant 0 : i32
      %dma_wait3A_310 = tpu.memref_slice %arg10[%dma_wait3A_308, %dma_wait3A_309] : memref<10112x128xf32, #tpu.memory_space<vmem_shared>> -> memref<10112x128xf32, #tpu.memory_space<vmem_shared>>
      tpu.wait_indirect_dma semaphore(%arg16 : memref<!tpu.dma_semaphore, #tpu.memory_space<semaphore_mem>>) src(%arg8 : memref<16x128xf32, #tpu.memory_space<vmem>>) dst(%dma_wait3A_310 : memref<10112x128xf32, #tpu.memory_space<vmem_shared>>)
      %dma_start3A_311 = arith.constant 2 : i32
      %dma_start3A_312 = arith.constant 0 : i32
      %dma_start3A_313 = tpu.memref_slice %arg7[%dma_start3A_311, %dma_start3A_312] : memref<12x16xi32, #tpu.memory_space<vmem>> -> memref<1x16xi32, #tpu.memory_space<vmem>>
      %dma_start3A_314 = tpu.memref_squeeze %dma_start3A_313 : memref<1x16xi32, #tpu.memory_space<vmem>> -> memref<16xi32, #tpu.memory_space<vmem>>
      %dma_start3A_315 = arith.constant 0 : i32
      %dma_start3A_316 = arith.constant 0 : i32
      %dma_start3A_317 = tpu.memref_slice %arg11[%dma_start3A_315, %dma_start3A_316] : memref<5120x128xf32, #tpu.memory_space<vmem_shared>> -> memref<5120x128xf32, #tpu.memory_space<vmem_shared>>
      tpu.enqueue_indirect_dma source(%dma_start3A_317 : memref<5120x128xf32, #tpu.memory_space<vmem_shared>>) target(%arg8 : memref<16x128xf32, #tpu.memory_space<vmem>>) offsets(%dma_start3A_314 : memref<16xi32, #tpu.memory_space<vmem>>) semaphore(%arg14 : memref<!tpu.dma_semaphore, #tpu.memory_space<semaphore_mem>>)
      %dma_wait3A_318 = arith.constant 1 : i32
      %dma_wait3A_319 = arith.constant 0 : i32
      %dma_wait3A_320 = tpu.memref_slice %arg7[%dma_wait3A_318, %dma_wait3A_319] : memref<12x16xi32, #tpu.memory_space<vmem>> -> memref<1x16xi32, #tpu.memory_space<vmem>>
      %dma_wait3A_321 = tpu.memref_squeeze %dma_wait3A_320 : memref<1x16xi32, #tpu.memory_space<vmem>> -> memref<16xi32, #tpu.memory_space<vmem>>
      %dma_wait3A_322 = arith.constant 0 : i32
      %dma_wait3A_323 = arith.constant 0 : i32
      %dma_wait3A_324 = tpu.memref_slice %arg11[%dma_wait3A_322, %dma_wait3A_323] : memref<5120x128xf32, #tpu.memory_space<vmem_shared>> -> memref<5120x128xf32, #tpu.memory_space<vmem_shared>>
      tpu.wait_indirect_dma semaphore(%arg15 : memref<!tpu.dma_semaphore, #tpu.memory_space<semaphore_mem>>) src(%dma_wait3A_324 : memref<5120x128xf32, #tpu.memory_space<vmem_shared>>) dst(%arg9 : memref<16x128xf32, #tpu.memory_space<vmem>>)
      %dma_start3A_325 = arith.constant 7 : i32
      %dma_start3A_326 = arith.constant 0 : i32
      %dma_start3A_327 = tpu.memref_slice %arg7[%dma_start3A_325, %dma_start3A_326] : memref<12x16xi32, #tpu.memory_space<vmem>> -> memref<1x16xi32, #tpu.memory_space<vmem>>
      %dma_start3A_328 = tpu.memref_squeeze %dma_start3A_327 : memref<1x16xi32, #tpu.memory_space<vmem>> -> memref<16xi32, #tpu.memory_space<vmem>>
      %dma_start3A_329 = arith.constant 0 : i32
      %dma_start3A_330 = arith.constant 0 : i32
      %dma_start3A_331 = tpu.memref_slice %arg10[%dma_start3A_329, %dma_start3A_330] : memref<10112x128xf32, #tpu.memory_space<vmem_shared>> -> memref<10112x128xf32, #tpu.memory_space<vmem_shared>>
      tpu.enqueue_indirect_dma source(%arg9 : memref<16x128xf32, #tpu.memory_space<vmem>>) target(%dma_start3A_331 : memref<10112x128xf32, #tpu.memory_space<vmem_shared>>) offsets(%dma_start3A_328 : memref<16xi32, #tpu.memory_space<vmem>>) semaphore(%arg17 : memref<!tpu.dma_semaphore, #tpu.memory_space<semaphore_mem>>) {add = true}
      %dma_wait3A_332 = arith.constant 9 : i32
      %dma_wait3A_333 = arith.constant 0 : i32
      %dma_wait3A_334 = tpu.memref_slice %arg7[%dma_wait3A_332, %dma_wait3A_333] : memref<12x16xi32, #tpu.memory_space<vmem>> -> memref<1x16xi32, #tpu.memory_space<vmem>>
      %dma_wait3A_335 = tpu.memref_squeeze %dma_wait3A_334 : memref<1x16xi32, #tpu.memory_space<vmem>> -> memref<16xi32, #tpu.memory_space<vmem>>
      %dma_wait3A_336 = arith.constant 0 : i32
      %dma_wait3A_337 = arith.constant 0 : i32
      %dma_wait3A_338 = tpu.memref_slice %arg10[%dma_wait3A_336, %dma_wait3A_337] : memref<10112x128xf32, #tpu.memory_space<vmem_shared>> -> memref<10112x128xf32, #tpu.memory_space<vmem_shared>>
      tpu.wait_indirect_dma semaphore(%arg17 : memref<!tpu.dma_semaphore, #tpu.memory_space<semaphore_mem>>) src(%arg9 : memref<16x128xf32, #tpu.memory_space<vmem>>) dst(%dma_wait3A_338 : memref<10112x128xf32, #tpu.memory_space<vmem_shared>>)
      %dma_start3A_339 = arith.constant 3 : i32
      %dma_start3A_340 = arith.constant 0 : i32
      %dma_start3A_341 = tpu.memref_slice %arg7[%dma_start3A_339, %dma_start3A_340] : memref<12x16xi32, #tpu.memory_space<vmem>> -> memref<1x16xi32, #tpu.memory_space<vmem>>
      %dma_start3A_342 = tpu.memref_squeeze %dma_start3A_341 : memref<1x16xi32, #tpu.memory_space<vmem>> -> memref<16xi32, #tpu.memory_space<vmem>>
      %dma_start3A_343 = arith.constant 0 : i32
      %dma_start3A_344 = arith.constant 0 : i32
      %dma_start3A_345 = tpu.memref_slice %arg11[%dma_start3A_343, %dma_start3A_344] : memref<5120x128xf32, #tpu.memory_space<vmem_shared>> -> memref<5120x128xf32, #tpu.memory_space<vmem_shared>>
      tpu.enqueue_indirect_dma source(%dma_start3A_345 : memref<5120x128xf32, #tpu.memory_space<vmem_shared>>) target(%arg9 : memref<16x128xf32, #tpu.memory_space<vmem>>) offsets(%dma_start3A_342 : memref<16xi32, #tpu.memory_space<vmem>>) semaphore(%arg15 : memref<!tpu.dma_semaphore, #tpu.memory_space<semaphore_mem>>)
      %dma_wait3A_346 = arith.constant 2 : i32
      %dma_wait3A_347 = arith.constant 0 : i32
      %dma_wait3A_348 = tpu.memref_slice %arg7[%dma_wait3A_346, %dma_wait3A_347] : memref<12x16xi32, #tpu.memory_space<vmem>> -> memref<1x16xi32, #tpu.memory_space<vmem>>
      %dma_wait3A_349 = tpu.memref_squeeze %dma_wait3A_348 : memref<1x16xi32, #tpu.memory_space<vmem>> -> memref<16xi32, #tpu.memory_space<vmem>>
      %dma_wait3A_350 = arith.constant 0 : i32
      %dma_wait3A_351 = arith.constant 0 : i32
      %dma_wait3A_352 = tpu.memref_slice %arg11[%dma_wait3A_350, %dma_wait3A_351] : memref<5120x128xf32, #tpu.memory_space<vmem_shared>> -> memref<5120x128xf32, #tpu.memory_space<vmem_shared>>
      tpu.wait_indirect_dma semaphore(%arg14 : memref<!tpu.dma_semaphore, #tpu.memory_space<semaphore_mem>>) src(%dma_wait3A_352 : memref<5120x128xf32, #tpu.memory_space<vmem_shared>>) dst(%arg8 : memref<16x128xf32, #tpu.memory_space<vmem>>)
      %dma_start3A_353 = arith.constant 8 : i32
      %dma_start3A_354 = arith.constant 0 : i32
      %dma_start3A_355 = tpu.memref_slice %arg7[%dma_start3A_353, %dma_start3A_354] : memref<12x16xi32, #tpu.memory_space<vmem>> -> memref<1x16xi32, #tpu.memory_space<vmem>>
      %dma_start3A_356 = tpu.memref_squeeze %dma_start3A_355 : memref<1x16xi32, #tpu.memory_space<vmem>> -> memref<16xi32, #tpu.memory_space<vmem>>
      %dma_start3A_357 = arith.constant 0 : i32
      %dma_start3A_358 = arith.constant 0 : i32
      %dma_start3A_359 = tpu.memref_slice %arg10[%dma_start3A_357, %dma_start3A_358] : memref<10112x128xf32, #tpu.memory_space<vmem_shared>> -> memref<10112x128xf32, #tpu.memory_space<vmem_shared>>
      tpu.enqueue_indirect_dma source(%arg8 : memref<16x128xf32, #tpu.memory_space<vmem>>) target(%dma_start3A_359 : memref<10112x128xf32, #tpu.memory_space<vmem_shared>>) offsets(%dma_start3A_356 : memref<16xi32, #tpu.memory_space<vmem>>) semaphore(%arg16 : memref<!tpu.dma_semaphore, #tpu.memory_space<semaphore_mem>>) {add = true}
      %dma_wait3A_360 = arith.constant 10 : i32
      %dma_wait3A_361 = arith.constant 0 : i32
      %dma_wait3A_362 = tpu.memref_slice %arg7[%dma_wait3A_360, %dma_wait3A_361] : memref<12x16xi32, #tpu.memory_space<vmem>> -> memref<1x16xi32, #tpu.memory_space<vmem>>
      %dma_wait3A_363 = tpu.memref_squeeze %dma_wait3A_362 : memref<1x16xi32, #tpu.memory_space<vmem>> -> memref<16xi32, #tpu.memory_space<vmem>>
      %dma_wait3A_364 = arith.constant 0 : i32
      %dma_wait3A_365 = arith.constant 0 : i32
      %dma_wait3A_366 = tpu.memref_slice %arg10[%dma_wait3A_364, %dma_wait3A_365] : memref<10112x128xf32, #tpu.memory_space<vmem_shared>> -> memref<10112x128xf32, #tpu.memory_space<vmem_shared>>
      tpu.wait_indirect_dma semaphore(%arg16 : memref<!tpu.dma_semaphore, #tpu.memory_space<semaphore_mem>>) src(%arg8 : memref<16x128xf32, #tpu.memory_space<vmem>>) dst(%dma_wait3A_366 : memref<10112x128xf32, #tpu.memory_space<vmem_shared>>)
      %dma_start3A_367 = arith.constant 4 : i32
      %dma_start3A_368 = arith.constant 0 : i32
      %dma_start3A_369 = tpu.memref_slice %arg7[%dma_start3A_367, %dma_start3A_368] : memref<12x16xi32, #tpu.memory_space<vmem>> -> memref<1x16xi32, #tpu.memory_space<vmem>>
      %dma_start3A_370 = tpu.memref_squeeze %dma_start3A_369 : memref<1x16xi32, #tpu.memory_space<vmem>> -> memref<16xi32, #tpu.memory_space<vmem>>
      %dma_start3A_371 = arith.constant 0 : i32
      %dma_start3A_372 = arith.constant 0 : i32
      %dma_start3A_373 = tpu.memref_slice %arg11[%dma_start3A_371, %dma_start3A_372] : memref<5120x128xf32, #tpu.memory_space<vmem_shared>> -> memref<5120x128xf32, #tpu.memory_space<vmem_shared>>
      tpu.enqueue_indirect_dma source(%dma_start3A_373 : memref<5120x128xf32, #tpu.memory_space<vmem_shared>>) target(%arg8 : memref<16x128xf32, #tpu.memory_space<vmem>>) offsets(%dma_start3A_370 : memref<16xi32, #tpu.memory_space<vmem>>) semaphore(%arg14 : memref<!tpu.dma_semaphore, #tpu.memory_space<semaphore_mem>>)
      %dma_wait3A_374 = arith.constant 3 : i32
      %dma_wait3A_375 = arith.constant 0 : i32
      %dma_wait3A_376 = tpu.memref_slice %arg7[%dma_wait3A_374, %dma_wait3A_375] : memref<12x16xi32, #tpu.memory_space<vmem>> -> memref<1x16xi32, #tpu.memory_space<vmem>>
      %dma_wait3A_377 = tpu.memref_squeeze %dma_wait3A_376 : memref<1x16xi32, #tpu.memory_space<vmem>> -> memref<16xi32, #tpu.memory_space<vmem>>
      %dma_wait3A_378 = arith.constant 0 : i32
      %dma_wait3A_379 = arith.constant 0 : i32
      %dma_wait3A_380 = tpu.memref_slice %arg11[%dma_wait3A_378, %dma_wait3A_379] : memref<5120x128xf32, #tpu.memory_space<vmem_shared>> -> memref<5120x128xf32, #tpu.memory_space<vmem_shared>>
      tpu.wait_indirect_dma semaphore(%arg15 : memref<!tpu.dma_semaphore, #tpu.memory_space<semaphore_mem>>) src(%dma_wait3A_380 : memref<5120x128xf32, #tpu.memory_space<vmem_shared>>) dst(%arg9 : memref<16x128xf32, #tpu.memory_space<vmem>>)
      %dma_start3A_381 = arith.constant 9 : i32
      %dma_start3A_382 = arith.constant 0 : i32
      %dma_start3A_383 = tpu.memref_slice %arg7[%dma_start3A_381, %dma_start3A_382] : memref<12x16xi32, #tpu.memory_space<vmem>> -> memref<1x16xi32, #tpu.memory_space<vmem>>
      %dma_start3A_384 = tpu.memref_squeeze %dma_start3A_383 : memref<1x16xi32, #tpu.memory_space<vmem>> -> memref<16xi32, #tpu.memory_space<vmem>>
      %dma_start3A_385 = arith.constant 0 : i32
      %dma_start3A_386 = arith.constant 0 : i32
      %dma_start3A_387 = tpu.memref_slice %arg10[%dma_start3A_385, %dma_start3A_386] : memref<10112x128xf32, #tpu.memory_space<vmem_shared>> -> memref<10112x128xf32, #tpu.memory_space<vmem_shared>>
      tpu.enqueue_indirect_dma source(%arg9 : memref<16x128xf32, #tpu.memory_space<vmem>>) target(%dma_start3A_387 : memref<10112x128xf32, #tpu.memory_space<vmem_shared>>) offsets(%dma_start3A_384 : memref<16xi32, #tpu.memory_space<vmem>>) semaphore(%arg17 : memref<!tpu.dma_semaphore, #tpu.memory_space<semaphore_mem>>) {add = true}
      %dma_wait3A_388 = arith.constant 11 : i32
      %dma_wait3A_389 = arith.constant 0 : i32
      %dma_wait3A_390 = tpu.memref_slice %arg7[%dma_wait3A_388, %dma_wait3A_389] : memref<12x16xi32, #tpu.memory_space<vmem>> -> memref<1x16xi32, #tpu.memory_space<vmem>>
      %dma_wait3A_391 = tpu.memref_squeeze %dma_wait3A_390 : memref<1x16xi32, #tpu.memory_space<vmem>> -> memref<16xi32, #tpu.memory_space<vmem>>
      %dma_wait3A_392 = arith.constant 0 : i32
      %dma_wait3A_393 = arith.constant 0 : i32
      %dma_wait3A_394 = tpu.memref_slice %arg10[%dma_wait3A_392, %dma_wait3A_393] : memref<10112x128xf32, #tpu.memory_space<vmem_shared>> -> memref<10112x128xf32, #tpu.memory_space<vmem_shared>>
      tpu.wait_indirect_dma semaphore(%arg17 : memref<!tpu.dma_semaphore, #tpu.memory_space<semaphore_mem>>) src(%arg9 : memref<16x128xf32, #tpu.memory_space<vmem>>) dst(%dma_wait3A_394 : memref<10112x128xf32, #tpu.memory_space<vmem_shared>>)
      %dma_start3A_395 = arith.constant 5 : i32
      %dma_start3A_396 = arith.constant 0 : i32
      %dma_start3A_397 = tpu.memref_slice %arg7[%dma_start3A_395, %dma_start3A_396] : memref<12x16xi32, #tpu.memory_space<vmem>> -> memref<1x16xi32, #tpu.memory_space<vmem>>
      %dma_start3A_398 = tpu.memref_squeeze %dma_start3A_397 : memref<1x16xi32, #tpu.memory_space<vmem>> -> memref<16xi32, #tpu.memory_space<vmem>>
      %dma_start3A_399 = arith.constant 0 : i32
      %dma_start3A_400 = arith.constant 0 : i32
      %dma_start3A_401 = tpu.memref_slice %arg11[%dma_start3A_399, %dma_start3A_400] : memref<5120x128xf32, #tpu.memory_space<vmem_shared>> -> memref<5120x128xf32, #tpu.memory_space<vmem_shared>>
      tpu.enqueue_indirect_dma source(%dma_start3A_401 : memref<5120x128xf32, #tpu.memory_space<vmem_shared>>) target(%arg9 : memref<16x128xf32, #tpu.memory_space<vmem>>) offsets(%dma_start3A_398 : memref<16xi32, #tpu.memory_space<vmem>>) semaphore(%arg15 : memref<!tpu.dma_semaphore, #tpu.memory_space<semaphore_mem>>)
      %dma_wait3A_402 = arith.constant 4 : i32
      %dma_wait3A_403 = arith.constant 0 : i32
      %dma_wait3A_404 = tpu.memref_slice %arg7[%dma_wait3A_402, %dma_wait3A_403] : memref<12x16xi32, #tpu.memory_space<vmem>> -> memref<1x16xi32, #tpu.memory_space<vmem>>
      %dma_wait3A_405 = tpu.memref_squeeze %dma_wait3A_404 : memref<1x16xi32, #tpu.memory_space<vmem>> -> memref<16xi32, #tpu.memory_space<vmem>>
      %dma_wait3A_406 = arith.constant 0 : i32
      %dma_wait3A_407 = arith.constant 0 : i32
      %dma_wait3A_408 = tpu.memref_slice %arg11[%dma_wait3A_406, %dma_wait3A_407] : memref<5120x128xf32, #tpu.memory_space<vmem_shared>> -> memref<5120x128xf32, #tpu.memory_space<vmem_shared>>
      tpu.wait_indirect_dma semaphore(%arg14 : memref<!tpu.dma_semaphore, #tpu.memory_space<semaphore_mem>>) src(%dma_wait3A_408 : memref<5120x128xf32, #tpu.memory_space<vmem_shared>>) dst(%arg8 : memref<16x128xf32, #tpu.memory_space<vmem>>)
      %dma_start3A_409 = arith.constant 10 : i32
      %dma_start3A_410 = arith.constant 0 : i32
      %dma_start3A_411 = tpu.memref_slice %arg7[%dma_start3A_409, %dma_start3A_410] : memref<12x16xi32, #tpu.memory_space<vmem>> -> memref<1x16xi32, #tpu.memory_space<vmem>>
      %dma_start3A_412 = tpu.memref_squeeze %dma_start3A_411 : memref<1x16xi32, #tpu.memory_space<vmem>> -> memref<16xi32, #tpu.memory_space<vmem>>
      %dma_start3A_413 = arith.constant 0 : i32
      %dma_start3A_414 = arith.constant 0 : i32
      %dma_start3A_415 = tpu.memref_slice %arg10[%dma_start3A_413, %dma_start3A_414] : memref<10112x128xf32, #tpu.memory_space<vmem_shared>> -> memref<10112x128xf32, #tpu.memory_space<vmem_shared>>
      tpu.enqueue_indirect_dma source(%arg8 : memref<16x128xf32, #tpu.memory_space<vmem>>) target(%dma_start3A_415 : memref<10112x128xf32, #tpu.memory_space<vmem_shared>>) offsets(%dma_start3A_412 : memref<16xi32, #tpu.memory_space<vmem>>) semaphore(%arg16 : memref<!tpu.dma_semaphore, #tpu.memory_space<semaphore_mem>>) {add = true}
      %dma_wait3A_416 = arith.constant 5 : i32
      %dma_wait3A_417 = arith.constant 0 : i32
      %dma_wait3A_418 = tpu.memref_slice %arg7[%dma_wait3A_416, %dma_wait3A_417] : memref<12x16xi32, #tpu.memory_space<vmem>> -> memref<1x16xi32, #tpu.memory_space<vmem>>
      %dma_wait3A_419 = tpu.memref_squeeze %dma_wait3A_418 : memref<1x16xi32, #tpu.memory_space<vmem>> -> memref<16xi32, #tpu.memory_space<vmem>>
      %dma_wait3A_420 = arith.constant 0 : i32
      %dma_wait3A_421 = arith.constant 0 : i32
      %dma_wait3A_422 = tpu.memref_slice %arg11[%dma_wait3A_420, %dma_wait3A_421] : memref<5120x128xf32, #tpu.memory_space<vmem_shared>> -> memref<5120x128xf32, #tpu.memory_space<vmem_shared>>
      tpu.wait_indirect_dma semaphore(%arg15 : memref<!tpu.dma_semaphore, #tpu.memory_space<semaphore_mem>>) src(%dma_wait3A_422 : memref<5120x128xf32, #tpu.memory_space<vmem_shared>>) dst(%arg9 : memref<16x128xf32, #tpu.memory_space<vmem>>)
      %dma_start3A_423 = arith.constant 11 : i32
      %dma_start3A_424 = arith.constant 0 : i32
      %dma_start3A_425 = tpu.memref_slice %arg7[%dma_start3A_423, %dma_start3A_424] : memref<12x16xi32, #tpu.memory_space<vmem>> -> memref<1x16xi32, #tpu.memory_space<vmem>>
      %dma_start3A_426 = tpu.memref_squeeze %dma_start3A_425 : memref<1x16xi32, #tpu.memory_space<vmem>> -> memref<16xi32, #tpu.memory_space<vmem>>
      %dma_start3A_427 = arith.constant 0 : i32
      %dma_start3A_428 = arith.constant 0 : i32
      %dma_start3A_429 = tpu.memref_slice %arg10[%dma_start3A_427, %dma_start3A_428] : memref<10112x128xf32, #tpu.memory_space<vmem_shared>> -> memref<10112x128xf32, #tpu.memory_space<vmem_shared>>
      tpu.enqueue_indirect_dma source(%arg9 : memref<16x128xf32, #tpu.memory_space<vmem>>) target(%dma_start3A_429 : memref<10112x128xf32, #tpu.memory_space<vmem_shared>>) offsets(%dma_start3A_426 : memref<16xi32, #tpu.memory_space<vmem>>) semaphore(%arg17 : memref<!tpu.dma_semaphore, #tpu.memory_space<semaphore_mem>>) {add = true}
      %add3A_430 = arith.constant 3 : i32
      %add3A_431 = arith.addi %add3A_66, %add3A_430 : i32
      %lt3A_432 = arith.constant 210 : i32
      %lt3A_433 = arith.cmpi slt, %add3A_431, %lt3A_432 : i32
      %convert_element_type3A_434 = arith.extui %lt3A_433 : i1 to i32
      %cond3A_435 = arith.constant 0 : i32
      %cond3A_436 = arith.cmpi ne, %convert_element_type3A_434, %cond3A_435 : i32
      scf.if %cond3A_436 {
        %add3A_437 = arith.addi %mul3A_12, %add3A_66 : i32
        %add3A_438 = arith.constant 3 : i32
        %add3A_439 = arith.addi %add3A_437, %add3A_438 : i32
        %dma_start3A_440 = arith.constant 0 : i32
        %dma_start3A_441 = arith.constant 0 : i32
        %dma_start3A_442 = tpu.memref_slice %arg3[%add3A_439, %dma_start3A_440, %dma_start3A_441] : memref<6720x12x16xi32, #tpu.memory_space<hbm>> -> memref<1x12x16xi32, #tpu.memory_space<hbm>>
        %dma_start3A_443 = tpu.memref_squeeze %dma_start3A_442 : memref<1x12x16xi32, #tpu.memory_space<hbm>> -> memref<12x16xi32, #tpu.memory_space<hbm>>
        %dma_start3A_444 = arith.constant 0 : i32
        %dma_start3A_445 = arith.constant 0 : i32
        %dma_start3A_446 = tpu.memref_slice %arg3[%add3A_439, %dma_start3A_444, %dma_start3A_445] : memref<6720x12x16xi32, #tpu.memory_space<hbm>> -> memref<1x12x16xi32, #tpu.memory_space<hbm>>
        %dma_start3A_447 = tpu.memref_squeeze %dma_start3A_446 : memref<1x12x16xi32, #tpu.memory_space<hbm>> -> memref<12x16xi32, #tpu.memory_space<hbm>>
        tpu.enqueue_dma source(%dma_start3A_447 : memref<12x16xi32, #tpu.memory_space<hbm>>) target(%arg7 : memref<12x16xi32, #tpu.memory_space<vmem>>) target_semaphore(%arg13 : memref<!tpu.dma_semaphore, #tpu.memory_space<semaphore_mem>>)
      } else {
      }
    }
    %scan3A_45 = arith.constant 105 : i32
    %dma_wait3A = arith.constant 10096 : i32
    %dma_wait3A_46 = arith.constant 0 : i32
    %dma_wait3A_47 = tpu.memref_slice %arg10[%dma_wait3A, %dma_wait3A_46] : memref<10112x128xf32, #tpu.memory_space<vmem_shared>> -> memref<16x128xf32, #tpu.memory_space<vmem_shared>>
    %dma_wait3A_48 = arith.constant 10096 : i32
    %dma_wait3A_49 = arith.constant 0 : i32
    %dma_wait3A_50 = tpu.memref_slice %arg10[%dma_wait3A_48, %dma_wait3A_49] : memref<10112x128xf32, #tpu.memory_space<vmem_shared>> -> memref<16x128xf32, #tpu.memory_space<vmem_shared>>
    tpu.wait_dma2 semaphore(%arg16 : memref<!tpu.dma_semaphore, #tpu.memory_space<semaphore_mem>>) src(%arg8 : memref<16x128xf32, #tpu.memory_space<vmem>>) dst(%dma_wait3A_50 : memref<16x128xf32, #tpu.memory_space<vmem_shared>>)
    %dma_wait3A_51 = arith.constant 10096 : i32
    %dma_wait3A_52 = arith.constant 0 : i32
    %dma_wait3A_53 = tpu.memref_slice %arg10[%dma_wait3A_51, %dma_wait3A_52] : memref<10112x128xf32, #tpu.memory_space<vmem_shared>> -> memref<16x128xf32, #tpu.memory_space<vmem_shared>>
    %dma_wait3A_54 = arith.constant 10096 : i32
    %dma_wait3A_55 = arith.constant 0 : i32
    %dma_wait3A_56 = tpu.memref_slice %arg10[%dma_wait3A_54, %dma_wait3A_55] : memref<10112x128xf32, #tpu.memory_space<vmem_shared>> -> memref<16x128xf32, #tpu.memory_space<vmem_shared>>
    tpu.wait_dma2 semaphore(%arg17 : memref<!tpu.dma_semaphore, #tpu.memory_space<semaphore_mem>>) src(%arg9 : memref<16x128xf32, #tpu.memory_space<vmem>>) dst(%dma_wait3A_56 : memref<16x128xf32, #tpu.memory_space<vmem_shared>>)
    %barrier3A_57 = arith.constant 0 : index
    tpu.barrier barrier_id(%barrier3A_57)
    %mul3A_58 = arith.constant 632 : i32
    %mul3A_59 = arith.muli %arg1, %mul3A_58 : i32
    %mul3A_60 = arith.constant 632 : i32
    %mul3A_61 = arith.muli %arg1, %mul3A_60 : i32
    "tpu.region"() ({
      %run_scoped3A = tpu.sem_alloc : memref<!tpu.dma_semaphore, #tpu.memory_space<semaphore_mem>>
      %dma_start3A_62 = arith.constant 0 : i32
      %dma_start3A_63 = arith.constant 0 : i32
      %dma_start3A_64 = tpu.memref_slice %arg5[%arg0, %dma_start3A_62, %dma_start3A_63] : memref<2x10112x128xf32, #tpu.memory_space<hbm>> -> memref<1x10112x128xf32, #tpu.memory_space<hbm>>
      %dma_start3A_65 = tpu.memref_squeeze %dma_start3A_64 : memref<1x10112x128xf32, #tpu.memory_space<hbm>> -> memref<10112x128xf32, #tpu.memory_space<hbm>>
      %dma_start3A_66 = arith.constant 0 : i32
      %dma_start3A_67 = tpu.memref_slice %dma_start3A_65[%mul3A_61, %dma_start3A_66] : memref<10112x128xf32, #tpu.memory_space<hbm>> -> memref<632x128xf32, #tpu.memory_space<hbm>>
      %dma_start3A_68 = arith.constant 0 : i32
      %dma_start3A_69 = tpu.memref_slice %arg10[%mul3A_59, %dma_start3A_68] : memref<10112x128xf32, #tpu.memory_space<vmem_shared>> -> memref<632x128xf32, #tpu.memory_space<vmem_shared>>
      tpu.enqueue_dma source(%dma_start3A_69 : memref<632x128xf32, #tpu.memory_space<vmem_shared>>) target(%dma_start3A_67 : memref<632x128xf32, #tpu.memory_space<hbm>>) target_semaphore(%run_scoped3A : memref<!tpu.dma_semaphore, #tpu.memory_space<semaphore_mem>>)
      %dma_wait3A_70 = arith.constant 0 : i32
      %dma_wait3A_71 = arith.constant 0 : i32
      %dma_wait3A_72 = tpu.memref_slice %arg5[%arg0, %dma_wait3A_70, %dma_wait3A_71] : memref<2x10112x128xf32, #tpu.memory_space<hbm>> -> memref<1x10112x128xf32, #tpu.memory_space<hbm>>
      %dma_wait3A_73 = tpu.memref_squeeze %dma_wait3A_72 : memref<1x10112x128xf32, #tpu.memory_space<hbm>> -> memref<10112x128xf32, #tpu.memory_space<hbm>>
      %dma_wait3A_74 = arith.constant 0 : i32
      %dma_wait3A_75 = tpu.memref_slice %dma_wait3A_73[%mul3A_61, %dma_wait3A_74] : memref<10112x128xf32, #tpu.memory_space<hbm>> -> memref<632x128xf32, #tpu.memory_space<hbm>>
      %dma_wait3A_76 = arith.constant 0 : i32
      %dma_wait3A_77 = tpu.memref_slice %arg10[%mul3A_59, %dma_wait3A_76] : memref<10112x128xf32, #tpu.memory_space<vmem_shared>> -> memref<632x128xf32, #tpu.memory_space<vmem_shared>>
      tpu.wait_dma2 semaphore(%run_scoped3A : memref<!tpu.dma_semaphore, #tpu.memory_space<semaphore_mem>>) src(%dma_wait3A_77 : memref<632x128xf32, #tpu.memory_space<vmem_shared>>) dst(%dma_wait3A_75 : memref<632x128xf32, #tpu.memory_space<hbm>>)
      tpu.yield
    }) : () -> ()
    return
  }
}

#map = affine_map<(d0, d1) -> (0, 0)>
#map1 = affine_map<(d0, d1) -> (0, 0, 0)>
module attributes {stable_mosaic.version = 14 : i64} {
  func.func @_sc_agg(%arg0: i32, %arg1: i32, %arg2: memref<10112x128xf32, #tpu.memory_space<hbm>>, %arg3: memref<6720x12x16xi32, #tpu.memory_space<hbm>>, %arg4: memref<10112x128xf32, #tpu.memory_space<hbm>>, %arg5: memref<2x10112x128xf32, #tpu.memory_space<hbm>>, %arg6: memref<12x16xi32, #tpu.memory_space<vmem>>, %arg7: memref<12x16xi32, #tpu.memory_space<vmem>>, %arg8: memref<16x128xf32, #tpu.memory_space<vmem>>, %arg9: memref<16x128xf32, #tpu.memory_space<vmem>>, %arg10: memref<10112x128xf32, #tpu.memory_space<vmem_shared>>, %arg11: memref<5120x128xf32, #tpu.memory_space<vmem_shared>>, %arg12: memref<!tpu.dma_semaphore, #tpu.memory_space<semaphore_mem>>, %arg13: memref<!tpu.dma_semaphore, #tpu.memory_space<semaphore_mem>>, %arg14: memref<!tpu.dma_semaphore, #tpu.memory_space<semaphore_mem>>, %arg15: memref<!tpu.dma_semaphore, #tpu.memory_space<semaphore_mem>>, %arg16: memref<!tpu.dma_semaphore, #tpu.memory_space<semaphore_mem>>, %arg17: memref<!tpu.dma_semaphore, #tpu.memory_space<semaphore_mem>>) attributes {dimension_semantics = [#tpu.dimension_semantics<core_parallel>, #tpu.dimension_semantics<subcore_parallel>], iteration_bounds = array<i64: 2, 16>, scalar_prefetch = 0 : i64, scratch_operands = 12 : i64, tpu.core_type = #tpu.core_type<sc_vector_subcore>, window_params = [{transform_indices = #map}, {transform_indices = #map1}, {transform_indices = #map}, {transform_indices = #map1}]} {
    %mul3A = arith.constant 632 : i32
    %mul3A_0 = arith.muli %arg1, %mul3A : i32
    %mul3A_1 = arith.constant 632 : i32
    %mul3A_2 = arith.muli %arg1, %mul3A_1 : i32
    "tpu.region"() ({
      %run_scoped3A = tpu.sem_alloc : memref<!tpu.dma_semaphore, #tpu.memory_space<semaphore_mem>>
      %dma_start3A_62 = arith.constant 0 : i32
      %dma_start3A_63 = tpu.memref_slice %arg10[%mul3A_2, %dma_start3A_62] : memref<10112x128xf32, #tpu.memory_space<vmem_shared>> -> memref<632x128xf32, #tpu.memory_space<vmem_shared>>
      %dma_start3A_64 = arith.constant 0 : i32
      %dma_start3A_65 = tpu.memref_slice %arg4[%mul3A_0, %dma_start3A_64] : memref<10112x128xf32, #tpu.memory_space<hbm>> -> memref<632x128xf32, #tpu.memory_space<hbm>>
      tpu.enqueue_dma source(%dma_start3A_65 : memref<632x128xf32, #tpu.memory_space<hbm>>) target(%dma_start3A_63 : memref<632x128xf32, #tpu.memory_space<vmem_shared>>) target_semaphore(%run_scoped3A : memref<!tpu.dma_semaphore, #tpu.memory_space<semaphore_mem>>)
      %dma_wait3A_66 = arith.constant 0 : i32
      %dma_wait3A_67 = tpu.memref_slice %arg10[%mul3A_2, %dma_wait3A_66] : memref<10112x128xf32, #tpu.memory_space<vmem_shared>> -> memref<632x128xf32, #tpu.memory_space<vmem_shared>>
      %dma_wait3A_68 = arith.constant 0 : i32
      %dma_wait3A_69 = tpu.memref_slice %arg4[%mul3A_0, %dma_wait3A_68] : memref<10112x128xf32, #tpu.memory_space<hbm>> -> memref<632x128xf32, #tpu.memory_space<hbm>>
      tpu.wait_dma2 semaphore(%run_scoped3A : memref<!tpu.dma_semaphore, #tpu.memory_space<semaphore_mem>>) src(%dma_wait3A_69 : memref<632x128xf32, #tpu.memory_space<hbm>>) dst(%dma_wait3A_67 : memref<632x128xf32, #tpu.memory_space<vmem_shared>>)
      tpu.yield
    }) : () -> ()
    %lt3A = arith.constant 8 : i32
    %lt3A_3 = arith.cmpi slt, %arg1, %lt3A : i32
    %convert_element_type3A = arith.extui %lt3A_3 : i1 to i32
    %cond3A = arith.constant 0 : i32
    %cond3A_4 = arith.cmpi ne, %convert_element_type3A, %cond3A : i32
    scf.if %cond3A_4 {
      %mul3A_62 = arith.constant 5056 : i32
      %mul3A_63 = arith.muli %arg0, %mul3A_62 : i32
      %mul3A_64 = arith.constant 632 : i32
      %mul3A_65 = arith.muli %arg1, %mul3A_64 : i32
      %add3A_66 = arith.addi %mul3A_63, %mul3A_65 : i32
      %mul3A_67 = arith.constant 632 : i32
      %mul3A_68 = arith.muli %arg1, %mul3A_67 : i32
      "tpu.region"() ({
        %run_scoped3A = tpu.sem_alloc : memref<!tpu.dma_semaphore, #tpu.memory_space<semaphore_mem>>
        %dma_start3A_69 = arith.constant 0 : i32
        %dma_start3A_70 = tpu.memref_slice %arg11[%mul3A_68, %dma_start3A_69] : memref<5120x128xf32, #tpu.memory_space<vmem_shared>> -> memref<632x128xf32, #tpu.memory_space<vmem_shared>>
        %dma_start3A_71 = arith.constant 0 : i32
        %dma_start3A_72 = tpu.memref_slice %arg2[%add3A_66, %dma_start3A_71] : memref<10112x128xf32, #tpu.memory_space<hbm>> -> memref<632x128xf32, #tpu.memory_space<hbm>>
        tpu.enqueue_dma source(%dma_start3A_72 : memref<632x128xf32, #tpu.memory_space<hbm>>) target(%dma_start3A_70 : memref<632x128xf32, #tpu.memory_space<vmem_shared>>) target_semaphore(%run_scoped3A : memref<!tpu.dma_semaphore, #tpu.memory_space<semaphore_mem>>)
        %dma_wait3A_73 = arith.constant 0 : i32
        %dma_wait3A_74 = tpu.memref_slice %arg11[%mul3A_68, %dma_wait3A_73] : memref<5120x128xf32, #tpu.memory_space<vmem_shared>> -> memref<632x128xf32, #tpu.memory_space<vmem_shared>>
        %dma_wait3A_75 = arith.constant 0 : i32
        %dma_wait3A_76 = tpu.memref_slice %arg2[%add3A_66, %dma_wait3A_75] : memref<10112x128xf32, #tpu.memory_space<hbm>> -> memref<632x128xf32, #tpu.memory_space<hbm>>
        tpu.wait_dma2 semaphore(%run_scoped3A : memref<!tpu.dma_semaphore, #tpu.memory_space<semaphore_mem>>) src(%dma_wait3A_76 : memref<632x128xf32, #tpu.memory_space<hbm>>) dst(%dma_wait3A_74 : memref<632x128xf32, #tpu.memory_space<vmem_shared>>)
        tpu.yield
      }) : () -> ()
    } else {
    }
    %eq3A = arith.constant 8 : i32
    %eq3A_5 = arith.cmpi eq, %arg1, %eq3A : i32
    %convert_element_type3A_6 = arith.extui %eq3A_5 : i1 to i32
    %cond3A_7 = arith.constant 0 : i32
    %cond3A_8 = arith.cmpi ne, %convert_element_type3A_6, %cond3A_7 : i32
    scf.if %cond3A_8 {
      "tpu.region"() ({
        %run_scoped3A = tpu.sem_alloc : memref<!tpu.dma_semaphore, #tpu.memory_space<semaphore_mem>>
        %dma_start3A_62 = arith.constant 5056 : i32
        %dma_start3A_63 = arith.constant 0 : i32
        %dma_start3A_64 = tpu.memref_slice %arg11[%dma_start3A_62, %dma_start3A_63] : memref<5120x128xf32, #tpu.memory_space<vmem_shared>> -> memref<64x128xf32, #tpu.memory_space<vmem_shared>>
        %dma_start3A_65 = arith.constant 0 : i32
        %dma_start3A_66 = arith.constant 0 : i32
        %dma_start3A_67 = tpu.memref_slice %arg4[%dma_start3A_65, %dma_start3A_66] : memref<10112x128xf32, #tpu.memory_space<hbm>> -> memref<64x128xf32, #tpu.memory_space<hbm>>
        tpu.enqueue_dma source(%dma_start3A_67 : memref<64x128xf32, #tpu.memory_space<hbm>>) target(%dma_start3A_64 : memref<64x128xf32, #tpu.memory_space<vmem_shared>>) target_semaphore(%run_scoped3A : memref<!tpu.dma_semaphore, #tpu.memory_space<semaphore_mem>>)
        %dma_wait3A_68 = arith.constant 5056 : i32
        %dma_wait3A_69 = arith.constant 0 : i32
        %dma_wait3A_70 = tpu.memref_slice %arg11[%dma_wait3A_68, %dma_wait3A_69] : memref<5120x128xf32, #tpu.memory_space<vmem_shared>> -> memref<64x128xf32, #tpu.memory_space<vmem_shared>>
        %dma_wait3A_71 = arith.constant 0 : i32
        %dma_wait3A_72 = arith.constant 0 : i32
        %dma_wait3A_73 = tpu.memref_slice %arg4[%dma_wait3A_71, %dma_wait3A_72] : memref<10112x128xf32, #tpu.memory_space<hbm>> -> memref<64x128xf32, #tpu.memory_space<hbm>>
        tpu.wait_dma2 semaphore(%run_scoped3A : memref<!tpu.dma_semaphore, #tpu.memory_space<semaphore_mem>>) src(%dma_wait3A_73 : memref<64x128xf32, #tpu.memory_space<hbm>>) dst(%dma_wait3A_70 : memref<64x128xf32, #tpu.memory_space<vmem_shared>>)
        tpu.yield
      }) : () -> ()
    } else {
    }
    %barrier3A = arith.constant 0 : index
    tpu.barrier barrier_id(%barrier3A)
    %mul3A_9 = arith.constant 16 : i32
    %mul3A_10 = arith.muli %arg0, %mul3A_9 : i32
    %add3A = arith.addi %mul3A_10, %arg1 : i32
    %mul3A_11 = arith.constant 210 : i32
    %mul3A_12 = arith.muli %add3A, %mul3A_11 : i32
    %dma_start3A = arith.constant 0 : i32
    %dma_start3A_13 = arith.constant 0 : i32
    %dma_start3A_14 = tpu.memref_slice %arg3[%mul3A_12, %dma_start3A, %dma_start3A_13] : memref<6720x12x16xi32, #tpu.memory_space<hbm>> -> memref<1x12x16xi32, #tpu.memory_space<hbm>>
    %dma_start3A_15 = tpu.memref_squeeze %dma_start3A_14 : memref<1x12x16xi32, #tpu.memory_space<hbm>> -> memref<12x16xi32, #tpu.memory_space<hbm>>
    %dma_start3A_16 = arith.constant 0 : i32
    %dma_start3A_17 = arith.constant 0 : i32
    %dma_start3A_18 = tpu.memref_slice %arg3[%mul3A_12, %dma_start3A_16, %dma_start3A_17] : memref<6720x12x16xi32, #tpu.memory_space<hbm>> -> memref<1x12x16xi32, #tpu.memory_space<hbm>>
    %dma_start3A_19 = tpu.memref_squeeze %dma_start3A_18 : memref<1x12x16xi32, #tpu.memory_space<hbm>> -> memref<12x16xi32, #tpu.memory_space<hbm>>
    tpu.enqueue_dma source(%dma_start3A_19 : memref<12x16xi32, #tpu.memory_space<hbm>>) target(%arg6 : memref<12x16xi32, #tpu.memory_space<vmem>>) target_semaphore(%arg12 : memref<!tpu.dma_semaphore, #tpu.memory_space<semaphore_mem>>)
    %add3A_20 = arith.constant 1 : i32
    %add3A_21 = arith.addi %mul3A_12, %add3A_20 : i32
    %dma_start3A_22 = arith.constant 0 : i32
    %dma_start3A_23 = arith.constant 0 : i32
    %dma_start3A_24 = tpu.memref_slice %arg3[%add3A_21, %dma_start3A_22, %dma_start3A_23] : memref<6720x12x16xi32, #tpu.memory_space<hbm>> -> memref<1x12x16xi32, #tpu.memory_space<hbm>>
    %dma_start3A_25 = tpu.memref_squeeze %dma_start3A_24 : memref<1x12x16xi32, #tpu.memory_space<hbm>> -> memref<12x16xi32, #tpu.memory_space<hbm>>
    %dma_start3A_26 = arith.constant 0 : i32
    %dma_start3A_27 = arith.constant 0 : i32
    %dma_start3A_28 = tpu.memref_slice %arg3[%add3A_21, %dma_start3A_26, %dma_start3A_27] : memref<6720x12x16xi32, #tpu.memory_space<hbm>> -> memref<1x12x16xi32, #tpu.memory_space<hbm>>
    %dma_start3A_29 = tpu.memref_squeeze %dma_start3A_28 : memref<1x12x16xi32, #tpu.memory_space<hbm>> -> memref<12x16xi32, #tpu.memory_space<hbm>>
    tpu.enqueue_dma source(%dma_start3A_29 : memref<12x16xi32, #tpu.memory_space<hbm>>) target(%arg7 : memref<12x16xi32, #tpu.memory_space<vmem>>) target_semaphore(%arg13 : memref<!tpu.dma_semaphore, #tpu.memory_space<semaphore_mem>>)
    %dma_start3A_30 = arith.constant 10096 : i32
    %dma_start3A_31 = arith.constant 0 : i32
    %dma_start3A_32 = tpu.memref_slice %arg10[%dma_start3A_30, %dma_start3A_31] : memref<10112x128xf32, #tpu.memory_space<vmem_shared>> -> memref<16x128xf32, #tpu.memory_space<vmem_shared>>
    %dma_start3A_33 = arith.constant 10096 : i32
    %dma_start3A_34 = arith.constant 0 : i32
    %dma_start3A_35 = tpu.memref_slice %arg10[%dma_start3A_33, %dma_start3A_34] : memref<10112x128xf32, #tpu.memory_space<vmem_shared>> -> memref<16x128xf32, #tpu.memory_space<vmem_shared>>
    tpu.enqueue_dma source(%arg8 : memref<16x128xf32, #tpu.memory_space<vmem>>) target(%dma_start3A_35 : memref<16x128xf32, #tpu.memory_space<vmem_shared>>) target_semaphore(%arg16 : memref<!tpu.dma_semaphore, #tpu.memory_space<semaphore_mem>>)
    %dma_start3A_36 = arith.constant 10096 : i32
    %dma_start3A_37 = arith.constant 0 : i32
    %dma_start3A_38 = tpu.memref_slice %arg10[%dma_start3A_36, %dma_start3A_37] : memref<10112x128xf32, #tpu.memory_space<vmem_shared>> -> memref<16x128xf32, #tpu.memory_space<vmem_shared>>
    %dma_start3A_39 = arith.constant 10096 : i32
    %dma_start3A_40 = arith.constant 0 : i32
    %dma_start3A_41 = tpu.memref_slice %arg10[%dma_start3A_39, %dma_start3A_40] : memref<10112x128xf32, #tpu.memory_space<vmem_shared>> -> memref<16x128xf32, #tpu.memory_space<vmem_shared>>
    tpu.enqueue_dma source(%arg9 : memref<16x128xf32, #tpu.memory_space<vmem>>) target(%dma_start3A_41 : memref<16x128xf32, #tpu.memory_space<vmem_shared>>) target_semaphore(%arg17 : memref<!tpu.dma_semaphore, #tpu.memory_space<semaphore_mem>>)
    %scan3A = arith.constant 0 : i32
    %scan3A_42 = arith.constant 105 : i32
    %scan3A_43 = arith.addi %scan3A, %scan3A_42 : i32
    %scan3A_44 = arith.constant 1 : i32
    scf.for %scan3A_62 = %scan3A to %scan3A_43 step %scan3A_44  : i32 {
      %mul3A_63 = arith.constant 2 : i32
      %mul3A_64 = arith.muli %scan3A_62, %mul3A_63 : i32
      %add3A_65 = arith.constant 0 : i32
      %add3A_66 = arith.addi %add3A_65, %mul3A_64 : i32
      %add3A_67 = arith.addi %mul3A_12, %add3A_66 : i32
      %dma_wait3A_68 = arith.constant 0 : i32
      %dma_wait3A_69 = arith.constant 0 : i32
      %dma_wait3A_70 = tpu.memref_slice %arg3[%add3A_67, %dma_wait3A_68, %dma_wait3A_69] : memref<6720x12x16xi32, #tpu.memory_space<hbm>> -> memref<1x12x16xi32, #tpu.memory_space<hbm>>
      %dma_wait3A_71 = tpu.memref_squeeze %dma_wait3A_70 : memref<1x12x16xi32, #tpu.memory_space<hbm>> -> memref<12x16xi32, #tpu.memory_space<hbm>>
      %dma_wait3A_72 = arith.constant 0 : i32
      %dma_wait3A_73 = arith.constant 0 : i32
      %dma_wait3A_74 = tpu.memref_slice %arg3[%add3A_67, %dma_wait3A_72, %dma_wait3A_73] : memref<6720x12x16xi32, #tpu.memory_space<hbm>> -> memref<1x12x16xi32, #tpu.memory_space<hbm>>
      %dma_wait3A_75 = tpu.memref_squeeze %dma_wait3A_74 : memref<1x12x16xi32, #tpu.memory_space<hbm>> -> memref<12x16xi32, #tpu.memory_space<hbm>>
      tpu.wait_dma2 semaphore(%arg12 : memref<!tpu.dma_semaphore, #tpu.memory_space<semaphore_mem>>) src(%dma_wait3A_75 : memref<12x16xi32, #tpu.memory_space<hbm>>) dst(%arg6 : memref<12x16xi32, #tpu.memory_space<vmem>>)
      %dma_wait3A_76 = arith.constant 6 : i32
      %dma_wait3A_77 = arith.constant 0 : i32
      %dma_wait3A_78 = tpu.memref_slice %arg6[%dma_wait3A_76, %dma_wait3A_77] : memref<12x16xi32, #tpu.memory_space<vmem>> -> memref<1x16xi32, #tpu.memory_space<vmem>>
      %dma_wait3A_79 = tpu.memref_squeeze %dma_wait3A_78 : memref<1x16xi32, #tpu.memory_space<vmem>> -> memref<16xi32, #tpu.memory_space<vmem>>
      %dma_wait3A_80 = arith.constant 0 : i32
      %dma_wait3A_81 = arith.constant 0 : i32
      %dma_wait3A_82 = tpu.memref_slice %arg10[%dma_wait3A_80, %dma_wait3A_81] : memref<10112x128xf32, #tpu.memory_space<vmem_shared>> -> memref<10112x128xf32, #tpu.memory_space<vmem_shared>>
      tpu.wait_indirect_dma semaphore(%arg16 : memref<!tpu.dma_semaphore, #tpu.memory_space<semaphore_mem>>) src(%arg8 : memref<16x128xf32, #tpu.memory_space<vmem>>) dst(%dma_wait3A_82 : memref<10112x128xf32, #tpu.memory_space<vmem_shared>>)
      %dma_start3A_83 = arith.constant 0 : i32
      %dma_start3A_84 = arith.constant 0 : i32
      %dma_start3A_85 = tpu.memref_slice %arg6[%dma_start3A_83, %dma_start3A_84] : memref<12x16xi32, #tpu.memory_space<vmem>> -> memref<1x16xi32, #tpu.memory_space<vmem>>
      %dma_start3A_86 = tpu.memref_squeeze %dma_start3A_85 : memref<1x16xi32, #tpu.memory_space<vmem>> -> memref<16xi32, #tpu.memory_space<vmem>>
      %dma_start3A_87 = arith.constant 0 : i32
      %dma_start3A_88 = arith.constant 0 : i32
      %dma_start3A_89 = tpu.memref_slice %arg11[%dma_start3A_87, %dma_start3A_88] : memref<5120x128xf32, #tpu.memory_space<vmem_shared>> -> memref<5120x128xf32, #tpu.memory_space<vmem_shared>>
      tpu.enqueue_indirect_dma source(%dma_start3A_89 : memref<5120x128xf32, #tpu.memory_space<vmem_shared>>) target(%arg8 : memref<16x128xf32, #tpu.memory_space<vmem>>) offsets(%dma_start3A_86 : memref<16xi32, #tpu.memory_space<vmem>>) semaphore(%arg14 : memref<!tpu.dma_semaphore, #tpu.memory_space<semaphore_mem>>)
      %dma_wait3A_90 = arith.constant 7 : i32
      %dma_wait3A_91 = arith.constant 0 : i32
      %dma_wait3A_92 = tpu.memref_slice %arg6[%dma_wait3A_90, %dma_wait3A_91] : memref<12x16xi32, #tpu.memory_space<vmem>> -> memref<1x16xi32, #tpu.memory_space<vmem>>
      %dma_wait3A_93 = tpu.memref_squeeze %dma_wait3A_92 : memref<1x16xi32, #tpu.memory_space<vmem>> -> memref<16xi32, #tpu.memory_space<vmem>>
      %dma_wait3A_94 = arith.constant 0 : i32
      %dma_wait3A_95 = arith.constant 0 : i32
      %dma_wait3A_96 = tpu.memref_slice %arg10[%dma_wait3A_94, %dma_wait3A_95] : memref<10112x128xf32, #tpu.memory_space<vmem_shared>> -> memref<10112x128xf32, #tpu.memory_space<vmem_shared>>
      tpu.wait_indirect_dma semaphore(%arg17 : memref<!tpu.dma_semaphore, #tpu.memory_space<semaphore_mem>>) src(%arg9 : memref<16x128xf32, #tpu.memory_space<vmem>>) dst(%dma_wait3A_96 : memref<10112x128xf32, #tpu.memory_space<vmem_shared>>)
      %dma_start3A_97 = arith.constant 1 : i32
      %dma_start3A_98 = arith.constant 0 : i32
      %dma_start3A_99 = tpu.memref_slice %arg6[%dma_start3A_97, %dma_start3A_98] : memref<12x16xi32, #tpu.memory_space<vmem>> -> memref<1x16xi32, #tpu.memory_space<vmem>>
      %dma_start3A_100 = tpu.memref_squeeze %dma_start3A_99 : memref<1x16xi32, #tpu.memory_space<vmem>> -> memref<16xi32, #tpu.memory_space<vmem>>
      %dma_start3A_101 = arith.constant 0 : i32
      %dma_start3A_102 = arith.constant 0 : i32
      %dma_start3A_103 = tpu.memref_slice %arg11[%dma_start3A_101, %dma_start3A_102] : memref<5120x128xf32, #tpu.memory_space<vmem_shared>> -> memref<5120x128xf32, #tpu.memory_space<vmem_shared>>
      tpu.enqueue_indirect_dma source(%dma_start3A_103 : memref<5120x128xf32, #tpu.memory_space<vmem_shared>>) target(%arg9 : memref<16x128xf32, #tpu.memory_space<vmem>>) offsets(%dma_start3A_100 : memref<16xi32, #tpu.memory_space<vmem>>) semaphore(%arg15 : memref<!tpu.dma_semaphore, #tpu.memory_space<semaphore_mem>>)
      %dma_wait3A_104 = arith.constant 0 : i32
      %dma_wait3A_105 = arith.constant 0 : i32
      %dma_wait3A_106 = tpu.memref_slice %arg6[%dma_wait3A_104, %dma_wait3A_105] : memref<12x16xi32, #tpu.memory_space<vmem>> -> memref<1x16xi32, #tpu.memory_space<vmem>>
      %dma_wait3A_107 = tpu.memref_squeeze %dma_wait3A_106 : memref<1x16xi32, #tpu.memory_space<vmem>> -> memref<16xi32, #tpu.memory_space<vmem>>
      %dma_wait3A_108 = arith.constant 0 : i32
      %dma_wait3A_109 = arith.constant 0 : i32
      %dma_wait3A_110 = tpu.memref_slice %arg11[%dma_wait3A_108, %dma_wait3A_109] : memref<5120x128xf32, #tpu.memory_space<vmem_shared>> -> memref<5120x128xf32, #tpu.memory_space<vmem_shared>>
      tpu.wait_indirect_dma semaphore(%arg14 : memref<!tpu.dma_semaphore, #tpu.memory_space<semaphore_mem>>) src(%dma_wait3A_110 : memref<5120x128xf32, #tpu.memory_space<vmem_shared>>) dst(%arg8 : memref<16x128xf32, #tpu.memory_space<vmem>>)
      %dma_start3A_111 = arith.constant 6 : i32
      %dma_start3A_112 = arith.constant 0 : i32
      %dma_start3A_113 = tpu.memref_slice %arg6[%dma_start3A_111, %dma_start3A_112] : memref<12x16xi32, #tpu.memory_space<vmem>> -> memref<1x16xi32, #tpu.memory_space<vmem>>
      %dma_start3A_114 = tpu.memref_squeeze %dma_start3A_113 : memref<1x16xi32, #tpu.memory_space<vmem>> -> memref<16xi32, #tpu.memory_space<vmem>>
      %dma_start3A_115 = arith.constant 0 : i32
      %dma_start3A_116 = arith.constant 0 : i32
      %dma_start3A_117 = tpu.memref_slice %arg10[%dma_start3A_115, %dma_start3A_116] : memref<10112x128xf32, #tpu.memory_space<vmem_shared>> -> memref<10112x128xf32, #tpu.memory_space<vmem_shared>>
      tpu.enqueue_indirect_dma source(%arg8 : memref<16x128xf32, #tpu.memory_space<vmem>>) target(%dma_start3A_117 : memref<10112x128xf32, #tpu.memory_space<vmem_shared>>) offsets(%dma_start3A_114 : memref<16xi32, #tpu.memory_space<vmem>>) semaphore(%arg16 : memref<!tpu.dma_semaphore, #tpu.memory_space<semaphore_mem>>) {add = true}
      %dma_wait3A_118 = arith.constant 8 : i32
      %dma_wait3A_119 = arith.constant 0 : i32
      %dma_wait3A_120 = tpu.memref_slice %arg6[%dma_wait3A_118, %dma_wait3A_119] : memref<12x16xi32, #tpu.memory_space<vmem>> -> memref<1x16xi32, #tpu.memory_space<vmem>>
      %dma_wait3A_121 = tpu.memref_squeeze %dma_wait3A_120 : memref<1x16xi32, #tpu.memory_space<vmem>> -> memref<16xi32, #tpu.memory_space<vmem>>
      %dma_wait3A_122 = arith.constant 0 : i32
      %dma_wait3A_123 = arith.constant 0 : i32
      %dma_wait3A_124 = tpu.memref_slice %arg10[%dma_wait3A_122, %dma_wait3A_123] : memref<10112x128xf32, #tpu.memory_space<vmem_shared>> -> memref<10112x128xf32, #tpu.memory_space<vmem_shared>>
      tpu.wait_indirect_dma semaphore(%arg16 : memref<!tpu.dma_semaphore, #tpu.memory_space<semaphore_mem>>) src(%arg8 : memref<16x128xf32, #tpu.memory_space<vmem>>) dst(%dma_wait3A_124 : memref<10112x128xf32, #tpu.memory_space<vmem_shared>>)
      %dma_start3A_125 = arith.constant 2 : i32
      %dma_start3A_126 = arith.constant 0 : i32
      %dma_start3A_127 = tpu.memref_slice %arg6[%dma_start3A_125, %dma_start3A_126] : memref<12x16xi32, #tpu.memory_space<vmem>> -> memref<1x16xi32, #tpu.memory_space<vmem>>
      %dma_start3A_128 = tpu.memref_squeeze %dma_start3A_127 : memref<1x16xi32, #tpu.memory_space<vmem>> -> memref<16xi32, #tpu.memory_space<vmem>>
      %dma_start3A_129 = arith.constant 0 : i32
      %dma_start3A_130 = arith.constant 0 : i32
      %dma_start3A_131 = tpu.memref_slice %arg11[%dma_start3A_129, %dma_start3A_130] : memref<5120x128xf32, #tpu.memory_space<vmem_shared>> -> memref<5120x128xf32, #tpu.memory_space<vmem_shared>>
      tpu.enqueue_indirect_dma source(%dma_start3A_131 : memref<5120x128xf32, #tpu.memory_space<vmem_shared>>) target(%arg8 : memref<16x128xf32, #tpu.memory_space<vmem>>) offsets(%dma_start3A_128 : memref<16xi32, #tpu.memory_space<vmem>>) semaphore(%arg14 : memref<!tpu.dma_semaphore, #tpu.memory_space<semaphore_mem>>)
      %dma_wait3A_132 = arith.constant 1 : i32
      %dma_wait3A_133 = arith.constant 0 : i32
      %dma_wait3A_134 = tpu.memref_slice %arg6[%dma_wait3A_132, %dma_wait3A_133] : memref<12x16xi32, #tpu.memory_space<vmem>> -> memref<1x16xi32, #tpu.memory_space<vmem>>
      %dma_wait3A_135 = tpu.memref_squeeze %dma_wait3A_134 : memref<1x16xi32, #tpu.memory_space<vmem>> -> memref<16xi32, #tpu.memory_space<vmem>>
      %dma_wait3A_136 = arith.constant 0 : i32
      %dma_wait3A_137 = arith.constant 0 : i32
      %dma_wait3A_138 = tpu.memref_slice %arg11[%dma_wait3A_136, %dma_wait3A_137] : memref<5120x128xf32, #tpu.memory_space<vmem_shared>> -> memref<5120x128xf32, #tpu.memory_space<vmem_shared>>
      tpu.wait_indirect_dma semaphore(%arg15 : memref<!tpu.dma_semaphore, #tpu.memory_space<semaphore_mem>>) src(%dma_wait3A_138 : memref<5120x128xf32, #tpu.memory_space<vmem_shared>>) dst(%arg9 : memref<16x128xf32, #tpu.memory_space<vmem>>)
      %dma_start3A_139 = arith.constant 7 : i32
      %dma_start3A_140 = arith.constant 0 : i32
      %dma_start3A_141 = tpu.memref_slice %arg6[%dma_start3A_139, %dma_start3A_140] : memref<12x16xi32, #tpu.memory_space<vmem>> -> memref<1x16xi32, #tpu.memory_space<vmem>>
      %dma_start3A_142 = tpu.memref_squeeze %dma_start3A_141 : memref<1x16xi32, #tpu.memory_space<vmem>> -> memref<16xi32, #tpu.memory_space<vmem>>
      %dma_start3A_143 = arith.constant 0 : i32
      %dma_start3A_144 = arith.constant 0 : i32
      %dma_start3A_145 = tpu.memref_slice %arg10[%dma_start3A_143, %dma_start3A_144] : memref<10112x128xf32, #tpu.memory_space<vmem_shared>> -> memref<10112x128xf32, #tpu.memory_space<vmem_shared>>
      tpu.enqueue_indirect_dma source(%arg9 : memref<16x128xf32, #tpu.memory_space<vmem>>) target(%dma_start3A_145 : memref<10112x128xf32, #tpu.memory_space<vmem_shared>>) offsets(%dma_start3A_142 : memref<16xi32, #tpu.memory_space<vmem>>) semaphore(%arg17 : memref<!tpu.dma_semaphore, #tpu.memory_space<semaphore_mem>>) {add = true}
      %dma_wait3A_146 = arith.constant 9 : i32
      %dma_wait3A_147 = arith.constant 0 : i32
      %dma_wait3A_148 = tpu.memref_slice %arg6[%dma_wait3A_146, %dma_wait3A_147] : memref<12x16xi32, #tpu.memory_space<vmem>> -> memref<1x16xi32, #tpu.memory_space<vmem>>
      %dma_wait3A_149 = tpu.memref_squeeze %dma_wait3A_148 : memref<1x16xi32, #tpu.memory_space<vmem>> -> memref<16xi32, #tpu.memory_space<vmem>>
      %dma_wait3A_150 = arith.constant 0 : i32
      %dma_wait3A_151 = arith.constant 0 : i32
      %dma_wait3A_152 = tpu.memref_slice %arg10[%dma_wait3A_150, %dma_wait3A_151] : memref<10112x128xf32, #tpu.memory_space<vmem_shared>> -> memref<10112x128xf32, #tpu.memory_space<vmem_shared>>
      tpu.wait_indirect_dma semaphore(%arg17 : memref<!tpu.dma_semaphore, #tpu.memory_space<semaphore_mem>>) src(%arg9 : memref<16x128xf32, #tpu.memory_space<vmem>>) dst(%dma_wait3A_152 : memref<10112x128xf32, #tpu.memory_space<vmem_shared>>)
      %dma_start3A_153 = arith.constant 3 : i32
      %dma_start3A_154 = arith.constant 0 : i32
      %dma_start3A_155 = tpu.memref_slice %arg6[%dma_start3A_153, %dma_start3A_154] : memref<12x16xi32, #tpu.memory_space<vmem>> -> memref<1x16xi32, #tpu.memory_space<vmem>>
      %dma_start3A_156 = tpu.memref_squeeze %dma_start3A_155 : memref<1x16xi32, #tpu.memory_space<vmem>> -> memref<16xi32, #tpu.memory_space<vmem>>
      %dma_start3A_157 = arith.constant 0 : i32
      %dma_start3A_158 = arith.constant 0 : i32
      %dma_start3A_159 = tpu.memref_slice %arg11[%dma_start3A_157, %dma_start3A_158] : memref<5120x128xf32, #tpu.memory_space<vmem_shared>> -> memref<5120x128xf32, #tpu.memory_space<vmem_shared>>
      tpu.enqueue_indirect_dma source(%dma_start3A_159 : memref<5120x128xf32, #tpu.memory_space<vmem_shared>>) target(%arg9 : memref<16x128xf32, #tpu.memory_space<vmem>>) offsets(%dma_start3A_156 : memref<16xi32, #tpu.memory_space<vmem>>) semaphore(%arg15 : memref<!tpu.dma_semaphore, #tpu.memory_space<semaphore_mem>>)
      %dma_wait3A_160 = arith.constant 2 : i32
      %dma_wait3A_161 = arith.constant 0 : i32
      %dma_wait3A_162 = tpu.memref_slice %arg6[%dma_wait3A_160, %dma_wait3A_161] : memref<12x16xi32, #tpu.memory_space<vmem>> -> memref<1x16xi32, #tpu.memory_space<vmem>>
      %dma_wait3A_163 = tpu.memref_squeeze %dma_wait3A_162 : memref<1x16xi32, #tpu.memory_space<vmem>> -> memref<16xi32, #tpu.memory_space<vmem>>
      %dma_wait3A_164 = arith.constant 0 : i32
      %dma_wait3A_165 = arith.constant 0 : i32
      %dma_wait3A_166 = tpu.memref_slice %arg11[%dma_wait3A_164, %dma_wait3A_165] : memref<5120x128xf32, #tpu.memory_space<vmem_shared>> -> memref<5120x128xf32, #tpu.memory_space<vmem_shared>>
      tpu.wait_indirect_dma semaphore(%arg14 : memref<!tpu.dma_semaphore, #tpu.memory_space<semaphore_mem>>) src(%dma_wait3A_166 : memref<5120x128xf32, #tpu.memory_space<vmem_shared>>) dst(%arg8 : memref<16x128xf32, #tpu.memory_space<vmem>>)
      %dma_start3A_167 = arith.constant 8 : i32
      %dma_start3A_168 = arith.constant 0 : i32
      %dma_start3A_169 = tpu.memref_slice %arg6[%dma_start3A_167, %dma_start3A_168] : memref<12x16xi32, #tpu.memory_space<vmem>> -> memref<1x16xi32, #tpu.memory_space<vmem>>
      %dma_start3A_170 = tpu.memref_squeeze %dma_start3A_169 : memref<1x16xi32, #tpu.memory_space<vmem>> -> memref<16xi32, #tpu.memory_space<vmem>>
      %dma_start3A_171 = arith.constant 0 : i32
      %dma_start3A_172 = arith.constant 0 : i32
      %dma_start3A_173 = tpu.memref_slice %arg10[%dma_start3A_171, %dma_start3A_172] : memref<10112x128xf32, #tpu.memory_space<vmem_shared>> -> memref<10112x128xf32, #tpu.memory_space<vmem_shared>>
      tpu.enqueue_indirect_dma source(%arg8 : memref<16x128xf32, #tpu.memory_space<vmem>>) target(%dma_start3A_173 : memref<10112x128xf32, #tpu.memory_space<vmem_shared>>) offsets(%dma_start3A_170 : memref<16xi32, #tpu.memory_space<vmem>>) semaphore(%arg16 : memref<!tpu.dma_semaphore, #tpu.memory_space<semaphore_mem>>) {add = true}
      %dma_wait3A_174 = arith.constant 10 : i32
      %dma_wait3A_175 = arith.constant 0 : i32
      %dma_wait3A_176 = tpu.memref_slice %arg6[%dma_wait3A_174, %dma_wait3A_175] : memref<12x16xi32, #tpu.memory_space<vmem>> -> memref<1x16xi32, #tpu.memory_space<vmem>>
      %dma_wait3A_177 = tpu.memref_squeeze %dma_wait3A_176 : memref<1x16xi32, #tpu.memory_space<vmem>> -> memref<16xi32, #tpu.memory_space<vmem>>
      %dma_wait3A_178 = arith.constant 0 : i32
      %dma_wait3A_179 = arith.constant 0 : i32
      %dma_wait3A_180 = tpu.memref_slice %arg10[%dma_wait3A_178, %dma_wait3A_179] : memref<10112x128xf32, #tpu.memory_space<vmem_shared>> -> memref<10112x128xf32, #tpu.memory_space<vmem_shared>>
      tpu.wait_indirect_dma semaphore(%arg16 : memref<!tpu.dma_semaphore, #tpu.memory_space<semaphore_mem>>) src(%arg8 : memref<16x128xf32, #tpu.memory_space<vmem>>) dst(%dma_wait3A_180 : memref<10112x128xf32, #tpu.memory_space<vmem_shared>>)
      %dma_start3A_181 = arith.constant 4 : i32
      %dma_start3A_182 = arith.constant 0 : i32
      %dma_start3A_183 = tpu.memref_slice %arg6[%dma_start3A_181, %dma_start3A_182] : memref<12x16xi32, #tpu.memory_space<vmem>> -> memref<1x16xi32, #tpu.memory_space<vmem>>
      %dma_start3A_184 = tpu.memref_squeeze %dma_start3A_183 : memref<1x16xi32, #tpu.memory_space<vmem>> -> memref<16xi32, #tpu.memory_space<vmem>>
      %dma_start3A_185 = arith.constant 0 : i32
      %dma_start3A_186 = arith.constant 0 : i32
      %dma_start3A_187 = tpu.memref_slice %arg11[%dma_start3A_185, %dma_start3A_186] : memref<5120x128xf32, #tpu.memory_space<vmem_shared>> -> memref<5120x128xf32, #tpu.memory_space<vmem_shared>>
      tpu.enqueue_indirect_dma source(%dma_start3A_187 : memref<5120x128xf32, #tpu.memory_space<vmem_shared>>) target(%arg8 : memref<16x128xf32, #tpu.memory_space<vmem>>) offsets(%dma_start3A_184 : memref<16xi32, #tpu.memory_space<vmem>>) semaphore(%arg14 : memref<!tpu.dma_semaphore, #tpu.memory_space<semaphore_mem>>)
      %dma_wait3A_188 = arith.constant 3 : i32
      %dma_wait3A_189 = arith.constant 0 : i32
      %dma_wait3A_190 = tpu.memref_slice %arg6[%dma_wait3A_188, %dma_wait3A_189] : memref<12x16xi32, #tpu.memory_space<vmem>> -> memref<1x16xi32, #tpu.memory_space<vmem>>
      %dma_wait3A_191 = tpu.memref_squeeze %dma_wait3A_190 : memref<1x16xi32, #tpu.memory_space<vmem>> -> memref<16xi32, #tpu.memory_space<vmem>>
      %dma_wait3A_192 = arith.constant 0 : i32
      %dma_wait3A_193 = arith.constant 0 : i32
      %dma_wait3A_194 = tpu.memref_slice %arg11[%dma_wait3A_192, %dma_wait3A_193] : memref<5120x128xf32, #tpu.memory_space<vmem_shared>> -> memref<5120x128xf32, #tpu.memory_space<vmem_shared>>
      tpu.wait_indirect_dma semaphore(%arg15 : memref<!tpu.dma_semaphore, #tpu.memory_space<semaphore_mem>>) src(%dma_wait3A_194 : memref<5120x128xf32, #tpu.memory_space<vmem_shared>>) dst(%arg9 : memref<16x128xf32, #tpu.memory_space<vmem>>)
      %dma_start3A_195 = arith.constant 9 : i32
      %dma_start3A_196 = arith.constant 0 : i32
      %dma_start3A_197 = tpu.memref_slice %arg6[%dma_start3A_195, %dma_start3A_196] : memref<12x16xi32, #tpu.memory_space<vmem>> -> memref<1x16xi32, #tpu.memory_space<vmem>>
      %dma_start3A_198 = tpu.memref_squeeze %dma_start3A_197 : memref<1x16xi32, #tpu.memory_space<vmem>> -> memref<16xi32, #tpu.memory_space<vmem>>
      %dma_start3A_199 = arith.constant 0 : i32
      %dma_start3A_200 = arith.constant 0 : i32
      %dma_start3A_201 = tpu.memref_slice %arg10[%dma_start3A_199, %dma_start3A_200] : memref<10112x128xf32, #tpu.memory_space<vmem_shared>> -> memref<10112x128xf32, #tpu.memory_space<vmem_shared>>
      tpu.enqueue_indirect_dma source(%arg9 : memref<16x128xf32, #tpu.memory_space<vmem>>) target(%dma_start3A_201 : memref<10112x128xf32, #tpu.memory_space<vmem_shared>>) offsets(%dma_start3A_198 : memref<16xi32, #tpu.memory_space<vmem>>) semaphore(%arg17 : memref<!tpu.dma_semaphore, #tpu.memory_space<semaphore_mem>>) {add = true}
      %dma_wait3A_202 = arith.constant 11 : i32
      %dma_wait3A_203 = arith.constant 0 : i32
      %dma_wait3A_204 = tpu.memref_slice %arg6[%dma_wait3A_202, %dma_wait3A_203] : memref<12x16xi32, #tpu.memory_space<vmem>> -> memref<1x16xi32, #tpu.memory_space<vmem>>
      %dma_wait3A_205 = tpu.memref_squeeze %dma_wait3A_204 : memref<1x16xi32, #tpu.memory_space<vmem>> -> memref<16xi32, #tpu.memory_space<vmem>>
      %dma_wait3A_206 = arith.constant 0 : i32
      %dma_wait3A_207 = arith.constant 0 : i32
      %dma_wait3A_208 = tpu.memref_slice %arg10[%dma_wait3A_206, %dma_wait3A_207] : memref<10112x128xf32, #tpu.memory_space<vmem_shared>> -> memref<10112x128xf32, #tpu.memory_space<vmem_shared>>
      tpu.wait_indirect_dma semaphore(%arg17 : memref<!tpu.dma_semaphore, #tpu.memory_space<semaphore_mem>>) src(%arg9 : memref<16x128xf32, #tpu.memory_space<vmem>>) dst(%dma_wait3A_208 : memref<10112x128xf32, #tpu.memory_space<vmem_shared>>)
      %dma_start3A_209 = arith.constant 5 : i32
      %dma_start3A_210 = arith.constant 0 : i32
      %dma_start3A_211 = tpu.memref_slice %arg6[%dma_start3A_209, %dma_start3A_210] : memref<12x16xi32, #tpu.memory_space<vmem>> -> memref<1x16xi32, #tpu.memory_space<vmem>>
      %dma_start3A_212 = tpu.memref_squeeze %dma_start3A_211 : memref<1x16xi32, #tpu.memory_space<vmem>> -> memref<16xi32, #tpu.memory_space<vmem>>
      %dma_start3A_213 = arith.constant 0 : i32
      %dma_start3A_214 = arith.constant 0 : i32
      %dma_start3A_215 = tpu.memref_slice %arg11[%dma_start3A_213, %dma_start3A_214] : memref<5120x128xf32, #tpu.memory_space<vmem_shared>> -> memref<5120x128xf32, #tpu.memory_space<vmem_shared>>
      tpu.enqueue_indirect_dma source(%dma_start3A_215 : memref<5120x128xf32, #tpu.memory_space<vmem_shared>>) target(%arg9 : memref<16x128xf32, #tpu.memory_space<vmem>>) offsets(%dma_start3A_212 : memref<16xi32, #tpu.memory_space<vmem>>) semaphore(%arg15 : memref<!tpu.dma_semaphore, #tpu.memory_space<semaphore_mem>>)
      %dma_wait3A_216 = arith.constant 4 : i32
      %dma_wait3A_217 = arith.constant 0 : i32
      %dma_wait3A_218 = tpu.memref_slice %arg6[%dma_wait3A_216, %dma_wait3A_217] : memref<12x16xi32, #tpu.memory_space<vmem>> -> memref<1x16xi32, #tpu.memory_space<vmem>>
      %dma_wait3A_219 = tpu.memref_squeeze %dma_wait3A_218 : memref<1x16xi32, #tpu.memory_space<vmem>> -> memref<16xi32, #tpu.memory_space<vmem>>
      %dma_wait3A_220 = arith.constant 0 : i32
      %dma_wait3A_221 = arith.constant 0 : i32
      %dma_wait3A_222 = tpu.memref_slice %arg11[%dma_wait3A_220, %dma_wait3A_221] : memref<5120x128xf32, #tpu.memory_space<vmem_shared>> -> memref<5120x128xf32, #tpu.memory_space<vmem_shared>>
      tpu.wait_indirect_dma semaphore(%arg14 : memref<!tpu.dma_semaphore, #tpu.memory_space<semaphore_mem>>) src(%dma_wait3A_222 : memref<5120x128xf32, #tpu.memory_space<vmem_shared>>) dst(%arg8 : memref<16x128xf32, #tpu.memory_space<vmem>>)
      %dma_start3A_223 = arith.constant 10 : i32
      %dma_start3A_224 = arith.constant 0 : i32
      %dma_start3A_225 = tpu.memref_slice %arg6[%dma_start3A_223, %dma_start3A_224] : memref<12x16xi32, #tpu.memory_space<vmem>> -> memref<1x16xi32, #tpu.memory_space<vmem>>
      %dma_start3A_226 = tpu.memref_squeeze %dma_start3A_225 : memref<1x16xi32, #tpu.memory_space<vmem>> -> memref<16xi32, #tpu.memory_space<vmem>>
      %dma_start3A_227 = arith.constant 0 : i32
      %dma_start3A_228 = arith.constant 0 : i32
      %dma_start3A_229 = tpu.memref_slice %arg10[%dma_start3A_227, %dma_start3A_228] : memref<10112x128xf32, #tpu.memory_space<vmem_shared>> -> memref<10112x128xf32, #tpu.memory_space<vmem_shared>>
      tpu.enqueue_indirect_dma source(%arg8 : memref<16x128xf32, #tpu.memory_space<vmem>>) target(%dma_start3A_229 : memref<10112x128xf32, #tpu.memory_space<vmem_shared>>) offsets(%dma_start3A_226 : memref<16xi32, #tpu.memory_space<vmem>>) semaphore(%arg16 : memref<!tpu.dma_semaphore, #tpu.memory_space<semaphore_mem>>) {add = true}
      %dma_wait3A_230 = arith.constant 5 : i32
      %dma_wait3A_231 = arith.constant 0 : i32
      %dma_wait3A_232 = tpu.memref_slice %arg6[%dma_wait3A_230, %dma_wait3A_231] : memref<12x16xi32, #tpu.memory_space<vmem>> -> memref<1x16xi32, #tpu.memory_space<vmem>>
      %dma_wait3A_233 = tpu.memref_squeeze %dma_wait3A_232 : memref<1x16xi32, #tpu.memory_space<vmem>> -> memref<16xi32, #tpu.memory_space<vmem>>
      %dma_wait3A_234 = arith.constant 0 : i32
      %dma_wait3A_235 = arith.constant 0 : i32
      %dma_wait3A_236 = tpu.memref_slice %arg11[%dma_wait3A_234, %dma_wait3A_235] : memref<5120x128xf32, #tpu.memory_space<vmem_shared>> -> memref<5120x128xf32, #tpu.memory_space<vmem_shared>>
      tpu.wait_indirect_dma semaphore(%arg15 : memref<!tpu.dma_semaphore, #tpu.memory_space<semaphore_mem>>) src(%dma_wait3A_236 : memref<5120x128xf32, #tpu.memory_space<vmem_shared>>) dst(%arg9 : memref<16x128xf32, #tpu.memory_space<vmem>>)
      %dma_start3A_237 = arith.constant 11 : i32
      %dma_start3A_238 = arith.constant 0 : i32
      %dma_start3A_239 = tpu.memref_slice %arg6[%dma_start3A_237, %dma_start3A_238] : memref<12x16xi32, #tpu.memory_space<vmem>> -> memref<1x16xi32, #tpu.memory_space<vmem>>
      %dma_start3A_240 = tpu.memref_squeeze %dma_start3A_239 : memref<1x16xi32, #tpu.memory_space<vmem>> -> memref<16xi32, #tpu.memory_space<vmem>>
      %dma_start3A_241 = arith.constant 0 : i32
      %dma_start3A_242 = arith.constant 0 : i32
      %dma_start3A_243 = tpu.memref_slice %arg10[%dma_start3A_241, %dma_start3A_242] : memref<10112x128xf32, #tpu.memory_space<vmem_shared>> -> memref<10112x128xf32, #tpu.memory_space<vmem_shared>>
      tpu.enqueue_indirect_dma source(%arg9 : memref<16x128xf32, #tpu.memory_space<vmem>>) target(%dma_start3A_243 : memref<10112x128xf32, #tpu.memory_space<vmem_shared>>) offsets(%dma_start3A_240 : memref<16xi32, #tpu.memory_space<vmem>>) semaphore(%arg17 : memref<!tpu.dma_semaphore, #tpu.memory_space<semaphore_mem>>) {add = true}
      %add3A_244 = arith.constant 2 : i32
      %add3A_245 = arith.addi %add3A_66, %add3A_244 : i32
      %lt3A_246 = arith.constant 210 : i32
      %lt3A_247 = arith.cmpi slt, %add3A_245, %lt3A_246 : i32
      %convert_element_type3A_248 = arith.extui %lt3A_247 : i1 to i32
      %cond3A_249 = arith.constant 0 : i32
      %cond3A_250 = arith.cmpi ne, %convert_element_type3A_248, %cond3A_249 : i32
      scf.if %cond3A_250 {
        %add3A_437 = arith.addi %mul3A_12, %add3A_66 : i32
        %add3A_438 = arith.constant 2 : i32
        %add3A_439 = arith.addi %add3A_437, %add3A_438 : i32
        %dma_start3A_440 = arith.constant 0 : i32
        %dma_start3A_441 = arith.constant 0 : i32
        %dma_start3A_442 = tpu.memref_slice %arg3[%add3A_439, %dma_start3A_440, %dma_start3A_441] : memref<6720x12x16xi32, #tpu.memory_space<hbm>> -> memref<1x12x16xi32, #tpu.memory_space<hbm>>
        %dma_start3A_443 = tpu.memref_squeeze %dma_start3A_442 : memref<1x12x16xi32, #tpu.memory_space<hbm>> -> memref<12x16xi32, #tpu.memory_space<hbm>>
        %dma_start3A_444 = arith.constant 0 : i32
        %dma_start3A_445 = arith.constant 0 : i32
        %dma_start3A_446 = tpu.memref_slice %arg3[%add3A_439, %dma_start3A_444, %dma_start3A_445] : memref<6720x12x16xi32, #tpu.memory_space<hbm>> -> memref<1x12x16xi32, #tpu.memory_space<hbm>>
        %dma_start3A_447 = tpu.memref_squeeze %dma_start3A_446 : memref<1x12x16xi32, #tpu.memory_space<hbm>> -> memref<12x16xi32, #tpu.memory_space<hbm>>
        tpu.enqueue_dma source(%dma_start3A_447 : memref<12x16xi32, #tpu.memory_space<hbm>>) target(%arg6 : memref<12x16xi32, #tpu.memory_space<vmem>>) target_semaphore(%arg12 : memref<!tpu.dma_semaphore, #tpu.memory_space<semaphore_mem>>)
      } else {
      }
      %add3A_251 = arith.addi %mul3A_12, %add3A_66 : i32
      %add3A_252 = arith.constant 1 : i32
      %add3A_253 = arith.addi %add3A_251, %add3A_252 : i32
      %dma_wait3A_254 = arith.constant 0 : i32
      %dma_wait3A_255 = arith.constant 0 : i32
      %dma_wait3A_256 = tpu.memref_slice %arg3[%add3A_253, %dma_wait3A_254, %dma_wait3A_255] : memref<6720x12x16xi32, #tpu.memory_space<hbm>> -> memref<1x12x16xi32, #tpu.memory_space<hbm>>
      %dma_wait3A_257 = tpu.memref_squeeze %dma_wait3A_256 : memref<1x12x16xi32, #tpu.memory_space<hbm>> -> memref<12x16xi32, #tpu.memory_space<hbm>>
      %dma_wait3A_258 = arith.constant 0 : i32
      %dma_wait3A_259 = arith.constant 0 : i32
      %dma_wait3A_260 = tpu.memref_slice %arg3[%add3A_253, %dma_wait3A_258, %dma_wait3A_259] : memref<6720x12x16xi32, #tpu.memory_space<hbm>> -> memref<1x12x16xi32, #tpu.memory_space<hbm>>
      %dma_wait3A_261 = tpu.memref_squeeze %dma_wait3A_260 : memref<1x12x16xi32, #tpu.memory_space<hbm>> -> memref<12x16xi32, #tpu.memory_space<hbm>>
      tpu.wait_dma2 semaphore(%arg13 : memref<!tpu.dma_semaphore, #tpu.memory_space<semaphore_mem>>) src(%dma_wait3A_261 : memref<12x16xi32, #tpu.memory_space<hbm>>) dst(%arg7 : memref<12x16xi32, #tpu.memory_space<vmem>>)
      %dma_wait3A_262 = arith.constant 6 : i32
      %dma_wait3A_263 = arith.constant 0 : i32
      %dma_wait3A_264 = tpu.memref_slice %arg7[%dma_wait3A_262, %dma_wait3A_263] : memref<12x16xi32, #tpu.memory_space<vmem>> -> memref<1x16xi32, #tpu.memory_space<vmem>>
      %dma_wait3A_265 = tpu.memref_squeeze %dma_wait3A_264 : memref<1x16xi32, #tpu.memory_space<vmem>> -> memref<16xi32, #tpu.memory_space<vmem>>
      %dma_wait3A_266 = arith.constant 0 : i32
      %dma_wait3A_267 = arith.constant 0 : i32
      %dma_wait3A_268 = tpu.memref_slice %arg10[%dma_wait3A_266, %dma_wait3A_267] : memref<10112x128xf32, #tpu.memory_space<vmem_shared>> -> memref<10112x128xf32, #tpu.memory_space<vmem_shared>>
      tpu.wait_indirect_dma semaphore(%arg16 : memref<!tpu.dma_semaphore, #tpu.memory_space<semaphore_mem>>) src(%arg8 : memref<16x128xf32, #tpu.memory_space<vmem>>) dst(%dma_wait3A_268 : memref<10112x128xf32, #tpu.memory_space<vmem_shared>>)
      %dma_start3A_269 = arith.constant 0 : i32
      %dma_start3A_270 = arith.constant 0 : i32
      %dma_start3A_271 = tpu.memref_slice %arg7[%dma_start3A_269, %dma_start3A_270] : memref<12x16xi32, #tpu.memory_space<vmem>> -> memref<1x16xi32, #tpu.memory_space<vmem>>
      %dma_start3A_272 = tpu.memref_squeeze %dma_start3A_271 : memref<1x16xi32, #tpu.memory_space<vmem>> -> memref<16xi32, #tpu.memory_space<vmem>>
      %dma_start3A_273 = arith.constant 0 : i32
      %dma_start3A_274 = arith.constant 0 : i32
      %dma_start3A_275 = tpu.memref_slice %arg11[%dma_start3A_273, %dma_start3A_274] : memref<5120x128xf32, #tpu.memory_space<vmem_shared>> -> memref<5120x128xf32, #tpu.memory_space<vmem_shared>>
      tpu.enqueue_indirect_dma source(%dma_start3A_275 : memref<5120x128xf32, #tpu.memory_space<vmem_shared>>) target(%arg8 : memref<16x128xf32, #tpu.memory_space<vmem>>) offsets(%dma_start3A_272 : memref<16xi32, #tpu.memory_space<vmem>>) semaphore(%arg14 : memref<!tpu.dma_semaphore, #tpu.memory_space<semaphore_mem>>)
      %dma_wait3A_276 = arith.constant 7 : i32
      %dma_wait3A_277 = arith.constant 0 : i32
      %dma_wait3A_278 = tpu.memref_slice %arg7[%dma_wait3A_276, %dma_wait3A_277] : memref<12x16xi32, #tpu.memory_space<vmem>> -> memref<1x16xi32, #tpu.memory_space<vmem>>
      %dma_wait3A_279 = tpu.memref_squeeze %dma_wait3A_278 : memref<1x16xi32, #tpu.memory_space<vmem>> -> memref<16xi32, #tpu.memory_space<vmem>>
      %dma_wait3A_280 = arith.constant 0 : i32
      %dma_wait3A_281 = arith.constant 0 : i32
      %dma_wait3A_282 = tpu.memref_slice %arg10[%dma_wait3A_280, %dma_wait3A_281] : memref<10112x128xf32, #tpu.memory_space<vmem_shared>> -> memref<10112x128xf32, #tpu.memory_space<vmem_shared>>
      tpu.wait_indirect_dma semaphore(%arg17 : memref<!tpu.dma_semaphore, #tpu.memory_space<semaphore_mem>>) src(%arg9 : memref<16x128xf32, #tpu.memory_space<vmem>>) dst(%dma_wait3A_282 : memref<10112x128xf32, #tpu.memory_space<vmem_shared>>)
      %dma_start3A_283 = arith.constant 1 : i32
      %dma_start3A_284 = arith.constant 0 : i32
      %dma_start3A_285 = tpu.memref_slice %arg7[%dma_start3A_283, %dma_start3A_284] : memref<12x16xi32, #tpu.memory_space<vmem>> -> memref<1x16xi32, #tpu.memory_space<vmem>>
      %dma_start3A_286 = tpu.memref_squeeze %dma_start3A_285 : memref<1x16xi32, #tpu.memory_space<vmem>> -> memref<16xi32, #tpu.memory_space<vmem>>
      %dma_start3A_287 = arith.constant 0 : i32
      %dma_start3A_288 = arith.constant 0 : i32
      %dma_start3A_289 = tpu.memref_slice %arg11[%dma_start3A_287, %dma_start3A_288] : memref<5120x128xf32, #tpu.memory_space<vmem_shared>> -> memref<5120x128xf32, #tpu.memory_space<vmem_shared>>
      tpu.enqueue_indirect_dma source(%dma_start3A_289 : memref<5120x128xf32, #tpu.memory_space<vmem_shared>>) target(%arg9 : memref<16x128xf32, #tpu.memory_space<vmem>>) offsets(%dma_start3A_286 : memref<16xi32, #tpu.memory_space<vmem>>) semaphore(%arg15 : memref<!tpu.dma_semaphore, #tpu.memory_space<semaphore_mem>>)
      %dma_wait3A_290 = arith.constant 0 : i32
      %dma_wait3A_291 = arith.constant 0 : i32
      %dma_wait3A_292 = tpu.memref_slice %arg7[%dma_wait3A_290, %dma_wait3A_291] : memref<12x16xi32, #tpu.memory_space<vmem>> -> memref<1x16xi32, #tpu.memory_space<vmem>>
      %dma_wait3A_293 = tpu.memref_squeeze %dma_wait3A_292 : memref<1x16xi32, #tpu.memory_space<vmem>> -> memref<16xi32, #tpu.memory_space<vmem>>
      %dma_wait3A_294 = arith.constant 0 : i32
      %dma_wait3A_295 = arith.constant 0 : i32
      %dma_wait3A_296 = tpu.memref_slice %arg11[%dma_wait3A_294, %dma_wait3A_295] : memref<5120x128xf32, #tpu.memory_space<vmem_shared>> -> memref<5120x128xf32, #tpu.memory_space<vmem_shared>>
      tpu.wait_indirect_dma semaphore(%arg14 : memref<!tpu.dma_semaphore, #tpu.memory_space<semaphore_mem>>) src(%dma_wait3A_296 : memref<5120x128xf32, #tpu.memory_space<vmem_shared>>) dst(%arg8 : memref<16x128xf32, #tpu.memory_space<vmem>>)
      %dma_start3A_297 = arith.constant 6 : i32
      %dma_start3A_298 = arith.constant 0 : i32
      %dma_start3A_299 = tpu.memref_slice %arg7[%dma_start3A_297, %dma_start3A_298] : memref<12x16xi32, #tpu.memory_space<vmem>> -> memref<1x16xi32, #tpu.memory_space<vmem>>
      %dma_start3A_300 = tpu.memref_squeeze %dma_start3A_299 : memref<1x16xi32, #tpu.memory_space<vmem>> -> memref<16xi32, #tpu.memory_space<vmem>>
      %dma_start3A_301 = arith.constant 0 : i32
      %dma_start3A_302 = arith.constant 0 : i32
      %dma_start3A_303 = tpu.memref_slice %arg10[%dma_start3A_301, %dma_start3A_302] : memref<10112x128xf32, #tpu.memory_space<vmem_shared>> -> memref<10112x128xf32, #tpu.memory_space<vmem_shared>>
      tpu.enqueue_indirect_dma source(%arg8 : memref<16x128xf32, #tpu.memory_space<vmem>>) target(%dma_start3A_303 : memref<10112x128xf32, #tpu.memory_space<vmem_shared>>) offsets(%dma_start3A_300 : memref<16xi32, #tpu.memory_space<vmem>>) semaphore(%arg16 : memref<!tpu.dma_semaphore, #tpu.memory_space<semaphore_mem>>) {add = true}
      %dma_wait3A_304 = arith.constant 8 : i32
      %dma_wait3A_305 = arith.constant 0 : i32
      %dma_wait3A_306 = tpu.memref_slice %arg7[%dma_wait3A_304, %dma_wait3A_305] : memref<12x16xi32, #tpu.memory_space<vmem>> -> memref<1x16xi32, #tpu.memory_space<vmem>>
      %dma_wait3A_307 = tpu.memref_squeeze %dma_wait3A_306 : memref<1x16xi32, #tpu.memory_space<vmem>> -> memref<16xi32, #tpu.memory_space<vmem>>
      %dma_wait3A_308 = arith.constant 0 : i32
      %dma_wait3A_309 = arith.constant 0 : i32
      %dma_wait3A_310 = tpu.memref_slice %arg10[%dma_wait3A_308, %dma_wait3A_309] : memref<10112x128xf32, #tpu.memory_space<vmem_shared>> -> memref<10112x128xf32, #tpu.memory_space<vmem_shared>>
      tpu.wait_indirect_dma semaphore(%arg16 : memref<!tpu.dma_semaphore, #tpu.memory_space<semaphore_mem>>) src(%arg8 : memref<16x128xf32, #tpu.memory_space<vmem>>) dst(%dma_wait3A_310 : memref<10112x128xf32, #tpu.memory_space<vmem_shared>>)
      %dma_start3A_311 = arith.constant 2 : i32
      %dma_start3A_312 = arith.constant 0 : i32
      %dma_start3A_313 = tpu.memref_slice %arg7[%dma_start3A_311, %dma_start3A_312] : memref<12x16xi32, #tpu.memory_space<vmem>> -> memref<1x16xi32, #tpu.memory_space<vmem>>
      %dma_start3A_314 = tpu.memref_squeeze %dma_start3A_313 : memref<1x16xi32, #tpu.memory_space<vmem>> -> memref<16xi32, #tpu.memory_space<vmem>>
      %dma_start3A_315 = arith.constant 0 : i32
      %dma_start3A_316 = arith.constant 0 : i32
      %dma_start3A_317 = tpu.memref_slice %arg11[%dma_start3A_315, %dma_start3A_316] : memref<5120x128xf32, #tpu.memory_space<vmem_shared>> -> memref<5120x128xf32, #tpu.memory_space<vmem_shared>>
      tpu.enqueue_indirect_dma source(%dma_start3A_317 : memref<5120x128xf32, #tpu.memory_space<vmem_shared>>) target(%arg8 : memref<16x128xf32, #tpu.memory_space<vmem>>) offsets(%dma_start3A_314 : memref<16xi32, #tpu.memory_space<vmem>>) semaphore(%arg14 : memref<!tpu.dma_semaphore, #tpu.memory_space<semaphore_mem>>)
      %dma_wait3A_318 = arith.constant 1 : i32
      %dma_wait3A_319 = arith.constant 0 : i32
      %dma_wait3A_320 = tpu.memref_slice %arg7[%dma_wait3A_318, %dma_wait3A_319] : memref<12x16xi32, #tpu.memory_space<vmem>> -> memref<1x16xi32, #tpu.memory_space<vmem>>
      %dma_wait3A_321 = tpu.memref_squeeze %dma_wait3A_320 : memref<1x16xi32, #tpu.memory_space<vmem>> -> memref<16xi32, #tpu.memory_space<vmem>>
      %dma_wait3A_322 = arith.constant 0 : i32
      %dma_wait3A_323 = arith.constant 0 : i32
      %dma_wait3A_324 = tpu.memref_slice %arg11[%dma_wait3A_322, %dma_wait3A_323] : memref<5120x128xf32, #tpu.memory_space<vmem_shared>> -> memref<5120x128xf32, #tpu.memory_space<vmem_shared>>
      tpu.wait_indirect_dma semaphore(%arg15 : memref<!tpu.dma_semaphore, #tpu.memory_space<semaphore_mem>>) src(%dma_wait3A_324 : memref<5120x128xf32, #tpu.memory_space<vmem_shared>>) dst(%arg9 : memref<16x128xf32, #tpu.memory_space<vmem>>)
      %dma_start3A_325 = arith.constant 7 : i32
      %dma_start3A_326 = arith.constant 0 : i32
      %dma_start3A_327 = tpu.memref_slice %arg7[%dma_start3A_325, %dma_start3A_326] : memref<12x16xi32, #tpu.memory_space<vmem>> -> memref<1x16xi32, #tpu.memory_space<vmem>>
      %dma_start3A_328 = tpu.memref_squeeze %dma_start3A_327 : memref<1x16xi32, #tpu.memory_space<vmem>> -> memref<16xi32, #tpu.memory_space<vmem>>
      %dma_start3A_329 = arith.constant 0 : i32
      %dma_start3A_330 = arith.constant 0 : i32
      %dma_start3A_331 = tpu.memref_slice %arg10[%dma_start3A_329, %dma_start3A_330] : memref<10112x128xf32, #tpu.memory_space<vmem_shared>> -> memref<10112x128xf32, #tpu.memory_space<vmem_shared>>
      tpu.enqueue_indirect_dma source(%arg9 : memref<16x128xf32, #tpu.memory_space<vmem>>) target(%dma_start3A_331 : memref<10112x128xf32, #tpu.memory_space<vmem_shared>>) offsets(%dma_start3A_328 : memref<16xi32, #tpu.memory_space<vmem>>) semaphore(%arg17 : memref<!tpu.dma_semaphore, #tpu.memory_space<semaphore_mem>>) {add = true}
      %dma_wait3A_332 = arith.constant 9 : i32
      %dma_wait3A_333 = arith.constant 0 : i32
      %dma_wait3A_334 = tpu.memref_slice %arg7[%dma_wait3A_332, %dma_wait3A_333] : memref<12x16xi32, #tpu.memory_space<vmem>> -> memref<1x16xi32, #tpu.memory_space<vmem>>
      %dma_wait3A_335 = tpu.memref_squeeze %dma_wait3A_334 : memref<1x16xi32, #tpu.memory_space<vmem>> -> memref<16xi32, #tpu.memory_space<vmem>>
      %dma_wait3A_336 = arith.constant 0 : i32
      %dma_wait3A_337 = arith.constant 0 : i32
      %dma_wait3A_338 = tpu.memref_slice %arg10[%dma_wait3A_336, %dma_wait3A_337] : memref<10112x128xf32, #tpu.memory_space<vmem_shared>> -> memref<10112x128xf32, #tpu.memory_space<vmem_shared>>
      tpu.wait_indirect_dma semaphore(%arg17 : memref<!tpu.dma_semaphore, #tpu.memory_space<semaphore_mem>>) src(%arg9 : memref<16x128xf32, #tpu.memory_space<vmem>>) dst(%dma_wait3A_338 : memref<10112x128xf32, #tpu.memory_space<vmem_shared>>)
      %dma_start3A_339 = arith.constant 3 : i32
      %dma_start3A_340 = arith.constant 0 : i32
      %dma_start3A_341 = tpu.memref_slice %arg7[%dma_start3A_339, %dma_start3A_340] : memref<12x16xi32, #tpu.memory_space<vmem>> -> memref<1x16xi32, #tpu.memory_space<vmem>>
      %dma_start3A_342 = tpu.memref_squeeze %dma_start3A_341 : memref<1x16xi32, #tpu.memory_space<vmem>> -> memref<16xi32, #tpu.memory_space<vmem>>
      %dma_start3A_343 = arith.constant 0 : i32
      %dma_start3A_344 = arith.constant 0 : i32
      %dma_start3A_345 = tpu.memref_slice %arg11[%dma_start3A_343, %dma_start3A_344] : memref<5120x128xf32, #tpu.memory_space<vmem_shared>> -> memref<5120x128xf32, #tpu.memory_space<vmem_shared>>
      tpu.enqueue_indirect_dma source(%dma_start3A_345 : memref<5120x128xf32, #tpu.memory_space<vmem_shared>>) target(%arg9 : memref<16x128xf32, #tpu.memory_space<vmem>>) offsets(%dma_start3A_342 : memref<16xi32, #tpu.memory_space<vmem>>) semaphore(%arg15 : memref<!tpu.dma_semaphore, #tpu.memory_space<semaphore_mem>>)
      %dma_wait3A_346 = arith.constant 2 : i32
      %dma_wait3A_347 = arith.constant 0 : i32
      %dma_wait3A_348 = tpu.memref_slice %arg7[%dma_wait3A_346, %dma_wait3A_347] : memref<12x16xi32, #tpu.memory_space<vmem>> -> memref<1x16xi32, #tpu.memory_space<vmem>>
      %dma_wait3A_349 = tpu.memref_squeeze %dma_wait3A_348 : memref<1x16xi32, #tpu.memory_space<vmem>> -> memref<16xi32, #tpu.memory_space<vmem>>
      %dma_wait3A_350 = arith.constant 0 : i32
      %dma_wait3A_351 = arith.constant 0 : i32
      %dma_wait3A_352 = tpu.memref_slice %arg11[%dma_wait3A_350, %dma_wait3A_351] : memref<5120x128xf32, #tpu.memory_space<vmem_shared>> -> memref<5120x128xf32, #tpu.memory_space<vmem_shared>>
      tpu.wait_indirect_dma semaphore(%arg14 : memref<!tpu.dma_semaphore, #tpu.memory_space<semaphore_mem>>) src(%dma_wait3A_352 : memref<5120x128xf32, #tpu.memory_space<vmem_shared>>) dst(%arg8 : memref<16x128xf32, #tpu.memory_space<vmem>>)
      %dma_start3A_353 = arith.constant 8 : i32
      %dma_start3A_354 = arith.constant 0 : i32
      %dma_start3A_355 = tpu.memref_slice %arg7[%dma_start3A_353, %dma_start3A_354] : memref<12x16xi32, #tpu.memory_space<vmem>> -> memref<1x16xi32, #tpu.memory_space<vmem>>
      %dma_start3A_356 = tpu.memref_squeeze %dma_start3A_355 : memref<1x16xi32, #tpu.memory_space<vmem>> -> memref<16xi32, #tpu.memory_space<vmem>>
      %dma_start3A_357 = arith.constant 0 : i32
      %dma_start3A_358 = arith.constant 0 : i32
      %dma_start3A_359 = tpu.memref_slice %arg10[%dma_start3A_357, %dma_start3A_358] : memref<10112x128xf32, #tpu.memory_space<vmem_shared>> -> memref<10112x128xf32, #tpu.memory_space<vmem_shared>>
      tpu.enqueue_indirect_dma source(%arg8 : memref<16x128xf32, #tpu.memory_space<vmem>>) target(%dma_start3A_359 : memref<10112x128xf32, #tpu.memory_space<vmem_shared>>) offsets(%dma_start3A_356 : memref<16xi32, #tpu.memory_space<vmem>>) semaphore(%arg16 : memref<!tpu.dma_semaphore, #tpu.memory_space<semaphore_mem>>) {add = true}
      %dma_wait3A_360 = arith.constant 10 : i32
      %dma_wait3A_361 = arith.constant 0 : i32
      %dma_wait3A_362 = tpu.memref_slice %arg7[%dma_wait3A_360, %dma_wait3A_361] : memref<12x16xi32, #tpu.memory_space<vmem>> -> memref<1x16xi32, #tpu.memory_space<vmem>>
      %dma_wait3A_363 = tpu.memref_squeeze %dma_wait3A_362 : memref<1x16xi32, #tpu.memory_space<vmem>> -> memref<16xi32, #tpu.memory_space<vmem>>
      %dma_wait3A_364 = arith.constant 0 : i32
      %dma_wait3A_365 = arith.constant 0 : i32
      %dma_wait3A_366 = tpu.memref_slice %arg10[%dma_wait3A_364, %dma_wait3A_365] : memref<10112x128xf32, #tpu.memory_space<vmem_shared>> -> memref<10112x128xf32, #tpu.memory_space<vmem_shared>>
      tpu.wait_indirect_dma semaphore(%arg16 : memref<!tpu.dma_semaphore, #tpu.memory_space<semaphore_mem>>) src(%arg8 : memref<16x128xf32, #tpu.memory_space<vmem>>) dst(%dma_wait3A_366 : memref<10112x128xf32, #tpu.memory_space<vmem_shared>>)
      %dma_start3A_367 = arith.constant 4 : i32
      %dma_start3A_368 = arith.constant 0 : i32
      %dma_start3A_369 = tpu.memref_slice %arg7[%dma_start3A_367, %dma_start3A_368] : memref<12x16xi32, #tpu.memory_space<vmem>> -> memref<1x16xi32, #tpu.memory_space<vmem>>
      %dma_start3A_370 = tpu.memref_squeeze %dma_start3A_369 : memref<1x16xi32, #tpu.memory_space<vmem>> -> memref<16xi32, #tpu.memory_space<vmem>>
      %dma_start3A_371 = arith.constant 0 : i32
      %dma_start3A_372 = arith.constant 0 : i32
      %dma_start3A_373 = tpu.memref_slice %arg11[%dma_start3A_371, %dma_start3A_372] : memref<5120x128xf32, #tpu.memory_space<vmem_shared>> -> memref<5120x128xf32, #tpu.memory_space<vmem_shared>>
      tpu.enqueue_indirect_dma source(%dma_start3A_373 : memref<5120x128xf32, #tpu.memory_space<vmem_shared>>) target(%arg8 : memref<16x128xf32, #tpu.memory_space<vmem>>) offsets(%dma_start3A_370 : memref<16xi32, #tpu.memory_space<vmem>>) semaphore(%arg14 : memref<!tpu.dma_semaphore, #tpu.memory_space<semaphore_mem>>)
      %dma_wait3A_374 = arith.constant 3 : i32
      %dma_wait3A_375 = arith.constant 0 : i32
      %dma_wait3A_376 = tpu.memref_slice %arg7[%dma_wait3A_374, %dma_wait3A_375] : memref<12x16xi32, #tpu.memory_space<vmem>> -> memref<1x16xi32, #tpu.memory_space<vmem>>
      %dma_wait3A_377 = tpu.memref_squeeze %dma_wait3A_376 : memref<1x16xi32, #tpu.memory_space<vmem>> -> memref<16xi32, #tpu.memory_space<vmem>>
      %dma_wait3A_378 = arith.constant 0 : i32
      %dma_wait3A_379 = arith.constant 0 : i32
      %dma_wait3A_380 = tpu.memref_slice %arg11[%dma_wait3A_378, %dma_wait3A_379] : memref<5120x128xf32, #tpu.memory_space<vmem_shared>> -> memref<5120x128xf32, #tpu.memory_space<vmem_shared>>
      tpu.wait_indirect_dma semaphore(%arg15 : memref<!tpu.dma_semaphore, #tpu.memory_space<semaphore_mem>>) src(%dma_wait3A_380 : memref<5120x128xf32, #tpu.memory_space<vmem_shared>>) dst(%arg9 : memref<16x128xf32, #tpu.memory_space<vmem>>)
      %dma_start3A_381 = arith.constant 9 : i32
      %dma_start3A_382 = arith.constant 0 : i32
      %dma_start3A_383 = tpu.memref_slice %arg7[%dma_start3A_381, %dma_start3A_382] : memref<12x16xi32, #tpu.memory_space<vmem>> -> memref<1x16xi32, #tpu.memory_space<vmem>>
      %dma_start3A_384 = tpu.memref_squeeze %dma_start3A_383 : memref<1x16xi32, #tpu.memory_space<vmem>> -> memref<16xi32, #tpu.memory_space<vmem>>
      %dma_start3A_385 = arith.constant 0 : i32
      %dma_start3A_386 = arith.constant 0 : i32
      %dma_start3A_387 = tpu.memref_slice %arg10[%dma_start3A_385, %dma_start3A_386] : memref<10112x128xf32, #tpu.memory_space<vmem_shared>> -> memref<10112x128xf32, #tpu.memory_space<vmem_shared>>
      tpu.enqueue_indirect_dma source(%arg9 : memref<16x128xf32, #tpu.memory_space<vmem>>) target(%dma_start3A_387 : memref<10112x128xf32, #tpu.memory_space<vmem_shared>>) offsets(%dma_start3A_384 : memref<16xi32, #tpu.memory_space<vmem>>) semaphore(%arg17 : memref<!tpu.dma_semaphore, #tpu.memory_space<semaphore_mem>>) {add = true}
      %dma_wait3A_388 = arith.constant 11 : i32
      %dma_wait3A_389 = arith.constant 0 : i32
      %dma_wait3A_390 = tpu.memref_slice %arg7[%dma_wait3A_388, %dma_wait3A_389] : memref<12x16xi32, #tpu.memory_space<vmem>> -> memref<1x16xi32, #tpu.memory_space<vmem>>
      %dma_wait3A_391 = tpu.memref_squeeze %dma_wait3A_390 : memref<1x16xi32, #tpu.memory_space<vmem>> -> memref<16xi32, #tpu.memory_space<vmem>>
      %dma_wait3A_392 = arith.constant 0 : i32
      %dma_wait3A_393 = arith.constant 0 : i32
      %dma_wait3A_394 = tpu.memref_slice %arg10[%dma_wait3A_392, %dma_wait3A_393] : memref<10112x128xf32, #tpu.memory_space<vmem_shared>> -> memref<10112x128xf32, #tpu.memory_space<vmem_shared>>
      tpu.wait_indirect_dma semaphore(%arg17 : memref<!tpu.dma_semaphore, #tpu.memory_space<semaphore_mem>>) src(%arg9 : memref<16x128xf32, #tpu.memory_space<vmem>>) dst(%dma_wait3A_394 : memref<10112x128xf32, #tpu.memory_space<vmem_shared>>)
      %dma_start3A_395 = arith.constant 5 : i32
      %dma_start3A_396 = arith.constant 0 : i32
      %dma_start3A_397 = tpu.memref_slice %arg7[%dma_start3A_395, %dma_start3A_396] : memref<12x16xi32, #tpu.memory_space<vmem>> -> memref<1x16xi32, #tpu.memory_space<vmem>>
      %dma_start3A_398 = tpu.memref_squeeze %dma_start3A_397 : memref<1x16xi32, #tpu.memory_space<vmem>> -> memref<16xi32, #tpu.memory_space<vmem>>
      %dma_start3A_399 = arith.constant 0 : i32
      %dma_start3A_400 = arith.constant 0 : i32
      %dma_start3A_401 = tpu.memref_slice %arg11[%dma_start3A_399, %dma_start3A_400] : memref<5120x128xf32, #tpu.memory_space<vmem_shared>> -> memref<5120x128xf32, #tpu.memory_space<vmem_shared>>
      tpu.enqueue_indirect_dma source(%dma_start3A_401 : memref<5120x128xf32, #tpu.memory_space<vmem_shared>>) target(%arg9 : memref<16x128xf32, #tpu.memory_space<vmem>>) offsets(%dma_start3A_398 : memref<16xi32, #tpu.memory_space<vmem>>) semaphore(%arg15 : memref<!tpu.dma_semaphore, #tpu.memory_space<semaphore_mem>>)
      %dma_wait3A_402 = arith.constant 4 : i32
      %dma_wait3A_403 = arith.constant 0 : i32
      %dma_wait3A_404 = tpu.memref_slice %arg7[%dma_wait3A_402, %dma_wait3A_403] : memref<12x16xi32, #tpu.memory_space<vmem>> -> memref<1x16xi32, #tpu.memory_space<vmem>>
      %dma_wait3A_405 = tpu.memref_squeeze %dma_wait3A_404 : memref<1x16xi32, #tpu.memory_space<vmem>> -> memref<16xi32, #tpu.memory_space<vmem>>
      %dma_wait3A_406 = arith.constant 0 : i32
      %dma_wait3A_407 = arith.constant 0 : i32
      %dma_wait3A_408 = tpu.memref_slice %arg11[%dma_wait3A_406, %dma_wait3A_407] : memref<5120x128xf32, #tpu.memory_space<vmem_shared>> -> memref<5120x128xf32, #tpu.memory_space<vmem_shared>>
      tpu.wait_indirect_dma semaphore(%arg14 : memref<!tpu.dma_semaphore, #tpu.memory_space<semaphore_mem>>) src(%dma_wait3A_408 : memref<5120x128xf32, #tpu.memory_space<vmem_shared>>) dst(%arg8 : memref<16x128xf32, #tpu.memory_space<vmem>>)
      %dma_start3A_409 = arith.constant 10 : i32
      %dma_start3A_410 = arith.constant 0 : i32
      %dma_start3A_411 = tpu.memref_slice %arg7[%dma_start3A_409, %dma_start3A_410] : memref<12x16xi32, #tpu.memory_space<vmem>> -> memref<1x16xi32, #tpu.memory_space<vmem>>
      %dma_start3A_412 = tpu.memref_squeeze %dma_start3A_411 : memref<1x16xi32, #tpu.memory_space<vmem>> -> memref<16xi32, #tpu.memory_space<vmem>>
      %dma_start3A_413 = arith.constant 0 : i32
      %dma_start3A_414 = arith.constant 0 : i32
      %dma_start3A_415 = tpu.memref_slice %arg10[%dma_start3A_413, %dma_start3A_414] : memref<10112x128xf32, #tpu.memory_space<vmem_shared>> -> memref<10112x128xf32, #tpu.memory_space<vmem_shared>>
      tpu.enqueue_indirect_dma source(%arg8 : memref<16x128xf32, #tpu.memory_space<vmem>>) target(%dma_start3A_415 : memref<10112x128xf32, #tpu.memory_space<vmem_shared>>) offsets(%dma_start3A_412 : memref<16xi32, #tpu.memory_space<vmem>>) semaphore(%arg16 : memref<!tpu.dma_semaphore, #tpu.memory_space<semaphore_mem>>) {add = true}
      %dma_wait3A_416 = arith.constant 5 : i32
      %dma_wait3A_417 = arith.constant 0 : i32
      %dma_wait3A_418 = tpu.memref_slice %arg7[%dma_wait3A_416, %dma_wait3A_417] : memref<12x16xi32, #tpu.memory_space<vmem>> -> memref<1x16xi32, #tpu.memory_space<vmem>>
      %dma_wait3A_419 = tpu.memref_squeeze %dma_wait3A_418 : memref<1x16xi32, #tpu.memory_space<vmem>> -> memref<16xi32, #tpu.memory_space<vmem>>
      %dma_wait3A_420 = arith.constant 0 : i32
      %dma_wait3A_421 = arith.constant 0 : i32
      %dma_wait3A_422 = tpu.memref_slice %arg11[%dma_wait3A_420, %dma_wait3A_421] : memref<5120x128xf32, #tpu.memory_space<vmem_shared>> -> memref<5120x128xf32, #tpu.memory_space<vmem_shared>>
      tpu.wait_indirect_dma semaphore(%arg15 : memref<!tpu.dma_semaphore, #tpu.memory_space<semaphore_mem>>) src(%dma_wait3A_422 : memref<5120x128xf32, #tpu.memory_space<vmem_shared>>) dst(%arg9 : memref<16x128xf32, #tpu.memory_space<vmem>>)
      %dma_start3A_423 = arith.constant 11 : i32
      %dma_start3A_424 = arith.constant 0 : i32
      %dma_start3A_425 = tpu.memref_slice %arg7[%dma_start3A_423, %dma_start3A_424] : memref<12x16xi32, #tpu.memory_space<vmem>> -> memref<1x16xi32, #tpu.memory_space<vmem>>
      %dma_start3A_426 = tpu.memref_squeeze %dma_start3A_425 : memref<1x16xi32, #tpu.memory_space<vmem>> -> memref<16xi32, #tpu.memory_space<vmem>>
      %dma_start3A_427 = arith.constant 0 : i32
      %dma_start3A_428 = arith.constant 0 : i32
      %dma_start3A_429 = tpu.memref_slice %arg10[%dma_start3A_427, %dma_start3A_428] : memref<10112x128xf32, #tpu.memory_space<vmem_shared>> -> memref<10112x128xf32, #tpu.memory_space<vmem_shared>>
      tpu.enqueue_indirect_dma source(%arg9 : memref<16x128xf32, #tpu.memory_space<vmem>>) target(%dma_start3A_429 : memref<10112x128xf32, #tpu.memory_space<vmem_shared>>) offsets(%dma_start3A_426 : memref<16xi32, #tpu.memory_space<vmem>>) semaphore(%arg17 : memref<!tpu.dma_semaphore, #tpu.memory_space<semaphore_mem>>) {add = true}
      %add3A_430 = arith.constant 3 : i32
      %add3A_431 = arith.addi %add3A_66, %add3A_430 : i32
      %lt3A_432 = arith.constant 210 : i32
      %lt3A_433 = arith.cmpi slt, %add3A_431, %lt3A_432 : i32
      %convert_element_type3A_434 = arith.extui %lt3A_433 : i1 to i32
      %cond3A_435 = arith.constant 0 : i32
      %cond3A_436 = arith.cmpi ne, %convert_element_type3A_434, %cond3A_435 : i32
      scf.if %cond3A_436 {
        %add3A_437 = arith.addi %mul3A_12, %add3A_66 : i32
        %add3A_438 = arith.constant 3 : i32
        %add3A_439 = arith.addi %add3A_437, %add3A_438 : i32
        %dma_start3A_440 = arith.constant 0 : i32
        %dma_start3A_441 = arith.constant 0 : i32
        %dma_start3A_442 = tpu.memref_slice %arg3[%add3A_439, %dma_start3A_440, %dma_start3A_441] : memref<6720x12x16xi32, #tpu.memory_space<hbm>> -> memref<1x12x16xi32, #tpu.memory_space<hbm>>
        %dma_start3A_443 = tpu.memref_squeeze %dma_start3A_442 : memref<1x12x16xi32, #tpu.memory_space<hbm>> -> memref<12x16xi32, #tpu.memory_space<hbm>>
        %dma_start3A_444 = arith.constant 0 : i32
        %dma_start3A_445 = arith.constant 0 : i32
        %dma_start3A_446 = tpu.memref_slice %arg3[%add3A_439, %dma_start3A_444, %dma_start3A_445] : memref<6720x12x16xi32, #tpu.memory_space<hbm>> -> memref<1x12x16xi32, #tpu.memory_space<hbm>>
        %dma_start3A_447 = tpu.memref_squeeze %dma_start3A_446 : memref<1x12x16xi32, #tpu.memory_space<hbm>> -> memref<12x16xi32, #tpu.memory_space<hbm>>
        tpu.enqueue_dma source(%dma_start3A_447 : memref<12x16xi32, #tpu.memory_space<hbm>>) target(%arg7 : memref<12x16xi32, #tpu.memory_space<vmem>>) target_semaphore(%arg13 : memref<!tpu.dma_semaphore, #tpu.memory_space<semaphore_mem>>)
      } else {
      }
    }
    %scan3A_45 = arith.constant 105 : i32
    %dma_wait3A = arith.constant 10096 : i32
    %dma_wait3A_46 = arith.constant 0 : i32
    %dma_wait3A_47 = tpu.memref_slice %arg10[%dma_wait3A, %dma_wait3A_46] : memref<10112x128xf32, #tpu.memory_space<vmem_shared>> -> memref<16x128xf32, #tpu.memory_space<vmem_shared>>
    %dma_wait3A_48 = arith.constant 10096 : i32
    %dma_wait3A_49 = arith.constant 0 : i32
    %dma_wait3A_50 = tpu.memref_slice %arg10[%dma_wait3A_48, %dma_wait3A_49] : memref<10112x128xf32, #tpu.memory_space<vmem_shared>> -> memref<16x128xf32, #tpu.memory_space<vmem_shared>>
    tpu.wait_dma2 semaphore(%arg16 : memref<!tpu.dma_semaphore, #tpu.memory_space<semaphore_mem>>) src(%arg8 : memref<16x128xf32, #tpu.memory_space<vmem>>) dst(%dma_wait3A_50 : memref<16x128xf32, #tpu.memory_space<vmem_shared>>)
    %dma_wait3A_51 = arith.constant 10096 : i32
    %dma_wait3A_52 = arith.constant 0 : i32
    %dma_wait3A_53 = tpu.memref_slice %arg10[%dma_wait3A_51, %dma_wait3A_52] : memref<10112x128xf32, #tpu.memory_space<vmem_shared>> -> memref<16x128xf32, #tpu.memory_space<vmem_shared>>
    %dma_wait3A_54 = arith.constant 10096 : i32
    %dma_wait3A_55 = arith.constant 0 : i32
    %dma_wait3A_56 = tpu.memref_slice %arg10[%dma_wait3A_54, %dma_wait3A_55] : memref<10112x128xf32, #tpu.memory_space<vmem_shared>> -> memref<16x128xf32, #tpu.memory_space<vmem_shared>>
    tpu.wait_dma2 semaphore(%arg17 : memref<!tpu.dma_semaphore, #tpu.memory_space<semaphore_mem>>) src(%arg9 : memref<16x128xf32, #tpu.memory_space<vmem>>) dst(%dma_wait3A_56 : memref<16x128xf32, #tpu.memory_space<vmem_shared>>)
    %barrier3A_57 = arith.constant 0 : index
    tpu.barrier barrier_id(%barrier3A_57)
    %mul3A_58 = arith.constant 632 : i32
    %mul3A_59 = arith.muli %arg1, %mul3A_58 : i32
    %mul3A_60 = arith.constant 632 : i32
    %mul3A_61 = arith.muli %arg1, %mul3A_60 : i32
    "tpu.region"() ({
      %run_scoped3A = tpu.sem_alloc : memref<!tpu.dma_semaphore, #tpu.memory_space<semaphore_mem>>
      %dma_start3A_62 = arith.constant 0 : i32
      %dma_start3A_63 = arith.constant 0 : i32
      %dma_start3A_64 = tpu.memref_slice %arg5[%arg0, %dma_start3A_62, %dma_start3A_63] : memref<2x10112x128xf32, #tpu.memory_space<hbm>> -> memref<1x10112x128xf32, #tpu.memory_space<hbm>>
      %dma_start3A_65 = tpu.memref_squeeze %dma_start3A_64 : memref<1x10112x128xf32, #tpu.memory_space<hbm>> -> memref<10112x128xf32, #tpu.memory_space<hbm>>
      %dma_start3A_66 = arith.constant 0 : i32
      %dma_start3A_67 = tpu.memref_slice %dma_start3A_65[%mul3A_61, %dma_start3A_66] : memref<10112x128xf32, #tpu.memory_space<hbm>> -> memref<632x128xf32, #tpu.memory_space<hbm>>
      %dma_start3A_68 = arith.constant 0 : i32
      %dma_start3A_69 = tpu.memref_slice %arg10[%mul3A_59, %dma_start3A_68] : memref<10112x128xf32, #tpu.memory_space<vmem_shared>> -> memref<632x128xf32, #tpu.memory_space<vmem_shared>>
      tpu.enqueue_dma source(%dma_start3A_69 : memref<632x128xf32, #tpu.memory_space<vmem_shared>>) target(%dma_start3A_67 : memref<632x128xf32, #tpu.memory_space<hbm>>) target_semaphore(%run_scoped3A : memref<!tpu.dma_semaphore, #tpu.memory_space<semaphore_mem>>)
      %dma_wait3A_70 = arith.constant 0 : i32
      %dma_wait3A_71 = arith.constant 0 : i32
      %dma_wait3A_72 = tpu.memref_slice %arg5[%arg0, %dma_wait3A_70, %dma_wait3A_71] : memref<2x10112x128xf32, #tpu.memory_space<hbm>> -> memref<1x10112x128xf32, #tpu.memory_space<hbm>>
      %dma_wait3A_73 = tpu.memref_squeeze %dma_wait3A_72 : memref<1x10112x128xf32, #tpu.memory_space<hbm>> -> memref<10112x128xf32, #tpu.memory_space<hbm>>
      %dma_wait3A_74 = arith.constant 0 : i32
      %dma_wait3A_75 = tpu.memref_slice %dma_wait3A_73[%mul3A_61, %dma_wait3A_74] : memref<10112x128xf32, #tpu.memory_space<hbm>> -> memref<632x128xf32, #tpu.memory_space<hbm>>
      %dma_wait3A_76 = arith.constant 0 : i32
      %dma_wait3A_77 = tpu.memref_slice %arg10[%mul3A_59, %dma_wait3A_76] : memref<10112x128xf32, #tpu.memory_space<vmem_shared>> -> memref<632x128xf32, #tpu.memory_space<vmem_shared>>
      tpu.wait_dma2 semaphore(%run_scoped3A : memref<!tpu.dma_semaphore, #tpu.memory_space<semaphore_mem>>) src(%dma_wait3A_77 : memref<632x128xf32, #tpu.memory_space<vmem_shared>>) dst(%dma_wait3A_75 : memref<632x128xf32, #tpu.memory_space<hbm>>)
      tpu.yield
    }) : () -> ()
    return
  }
}

#map = affine_map<(d0, d1) -> (0, 0)>
#map1 = affine_map<(d0, d1) -> (0, 0, 0)>
module attributes {stable_mosaic.version = 14 : i64} {
  func.func @_sc_agg(%arg0: i32, %arg1: i32, %arg2: memref<10112x128xf32, #tpu.memory_space<hbm>>, %arg3: memref<6720x12x16xi32, #tpu.memory_space<hbm>>, %arg4: memref<10112x128xf32, #tpu.memory_space<hbm>>, %arg5: memref<2x10112x128xf32, #tpu.memory_space<hbm>>, %arg6: memref<12x16xi32, #tpu.memory_space<vmem>>, %arg7: memref<12x16xi32, #tpu.memory_space<vmem>>, %arg8: memref<16x128xf32, #tpu.memory_space<vmem>>, %arg9: memref<16x128xf32, #tpu.memory_space<vmem>>, %arg10: memref<10112x128xf32, #tpu.memory_space<vmem_shared>>, %arg11: memref<5120x128xf32, #tpu.memory_space<vmem_shared>>, %arg12: memref<!tpu.dma_semaphore, #tpu.memory_space<semaphore_mem>>, %arg13: memref<!tpu.dma_semaphore, #tpu.memory_space<semaphore_mem>>, %arg14: memref<!tpu.dma_semaphore, #tpu.memory_space<semaphore_mem>>, %arg15: memref<!tpu.dma_semaphore, #tpu.memory_space<semaphore_mem>>, %arg16: memref<!tpu.dma_semaphore, #tpu.memory_space<semaphore_mem>>, %arg17: memref<!tpu.dma_semaphore, #tpu.memory_space<semaphore_mem>>) attributes {dimension_semantics = [#tpu.dimension_semantics<core_parallel>, #tpu.dimension_semantics<subcore_parallel>], iteration_bounds = array<i64: 2, 16>, scalar_prefetch = 0 : i64, scratch_operands = 12 : i64, tpu.core_type = #tpu.core_type<sc_vector_subcore>, window_params = [{transform_indices = #map}, {transform_indices = #map1}, {transform_indices = #map}, {transform_indices = #map1}]} {
    %mul3A = arith.constant 632 : i32
    %mul3A_0 = arith.muli %arg1, %mul3A : i32
    %mul3A_1 = arith.constant 632 : i32
    %mul3A_2 = arith.muli %arg1, %mul3A_1 : i32
    "tpu.region"() ({
      %run_scoped3A = tpu.sem_alloc : memref<!tpu.dma_semaphore, #tpu.memory_space<semaphore_mem>>
      %dma_start3A_62 = arith.constant 0 : i32
      %dma_start3A_63 = tpu.memref_slice %arg10[%mul3A_2, %dma_start3A_62] : memref<10112x128xf32, #tpu.memory_space<vmem_shared>> -> memref<632x128xf32, #tpu.memory_space<vmem_shared>>
      %dma_start3A_64 = arith.constant 0 : i32
      %dma_start3A_65 = tpu.memref_slice %arg4[%mul3A_0, %dma_start3A_64] : memref<10112x128xf32, #tpu.memory_space<hbm>> -> memref<632x128xf32, #tpu.memory_space<hbm>>
      tpu.enqueue_dma source(%dma_start3A_65 : memref<632x128xf32, #tpu.memory_space<hbm>>) target(%dma_start3A_63 : memref<632x128xf32, #tpu.memory_space<vmem_shared>>) target_semaphore(%run_scoped3A : memref<!tpu.dma_semaphore, #tpu.memory_space<semaphore_mem>>)
      %dma_wait3A_66 = arith.constant 0 : i32
      %dma_wait3A_67 = tpu.memref_slice %arg10[%mul3A_2, %dma_wait3A_66] : memref<10112x128xf32, #tpu.memory_space<vmem_shared>> -> memref<632x128xf32, #tpu.memory_space<vmem_shared>>
      %dma_wait3A_68 = arith.constant 0 : i32
      %dma_wait3A_69 = tpu.memref_slice %arg4[%mul3A_0, %dma_wait3A_68] : memref<10112x128xf32, #tpu.memory_space<hbm>> -> memref<632x128xf32, #tpu.memory_space<hbm>>
      tpu.wait_dma2 semaphore(%run_scoped3A : memref<!tpu.dma_semaphore, #tpu.memory_space<semaphore_mem>>) src(%dma_wait3A_69 : memref<632x128xf32, #tpu.memory_space<hbm>>) dst(%dma_wait3A_67 : memref<632x128xf32, #tpu.memory_space<vmem_shared>>)
      tpu.yield
    }) : () -> ()
    %lt3A = arith.constant 8 : i32
    %lt3A_3 = arith.cmpi slt, %arg1, %lt3A : i32
    %convert_element_type3A = arith.extui %lt3A_3 : i1 to i32
    %cond3A = arith.constant 0 : i32
    %cond3A_4 = arith.cmpi ne, %convert_element_type3A, %cond3A : i32
    scf.if %cond3A_4 {
      %mul3A_62 = arith.constant 5056 : i32
      %mul3A_63 = arith.muli %arg0, %mul3A_62 : i32
      %mul3A_64 = arith.constant 632 : i32
      %mul3A_65 = arith.muli %arg1, %mul3A_64 : i32
      %add3A_66 = arith.addi %mul3A_63, %mul3A_65 : i32
      %mul3A_67 = arith.constant 632 : i32
      %mul3A_68 = arith.muli %arg1, %mul3A_67 : i32
      "tpu.region"() ({
        %run_scoped3A = tpu.sem_alloc : memref<!tpu.dma_semaphore, #tpu.memory_space<semaphore_mem>>
        %dma_start3A_69 = arith.constant 0 : i32
        %dma_start3A_70 = tpu.memref_slice %arg11[%mul3A_68, %dma_start3A_69] : memref<5120x128xf32, #tpu.memory_space<vmem_shared>> -> memref<632x128xf32, #tpu.memory_space<vmem_shared>>
        %dma_start3A_71 = arith.constant 0 : i32
        %dma_start3A_72 = tpu.memref_slice %arg2[%add3A_66, %dma_start3A_71] : memref<10112x128xf32, #tpu.memory_space<hbm>> -> memref<632x128xf32, #tpu.memory_space<hbm>>
        tpu.enqueue_dma source(%dma_start3A_72 : memref<632x128xf32, #tpu.memory_space<hbm>>) target(%dma_start3A_70 : memref<632x128xf32, #tpu.memory_space<vmem_shared>>) target_semaphore(%run_scoped3A : memref<!tpu.dma_semaphore, #tpu.memory_space<semaphore_mem>>)
        %dma_wait3A_73 = arith.constant 0 : i32
        %dma_wait3A_74 = tpu.memref_slice %arg11[%mul3A_68, %dma_wait3A_73] : memref<5120x128xf32, #tpu.memory_space<vmem_shared>> -> memref<632x128xf32, #tpu.memory_space<vmem_shared>>
        %dma_wait3A_75 = arith.constant 0 : i32
        %dma_wait3A_76 = tpu.memref_slice %arg2[%add3A_66, %dma_wait3A_75] : memref<10112x128xf32, #tpu.memory_space<hbm>> -> memref<632x128xf32, #tpu.memory_space<hbm>>
        tpu.wait_dma2 semaphore(%run_scoped3A : memref<!tpu.dma_semaphore, #tpu.memory_space<semaphore_mem>>) src(%dma_wait3A_76 : memref<632x128xf32, #tpu.memory_space<hbm>>) dst(%dma_wait3A_74 : memref<632x128xf32, #tpu.memory_space<vmem_shared>>)
        tpu.yield
      }) : () -> ()
    } else {
    }
    %eq3A = arith.constant 8 : i32
    %eq3A_5 = arith.cmpi eq, %arg1, %eq3A : i32
    %convert_element_type3A_6 = arith.extui %eq3A_5 : i1 to i32
    %cond3A_7 = arith.constant 0 : i32
    %cond3A_8 = arith.cmpi ne, %convert_element_type3A_6, %cond3A_7 : i32
    scf.if %cond3A_8 {
      "tpu.region"() ({
        %run_scoped3A = tpu.sem_alloc : memref<!tpu.dma_semaphore, #tpu.memory_space<semaphore_mem>>
        %dma_start3A_62 = arith.constant 5056 : i32
        %dma_start3A_63 = arith.constant 0 : i32
        %dma_start3A_64 = tpu.memref_slice %arg11[%dma_start3A_62, %dma_start3A_63] : memref<5120x128xf32, #tpu.memory_space<vmem_shared>> -> memref<64x128xf32, #tpu.memory_space<vmem_shared>>
        %dma_start3A_65 = arith.constant 0 : i32
        %dma_start3A_66 = arith.constant 0 : i32
        %dma_start3A_67 = tpu.memref_slice %arg4[%dma_start3A_65, %dma_start3A_66] : memref<10112x128xf32, #tpu.memory_space<hbm>> -> memref<64x128xf32, #tpu.memory_space<hbm>>
        tpu.enqueue_dma source(%dma_start3A_67 : memref<64x128xf32, #tpu.memory_space<hbm>>) target(%dma_start3A_64 : memref<64x128xf32, #tpu.memory_space<vmem_shared>>) target_semaphore(%run_scoped3A : memref<!tpu.dma_semaphore, #tpu.memory_space<semaphore_mem>>)
        %dma_wait3A_68 = arith.constant 5056 : i32
        %dma_wait3A_69 = arith.constant 0 : i32
        %dma_wait3A_70 = tpu.memref_slice %arg11[%dma_wait3A_68, %dma_wait3A_69] : memref<5120x128xf32, #tpu.memory_space<vmem_shared>> -> memref<64x128xf32, #tpu.memory_space<vmem_shared>>
        %dma_wait3A_71 = arith.constant 0 : i32
        %dma_wait3A_72 = arith.constant 0 : i32
        %dma_wait3A_73 = tpu.memref_slice %arg4[%dma_wait3A_71, %dma_wait3A_72] : memref<10112x128xf32, #tpu.memory_space<hbm>> -> memref<64x128xf32, #tpu.memory_space<hbm>>
        tpu.wait_dma2 semaphore(%run_scoped3A : memref<!tpu.dma_semaphore, #tpu.memory_space<semaphore_mem>>) src(%dma_wait3A_73 : memref<64x128xf32, #tpu.memory_space<hbm>>) dst(%dma_wait3A_70 : memref<64x128xf32, #tpu.memory_space<vmem_shared>>)
        tpu.yield
      }) : () -> ()
    } else {
    }
    %barrier3A = arith.constant 0 : index
    tpu.barrier barrier_id(%barrier3A)
    %mul3A_9 = arith.constant 16 : i32
    %mul3A_10 = arith.muli %arg0, %mul3A_9 : i32
    %add3A = arith.addi %mul3A_10, %arg1 : i32
    %mul3A_11 = arith.constant 210 : i32
    %mul3A_12 = arith.muli %add3A, %mul3A_11 : i32
    %dma_start3A = arith.constant 0 : i32
    %dma_start3A_13 = arith.constant 0 : i32
    %dma_start3A_14 = tpu.memref_slice %arg3[%mul3A_12, %dma_start3A, %dma_start3A_13] : memref<6720x12x16xi32, #tpu.memory_space<hbm>> -> memref<1x12x16xi32, #tpu.memory_space<hbm>>
    %dma_start3A_15 = tpu.memref_squeeze %dma_start3A_14 : memref<1x12x16xi32, #tpu.memory_space<hbm>> -> memref<12x16xi32, #tpu.memory_space<hbm>>
    %dma_start3A_16 = arith.constant 0 : i32
    %dma_start3A_17 = arith.constant 0 : i32
    %dma_start3A_18 = tpu.memref_slice %arg3[%mul3A_12, %dma_start3A_16, %dma_start3A_17] : memref<6720x12x16xi32, #tpu.memory_space<hbm>> -> memref<1x12x16xi32, #tpu.memory_space<hbm>>
    %dma_start3A_19 = tpu.memref_squeeze %dma_start3A_18 : memref<1x12x16xi32, #tpu.memory_space<hbm>> -> memref<12x16xi32, #tpu.memory_space<hbm>>
    tpu.enqueue_dma source(%dma_start3A_19 : memref<12x16xi32, #tpu.memory_space<hbm>>) target(%arg6 : memref<12x16xi32, #tpu.memory_space<vmem>>) target_semaphore(%arg12 : memref<!tpu.dma_semaphore, #tpu.memory_space<semaphore_mem>>)
    %add3A_20 = arith.constant 1 : i32
    %add3A_21 = arith.addi %mul3A_12, %add3A_20 : i32
    %dma_start3A_22 = arith.constant 0 : i32
    %dma_start3A_23 = arith.constant 0 : i32
    %dma_start3A_24 = tpu.memref_slice %arg3[%add3A_21, %dma_start3A_22, %dma_start3A_23] : memref<6720x12x16xi32, #tpu.memory_space<hbm>> -> memref<1x12x16xi32, #tpu.memory_space<hbm>>
    %dma_start3A_25 = tpu.memref_squeeze %dma_start3A_24 : memref<1x12x16xi32, #tpu.memory_space<hbm>> -> memref<12x16xi32, #tpu.memory_space<hbm>>
    %dma_start3A_26 = arith.constant 0 : i32
    %dma_start3A_27 = arith.constant 0 : i32
    %dma_start3A_28 = tpu.memref_slice %arg3[%add3A_21, %dma_start3A_26, %dma_start3A_27] : memref<6720x12x16xi32, #tpu.memory_space<hbm>> -> memref<1x12x16xi32, #tpu.memory_space<hbm>>
    %dma_start3A_29 = tpu.memref_squeeze %dma_start3A_28 : memref<1x12x16xi32, #tpu.memory_space<hbm>> -> memref<12x16xi32, #tpu.memory_space<hbm>>
    tpu.enqueue_dma source(%dma_start3A_29 : memref<12x16xi32, #tpu.memory_space<hbm>>) target(%arg7 : memref<12x16xi32, #tpu.memory_space<vmem>>) target_semaphore(%arg13 : memref<!tpu.dma_semaphore, #tpu.memory_space<semaphore_mem>>)
    %dma_start3A_30 = arith.constant 10096 : i32
    %dma_start3A_31 = arith.constant 0 : i32
    %dma_start3A_32 = tpu.memref_slice %arg10[%dma_start3A_30, %dma_start3A_31] : memref<10112x128xf32, #tpu.memory_space<vmem_shared>> -> memref<16x128xf32, #tpu.memory_space<vmem_shared>>
    %dma_start3A_33 = arith.constant 10096 : i32
    %dma_start3A_34 = arith.constant 0 : i32
    %dma_start3A_35 = tpu.memref_slice %arg10[%dma_start3A_33, %dma_start3A_34] : memref<10112x128xf32, #tpu.memory_space<vmem_shared>> -> memref<16x128xf32, #tpu.memory_space<vmem_shared>>
    tpu.enqueue_dma source(%arg8 : memref<16x128xf32, #tpu.memory_space<vmem>>) target(%dma_start3A_35 : memref<16x128xf32, #tpu.memory_space<vmem_shared>>) target_semaphore(%arg16 : memref<!tpu.dma_semaphore, #tpu.memory_space<semaphore_mem>>)
    %dma_start3A_36 = arith.constant 10096 : i32
    %dma_start3A_37 = arith.constant 0 : i32
    %dma_start3A_38 = tpu.memref_slice %arg10[%dma_start3A_36, %dma_start3A_37] : memref<10112x128xf32, #tpu.memory_space<vmem_shared>> -> memref<16x128xf32, #tpu.memory_space<vmem_shared>>
    %dma_start3A_39 = arith.constant 10096 : i32
    %dma_start3A_40 = arith.constant 0 : i32
    %dma_start3A_41 = tpu.memref_slice %arg10[%dma_start3A_39, %dma_start3A_40] : memref<10112x128xf32, #tpu.memory_space<vmem_shared>> -> memref<16x128xf32, #tpu.memory_space<vmem_shared>>
    tpu.enqueue_dma source(%arg9 : memref<16x128xf32, #tpu.memory_space<vmem>>) target(%dma_start3A_41 : memref<16x128xf32, #tpu.memory_space<vmem_shared>>) target_semaphore(%arg17 : memref<!tpu.dma_semaphore, #tpu.memory_space<semaphore_mem>>)
    %scan3A = arith.constant 0 : i32
    %scan3A_42 = arith.constant 105 : i32
    %scan3A_43 = arith.addi %scan3A, %scan3A_42 : i32
    %scan3A_44 = arith.constant 1 : i32
    scf.for %scan3A_62 = %scan3A to %scan3A_43 step %scan3A_44  : i32 {
      %mul3A_63 = arith.constant 2 : i32
      %mul3A_64 = arith.muli %scan3A_62, %mul3A_63 : i32
      %add3A_65 = arith.constant 0 : i32
      %add3A_66 = arith.addi %add3A_65, %mul3A_64 : i32
      %add3A_67 = arith.addi %mul3A_12, %add3A_66 : i32
      %dma_wait3A_68 = arith.constant 0 : i32
      %dma_wait3A_69 = arith.constant 0 : i32
      %dma_wait3A_70 = tpu.memref_slice %arg3[%add3A_67, %dma_wait3A_68, %dma_wait3A_69] : memref<6720x12x16xi32, #tpu.memory_space<hbm>> -> memref<1x12x16xi32, #tpu.memory_space<hbm>>
      %dma_wait3A_71 = tpu.memref_squeeze %dma_wait3A_70 : memref<1x12x16xi32, #tpu.memory_space<hbm>> -> memref<12x16xi32, #tpu.memory_space<hbm>>
      %dma_wait3A_72 = arith.constant 0 : i32
      %dma_wait3A_73 = arith.constant 0 : i32
      %dma_wait3A_74 = tpu.memref_slice %arg3[%add3A_67, %dma_wait3A_72, %dma_wait3A_73] : memref<6720x12x16xi32, #tpu.memory_space<hbm>> -> memref<1x12x16xi32, #tpu.memory_space<hbm>>
      %dma_wait3A_75 = tpu.memref_squeeze %dma_wait3A_74 : memref<1x12x16xi32, #tpu.memory_space<hbm>> -> memref<12x16xi32, #tpu.memory_space<hbm>>
      tpu.wait_dma2 semaphore(%arg12 : memref<!tpu.dma_semaphore, #tpu.memory_space<semaphore_mem>>) src(%dma_wait3A_75 : memref<12x16xi32, #tpu.memory_space<hbm>>) dst(%arg6 : memref<12x16xi32, #tpu.memory_space<vmem>>)
      %dma_wait3A_76 = arith.constant 6 : i32
      %dma_wait3A_77 = arith.constant 0 : i32
      %dma_wait3A_78 = tpu.memref_slice %arg6[%dma_wait3A_76, %dma_wait3A_77] : memref<12x16xi32, #tpu.memory_space<vmem>> -> memref<1x16xi32, #tpu.memory_space<vmem>>
      %dma_wait3A_79 = tpu.memref_squeeze %dma_wait3A_78 : memref<1x16xi32, #tpu.memory_space<vmem>> -> memref<16xi32, #tpu.memory_space<vmem>>
      %dma_wait3A_80 = arith.constant 0 : i32
      %dma_wait3A_81 = arith.constant 0 : i32
      %dma_wait3A_82 = tpu.memref_slice %arg10[%dma_wait3A_80, %dma_wait3A_81] : memref<10112x128xf32, #tpu.memory_space<vmem_shared>> -> memref<10112x128xf32, #tpu.memory_space<vmem_shared>>
      tpu.wait_indirect_dma semaphore(%arg16 : memref<!tpu.dma_semaphore, #tpu.memory_space<semaphore_mem>>) src(%arg8 : memref<16x128xf32, #tpu.memory_space<vmem>>) dst(%dma_wait3A_82 : memref<10112x128xf32, #tpu.memory_space<vmem_shared>>)
      %dma_start3A_83 = arith.constant 0 : i32
      %dma_start3A_84 = arith.constant 0 : i32
      %dma_start3A_85 = tpu.memref_slice %arg6[%dma_start3A_83, %dma_start3A_84] : memref<12x16xi32, #tpu.memory_space<vmem>> -> memref<1x16xi32, #tpu.memory_space<vmem>>
      %dma_start3A_86 = tpu.memref_squeeze %dma_start3A_85 : memref<1x16xi32, #tpu.memory_space<vmem>> -> memref<16xi32, #tpu.memory_space<vmem>>
      %dma_start3A_87 = arith.constant 0 : i32
      %dma_start3A_88 = arith.constant 0 : i32
      %dma_start3A_89 = tpu.memref_slice %arg11[%dma_start3A_87, %dma_start3A_88] : memref<5120x128xf32, #tpu.memory_space<vmem_shared>> -> memref<5120x128xf32, #tpu.memory_space<vmem_shared>>
      tpu.enqueue_indirect_dma source(%dma_start3A_89 : memref<5120x128xf32, #tpu.memory_space<vmem_shared>>) target(%arg8 : memref<16x128xf32, #tpu.memory_space<vmem>>) offsets(%dma_start3A_86 : memref<16xi32, #tpu.memory_space<vmem>>) semaphore(%arg14 : memref<!tpu.dma_semaphore, #tpu.memory_space<semaphore_mem>>)
      %dma_wait3A_90 = arith.constant 7 : i32
      %dma_wait3A_91 = arith.constant 0 : i32
      %dma_wait3A_92 = tpu.memref_slice %arg6[%dma_wait3A_90, %dma_wait3A_91] : memref<12x16xi32, #tpu.memory_space<vmem>> -> memref<1x16xi32, #tpu.memory_space<vmem>>
      %dma_wait3A_93 = tpu.memref_squeeze %dma_wait3A_92 : memref<1x16xi32, #tpu.memory_space<vmem>> -> memref<16xi32, #tpu.memory_space<vmem>>
      %dma_wait3A_94 = arith.constant 0 : i32
      %dma_wait3A_95 = arith.constant 0 : i32
      %dma_wait3A_96 = tpu.memref_slice %arg10[%dma_wait3A_94, %dma_wait3A_95] : memref<10112x128xf32, #tpu.memory_space<vmem_shared>> -> memref<10112x128xf32, #tpu.memory_space<vmem_shared>>
      tpu.wait_indirect_dma semaphore(%arg17 : memref<!tpu.dma_semaphore, #tpu.memory_space<semaphore_mem>>) src(%arg9 : memref<16x128xf32, #tpu.memory_space<vmem>>) dst(%dma_wait3A_96 : memref<10112x128xf32, #tpu.memory_space<vmem_shared>>)
      %dma_start3A_97 = arith.constant 1 : i32
      %dma_start3A_98 = arith.constant 0 : i32
      %dma_start3A_99 = tpu.memref_slice %arg6[%dma_start3A_97, %dma_start3A_98] : memref<12x16xi32, #tpu.memory_space<vmem>> -> memref<1x16xi32, #tpu.memory_space<vmem>>
      %dma_start3A_100 = tpu.memref_squeeze %dma_start3A_99 : memref<1x16xi32, #tpu.memory_space<vmem>> -> memref<16xi32, #tpu.memory_space<vmem>>
      %dma_start3A_101 = arith.constant 0 : i32
      %dma_start3A_102 = arith.constant 0 : i32
      %dma_start3A_103 = tpu.memref_slice %arg11[%dma_start3A_101, %dma_start3A_102] : memref<5120x128xf32, #tpu.memory_space<vmem_shared>> -> memref<5120x128xf32, #tpu.memory_space<vmem_shared>>
      tpu.enqueue_indirect_dma source(%dma_start3A_103 : memref<5120x128xf32, #tpu.memory_space<vmem_shared>>) target(%arg9 : memref<16x128xf32, #tpu.memory_space<vmem>>) offsets(%dma_start3A_100 : memref<16xi32, #tpu.memory_space<vmem>>) semaphore(%arg15 : memref<!tpu.dma_semaphore, #tpu.memory_space<semaphore_mem>>)
      %dma_wait3A_104 = arith.constant 0 : i32
      %dma_wait3A_105 = arith.constant 0 : i32
      %dma_wait3A_106 = tpu.memref_slice %arg6[%dma_wait3A_104, %dma_wait3A_105] : memref<12x16xi32, #tpu.memory_space<vmem>> -> memref<1x16xi32, #tpu.memory_space<vmem>>
      %dma_wait3A_107 = tpu.memref_squeeze %dma_wait3A_106 : memref<1x16xi32, #tpu.memory_space<vmem>> -> memref<16xi32, #tpu.memory_space<vmem>>
      %dma_wait3A_108 = arith.constant 0 : i32
      %dma_wait3A_109 = arith.constant 0 : i32
      %dma_wait3A_110 = tpu.memref_slice %arg11[%dma_wait3A_108, %dma_wait3A_109] : memref<5120x128xf32, #tpu.memory_space<vmem_shared>> -> memref<5120x128xf32, #tpu.memory_space<vmem_shared>>
      tpu.wait_indirect_dma semaphore(%arg14 : memref<!tpu.dma_semaphore, #tpu.memory_space<semaphore_mem>>) src(%dma_wait3A_110 : memref<5120x128xf32, #tpu.memory_space<vmem_shared>>) dst(%arg8 : memref<16x128xf32, #tpu.memory_space<vmem>>)
      %dma_start3A_111 = arith.constant 6 : i32
      %dma_start3A_112 = arith.constant 0 : i32
      %dma_start3A_113 = tpu.memref_slice %arg6[%dma_start3A_111, %dma_start3A_112] : memref<12x16xi32, #tpu.memory_space<vmem>> -> memref<1x16xi32, #tpu.memory_space<vmem>>
      %dma_start3A_114 = tpu.memref_squeeze %dma_start3A_113 : memref<1x16xi32, #tpu.memory_space<vmem>> -> memref<16xi32, #tpu.memory_space<vmem>>
      %dma_start3A_115 = arith.constant 0 : i32
      %dma_start3A_116 = arith.constant 0 : i32
      %dma_start3A_117 = tpu.memref_slice %arg10[%dma_start3A_115, %dma_start3A_116] : memref<10112x128xf32, #tpu.memory_space<vmem_shared>> -> memref<10112x128xf32, #tpu.memory_space<vmem_shared>>
      tpu.enqueue_indirect_dma source(%arg8 : memref<16x128xf32, #tpu.memory_space<vmem>>) target(%dma_start3A_117 : memref<10112x128xf32, #tpu.memory_space<vmem_shared>>) offsets(%dma_start3A_114 : memref<16xi32, #tpu.memory_space<vmem>>) semaphore(%arg16 : memref<!tpu.dma_semaphore, #tpu.memory_space<semaphore_mem>>) {add = true}
      %dma_wait3A_118 = arith.constant 8 : i32
      %dma_wait3A_119 = arith.constant 0 : i32
      %dma_wait3A_120 = tpu.memref_slice %arg6[%dma_wait3A_118, %dma_wait3A_119] : memref<12x16xi32, #tpu.memory_space<vmem>> -> memref<1x16xi32, #tpu.memory_space<vmem>>
      %dma_wait3A_121 = tpu.memref_squeeze %dma_wait3A_120 : memref<1x16xi32, #tpu.memory_space<vmem>> -> memref<16xi32, #tpu.memory_space<vmem>>
      %dma_wait3A_122 = arith.constant 0 : i32
      %dma_wait3A_123 = arith.constant 0 : i32
      %dma_wait3A_124 = tpu.memref_slice %arg10[%dma_wait3A_122, %dma_wait3A_123] : memref<10112x128xf32, #tpu.memory_space<vmem_shared>> -> memref<10112x128xf32, #tpu.memory_space<vmem_shared>>
      tpu.wait_indirect_dma semaphore(%arg16 : memref<!tpu.dma_semaphore, #tpu.memory_space<semaphore_mem>>) src(%arg8 : memref<16x128xf32, #tpu.memory_space<vmem>>) dst(%dma_wait3A_124 : memref<10112x128xf32, #tpu.memory_space<vmem_shared>>)
      %dma_start3A_125 = arith.constant 2 : i32
      %dma_start3A_126 = arith.constant 0 : i32
      %dma_start3A_127 = tpu.memref_slice %arg6[%dma_start3A_125, %dma_start3A_126] : memref<12x16xi32, #tpu.memory_space<vmem>> -> memref<1x16xi32, #tpu.memory_space<vmem>>
      %dma_start3A_128 = tpu.memref_squeeze %dma_start3A_127 : memref<1x16xi32, #tpu.memory_space<vmem>> -> memref<16xi32, #tpu.memory_space<vmem>>
      %dma_start3A_129 = arith.constant 0 : i32
      %dma_start3A_130 = arith.constant 0 : i32
      %dma_start3A_131 = tpu.memref_slice %arg11[%dma_start3A_129, %dma_start3A_130] : memref<5120x128xf32, #tpu.memory_space<vmem_shared>> -> memref<5120x128xf32, #tpu.memory_space<vmem_shared>>
      tpu.enqueue_indirect_dma source(%dma_start3A_131 : memref<5120x128xf32, #tpu.memory_space<vmem_shared>>) target(%arg8 : memref<16x128xf32, #tpu.memory_space<vmem>>) offsets(%dma_start3A_128 : memref<16xi32, #tpu.memory_space<vmem>>) semaphore(%arg14 : memref<!tpu.dma_semaphore, #tpu.memory_space<semaphore_mem>>)
      %dma_wait3A_132 = arith.constant 1 : i32
      %dma_wait3A_133 = arith.constant 0 : i32
      %dma_wait3A_134 = tpu.memref_slice %arg6[%dma_wait3A_132, %dma_wait3A_133] : memref<12x16xi32, #tpu.memory_space<vmem>> -> memref<1x16xi32, #tpu.memory_space<vmem>>
      %dma_wait3A_135 = tpu.memref_squeeze %dma_wait3A_134 : memref<1x16xi32, #tpu.memory_space<vmem>> -> memref<16xi32, #tpu.memory_space<vmem>>
      %dma_wait3A_136 = arith.constant 0 : i32
      %dma_wait3A_137 = arith.constant 0 : i32
      %dma_wait3A_138 = tpu.memref_slice %arg11[%dma_wait3A_136, %dma_wait3A_137] : memref<5120x128xf32, #tpu.memory_space<vmem_shared>> -> memref<5120x128xf32, #tpu.memory_space<vmem_shared>>
      tpu.wait_indirect_dma semaphore(%arg15 : memref<!tpu.dma_semaphore, #tpu.memory_space<semaphore_mem>>) src(%dma_wait3A_138 : memref<5120x128xf32, #tpu.memory_space<vmem_shared>>) dst(%arg9 : memref<16x128xf32, #tpu.memory_space<vmem>>)
      %dma_start3A_139 = arith.constant 7 : i32
      %dma_start3A_140 = arith.constant 0 : i32
      %dma_start3A_141 = tpu.memref_slice %arg6[%dma_start3A_139, %dma_start3A_140] : memref<12x16xi32, #tpu.memory_space<vmem>> -> memref<1x16xi32, #tpu.memory_space<vmem>>
      %dma_start3A_142 = tpu.memref_squeeze %dma_start3A_141 : memref<1x16xi32, #tpu.memory_space<vmem>> -> memref<16xi32, #tpu.memory_space<vmem>>
      %dma_start3A_143 = arith.constant 0 : i32
      %dma_start3A_144 = arith.constant 0 : i32
      %dma_start3A_145 = tpu.memref_slice %arg10[%dma_start3A_143, %dma_start3A_144] : memref<10112x128xf32, #tpu.memory_space<vmem_shared>> -> memref<10112x128xf32, #tpu.memory_space<vmem_shared>>
      tpu.enqueue_indirect_dma source(%arg9 : memref<16x128xf32, #tpu.memory_space<vmem>>) target(%dma_start3A_145 : memref<10112x128xf32, #tpu.memory_space<vmem_shared>>) offsets(%dma_start3A_142 : memref<16xi32, #tpu.memory_space<vmem>>) semaphore(%arg17 : memref<!tpu.dma_semaphore, #tpu.memory_space<semaphore_mem>>) {add = true}
      %dma_wait3A_146 = arith.constant 9 : i32
      %dma_wait3A_147 = arith.constant 0 : i32
      %dma_wait3A_148 = tpu.memref_slice %arg6[%dma_wait3A_146, %dma_wait3A_147] : memref<12x16xi32, #tpu.memory_space<vmem>> -> memref<1x16xi32, #tpu.memory_space<vmem>>
      %dma_wait3A_149 = tpu.memref_squeeze %dma_wait3A_148 : memref<1x16xi32, #tpu.memory_space<vmem>> -> memref<16xi32, #tpu.memory_space<vmem>>
      %dma_wait3A_150 = arith.constant 0 : i32
      %dma_wait3A_151 = arith.constant 0 : i32
      %dma_wait3A_152 = tpu.memref_slice %arg10[%dma_wait3A_150, %dma_wait3A_151] : memref<10112x128xf32, #tpu.memory_space<vmem_shared>> -> memref<10112x128xf32, #tpu.memory_space<vmem_shared>>
      tpu.wait_indirect_dma semaphore(%arg17 : memref<!tpu.dma_semaphore, #tpu.memory_space<semaphore_mem>>) src(%arg9 : memref<16x128xf32, #tpu.memory_space<vmem>>) dst(%dma_wait3A_152 : memref<10112x128xf32, #tpu.memory_space<vmem_shared>>)
      %dma_start3A_153 = arith.constant 3 : i32
      %dma_start3A_154 = arith.constant 0 : i32
      %dma_start3A_155 = tpu.memref_slice %arg6[%dma_start3A_153, %dma_start3A_154] : memref<12x16xi32, #tpu.memory_space<vmem>> -> memref<1x16xi32, #tpu.memory_space<vmem>>
      %dma_start3A_156 = tpu.memref_squeeze %dma_start3A_155 : memref<1x16xi32, #tpu.memory_space<vmem>> -> memref<16xi32, #tpu.memory_space<vmem>>
      %dma_start3A_157 = arith.constant 0 : i32
      %dma_start3A_158 = arith.constant 0 : i32
      %dma_start3A_159 = tpu.memref_slice %arg11[%dma_start3A_157, %dma_start3A_158] : memref<5120x128xf32, #tpu.memory_space<vmem_shared>> -> memref<5120x128xf32, #tpu.memory_space<vmem_shared>>
      tpu.enqueue_indirect_dma source(%dma_start3A_159 : memref<5120x128xf32, #tpu.memory_space<vmem_shared>>) target(%arg9 : memref<16x128xf32, #tpu.memory_space<vmem>>) offsets(%dma_start3A_156 : memref<16xi32, #tpu.memory_space<vmem>>) semaphore(%arg15 : memref<!tpu.dma_semaphore, #tpu.memory_space<semaphore_mem>>)
      %dma_wait3A_160 = arith.constant 2 : i32
      %dma_wait3A_161 = arith.constant 0 : i32
      %dma_wait3A_162 = tpu.memref_slice %arg6[%dma_wait3A_160, %dma_wait3A_161] : memref<12x16xi32, #tpu.memory_space<vmem>> -> memref<1x16xi32, #tpu.memory_space<vmem>>
      %dma_wait3A_163 = tpu.memref_squeeze %dma_wait3A_162 : memref<1x16xi32, #tpu.memory_space<vmem>> -> memref<16xi32, #tpu.memory_space<vmem>>
      %dma_wait3A_164 = arith.constant 0 : i32
      %dma_wait3A_165 = arith.constant 0 : i32
      %dma_wait3A_166 = tpu.memref_slice %arg11[%dma_wait3A_164, %dma_wait3A_165] : memref<5120x128xf32, #tpu.memory_space<vmem_shared>> -> memref<5120x128xf32, #tpu.memory_space<vmem_shared>>
      tpu.wait_indirect_dma semaphore(%arg14 : memref<!tpu.dma_semaphore, #tpu.memory_space<semaphore_mem>>) src(%dma_wait3A_166 : memref<5120x128xf32, #tpu.memory_space<vmem_shared>>) dst(%arg8 : memref<16x128xf32, #tpu.memory_space<vmem>>)
      %dma_start3A_167 = arith.constant 8 : i32
      %dma_start3A_168 = arith.constant 0 : i32
      %dma_start3A_169 = tpu.memref_slice %arg6[%dma_start3A_167, %dma_start3A_168] : memref<12x16xi32, #tpu.memory_space<vmem>> -> memref<1x16xi32, #tpu.memory_space<vmem>>
      %dma_start3A_170 = tpu.memref_squeeze %dma_start3A_169 : memref<1x16xi32, #tpu.memory_space<vmem>> -> memref<16xi32, #tpu.memory_space<vmem>>
      %dma_start3A_171 = arith.constant 0 : i32
      %dma_start3A_172 = arith.constant 0 : i32
      %dma_start3A_173 = tpu.memref_slice %arg10[%dma_start3A_171, %dma_start3A_172] : memref<10112x128xf32, #tpu.memory_space<vmem_shared>> -> memref<10112x128xf32, #tpu.memory_space<vmem_shared>>
      tpu.enqueue_indirect_dma source(%arg8 : memref<16x128xf32, #tpu.memory_space<vmem>>) target(%dma_start3A_173 : memref<10112x128xf32, #tpu.memory_space<vmem_shared>>) offsets(%dma_start3A_170 : memref<16xi32, #tpu.memory_space<vmem>>) semaphore(%arg16 : memref<!tpu.dma_semaphore, #tpu.memory_space<semaphore_mem>>) {add = true}
      %dma_wait3A_174 = arith.constant 10 : i32
      %dma_wait3A_175 = arith.constant 0 : i32
      %dma_wait3A_176 = tpu.memref_slice %arg6[%dma_wait3A_174, %dma_wait3A_175] : memref<12x16xi32, #tpu.memory_space<vmem>> -> memref<1x16xi32, #tpu.memory_space<vmem>>
      %dma_wait3A_177 = tpu.memref_squeeze %dma_wait3A_176 : memref<1x16xi32, #tpu.memory_space<vmem>> -> memref<16xi32, #tpu.memory_space<vmem>>
      %dma_wait3A_178 = arith.constant 0 : i32
      %dma_wait3A_179 = arith.constant 0 : i32
      %dma_wait3A_180 = tpu.memref_slice %arg10[%dma_wait3A_178, %dma_wait3A_179] : memref<10112x128xf32, #tpu.memory_space<vmem_shared>> -> memref<10112x128xf32, #tpu.memory_space<vmem_shared>>
      tpu.wait_indirect_dma semaphore(%arg16 : memref<!tpu.dma_semaphore, #tpu.memory_space<semaphore_mem>>) src(%arg8 : memref<16x128xf32, #tpu.memory_space<vmem>>) dst(%dma_wait3A_180 : memref<10112x128xf32, #tpu.memory_space<vmem_shared>>)
      %dma_start3A_181 = arith.constant 4 : i32
      %dma_start3A_182 = arith.constant 0 : i32
      %dma_start3A_183 = tpu.memref_slice %arg6[%dma_start3A_181, %dma_start3A_182] : memref<12x16xi32, #tpu.memory_space<vmem>> -> memref<1x16xi32, #tpu.memory_space<vmem>>
      %dma_start3A_184 = tpu.memref_squeeze %dma_start3A_183 : memref<1x16xi32, #tpu.memory_space<vmem>> -> memref<16xi32, #tpu.memory_space<vmem>>
      %dma_start3A_185 = arith.constant 0 : i32
      %dma_start3A_186 = arith.constant 0 : i32
      %dma_start3A_187 = tpu.memref_slice %arg11[%dma_start3A_185, %dma_start3A_186] : memref<5120x128xf32, #tpu.memory_space<vmem_shared>> -> memref<5120x128xf32, #tpu.memory_space<vmem_shared>>
      tpu.enqueue_indirect_dma source(%dma_start3A_187 : memref<5120x128xf32, #tpu.memory_space<vmem_shared>>) target(%arg8 : memref<16x128xf32, #tpu.memory_space<vmem>>) offsets(%dma_start3A_184 : memref<16xi32, #tpu.memory_space<vmem>>) semaphore(%arg14 : memref<!tpu.dma_semaphore, #tpu.memory_space<semaphore_mem>>)
      %dma_wait3A_188 = arith.constant 3 : i32
      %dma_wait3A_189 = arith.constant 0 : i32
      %dma_wait3A_190 = tpu.memref_slice %arg6[%dma_wait3A_188, %dma_wait3A_189] : memref<12x16xi32, #tpu.memory_space<vmem>> -> memref<1x16xi32, #tpu.memory_space<vmem>>
      %dma_wait3A_191 = tpu.memref_squeeze %dma_wait3A_190 : memref<1x16xi32, #tpu.memory_space<vmem>> -> memref<16xi32, #tpu.memory_space<vmem>>
      %dma_wait3A_192 = arith.constant 0 : i32
      %dma_wait3A_193 = arith.constant 0 : i32
      %dma_wait3A_194 = tpu.memref_slice %arg11[%dma_wait3A_192, %dma_wait3A_193] : memref<5120x128xf32, #tpu.memory_space<vmem_shared>> -> memref<5120x128xf32, #tpu.memory_space<vmem_shared>>
      tpu.wait_indirect_dma semaphore(%arg15 : memref<!tpu.dma_semaphore, #tpu.memory_space<semaphore_mem>>) src(%dma_wait3A_194 : memref<5120x128xf32, #tpu.memory_space<vmem_shared>>) dst(%arg9 : memref<16x128xf32, #tpu.memory_space<vmem>>)
      %dma_start3A_195 = arith.constant 9 : i32
      %dma_start3A_196 = arith.constant 0 : i32
      %dma_start3A_197 = tpu.memref_slice %arg6[%dma_start3A_195, %dma_start3A_196] : memref<12x16xi32, #tpu.memory_space<vmem>> -> memref<1x16xi32, #tpu.memory_space<vmem>>
      %dma_start3A_198 = tpu.memref_squeeze %dma_start3A_197 : memref<1x16xi32, #tpu.memory_space<vmem>> -> memref<16xi32, #tpu.memory_space<vmem>>
      %dma_start3A_199 = arith.constant 0 : i32
      %dma_start3A_200 = arith.constant 0 : i32
      %dma_start3A_201 = tpu.memref_slice %arg10[%dma_start3A_199, %dma_start3A_200] : memref<10112x128xf32, #tpu.memory_space<vmem_shared>> -> memref<10112x128xf32, #tpu.memory_space<vmem_shared>>
      tpu.enqueue_indirect_dma source(%arg9 : memref<16x128xf32, #tpu.memory_space<vmem>>) target(%dma_start3A_201 : memref<10112x128xf32, #tpu.memory_space<vmem_shared>>) offsets(%dma_start3A_198 : memref<16xi32, #tpu.memory_space<vmem>>) semaphore(%arg17 : memref<!tpu.dma_semaphore, #tpu.memory_space<semaphore_mem>>) {add = true}
      %dma_wait3A_202 = arith.constant 11 : i32
      %dma_wait3A_203 = arith.constant 0 : i32
      %dma_wait3A_204 = tpu.memref_slice %arg6[%dma_wait3A_202, %dma_wait3A_203] : memref<12x16xi32, #tpu.memory_space<vmem>> -> memref<1x16xi32, #tpu.memory_space<vmem>>
      %dma_wait3A_205 = tpu.memref_squeeze %dma_wait3A_204 : memref<1x16xi32, #tpu.memory_space<vmem>> -> memref<16xi32, #tpu.memory_space<vmem>>
      %dma_wait3A_206 = arith.constant 0 : i32
      %dma_wait3A_207 = arith.constant 0 : i32
      %dma_wait3A_208 = tpu.memref_slice %arg10[%dma_wait3A_206, %dma_wait3A_207] : memref<10112x128xf32, #tpu.memory_space<vmem_shared>> -> memref<10112x128xf32, #tpu.memory_space<vmem_shared>>
      tpu.wait_indirect_dma semaphore(%arg17 : memref<!tpu.dma_semaphore, #tpu.memory_space<semaphore_mem>>) src(%arg9 : memref<16x128xf32, #tpu.memory_space<vmem>>) dst(%dma_wait3A_208 : memref<10112x128xf32, #tpu.memory_space<vmem_shared>>)
      %dma_start3A_209 = arith.constant 5 : i32
      %dma_start3A_210 = arith.constant 0 : i32
      %dma_start3A_211 = tpu.memref_slice %arg6[%dma_start3A_209, %dma_start3A_210] : memref<12x16xi32, #tpu.memory_space<vmem>> -> memref<1x16xi32, #tpu.memory_space<vmem>>
      %dma_start3A_212 = tpu.memref_squeeze %dma_start3A_211 : memref<1x16xi32, #tpu.memory_space<vmem>> -> memref<16xi32, #tpu.memory_space<vmem>>
      %dma_start3A_213 = arith.constant 0 : i32
      %dma_start3A_214 = arith.constant 0 : i32
      %dma_start3A_215 = tpu.memref_slice %arg11[%dma_start3A_213, %dma_start3A_214] : memref<5120x128xf32, #tpu.memory_space<vmem_shared>> -> memref<5120x128xf32, #tpu.memory_space<vmem_shared>>
      tpu.enqueue_indirect_dma source(%dma_start3A_215 : memref<5120x128xf32, #tpu.memory_space<vmem_shared>>) target(%arg9 : memref<16x128xf32, #tpu.memory_space<vmem>>) offsets(%dma_start3A_212 : memref<16xi32, #tpu.memory_space<vmem>>) semaphore(%arg15 : memref<!tpu.dma_semaphore, #tpu.memory_space<semaphore_mem>>)
      %dma_wait3A_216 = arith.constant 4 : i32
      %dma_wait3A_217 = arith.constant 0 : i32
      %dma_wait3A_218 = tpu.memref_slice %arg6[%dma_wait3A_216, %dma_wait3A_217] : memref<12x16xi32, #tpu.memory_space<vmem>> -> memref<1x16xi32, #tpu.memory_space<vmem>>
      %dma_wait3A_219 = tpu.memref_squeeze %dma_wait3A_218 : memref<1x16xi32, #tpu.memory_space<vmem>> -> memref<16xi32, #tpu.memory_space<vmem>>
      %dma_wait3A_220 = arith.constant 0 : i32
      %dma_wait3A_221 = arith.constant 0 : i32
      %dma_wait3A_222 = tpu.memref_slice %arg11[%dma_wait3A_220, %dma_wait3A_221] : memref<5120x128xf32, #tpu.memory_space<vmem_shared>> -> memref<5120x128xf32, #tpu.memory_space<vmem_shared>>
      tpu.wait_indirect_dma semaphore(%arg14 : memref<!tpu.dma_semaphore, #tpu.memory_space<semaphore_mem>>) src(%dma_wait3A_222 : memref<5120x128xf32, #tpu.memory_space<vmem_shared>>) dst(%arg8 : memref<16x128xf32, #tpu.memory_space<vmem>>)
      %dma_start3A_223 = arith.constant 10 : i32
      %dma_start3A_224 = arith.constant 0 : i32
      %dma_start3A_225 = tpu.memref_slice %arg6[%dma_start3A_223, %dma_start3A_224] : memref<12x16xi32, #tpu.memory_space<vmem>> -> memref<1x16xi32, #tpu.memory_space<vmem>>
      %dma_start3A_226 = tpu.memref_squeeze %dma_start3A_225 : memref<1x16xi32, #tpu.memory_space<vmem>> -> memref<16xi32, #tpu.memory_space<vmem>>
      %dma_start3A_227 = arith.constant 0 : i32
      %dma_start3A_228 = arith.constant 0 : i32
      %dma_start3A_229 = tpu.memref_slice %arg10[%dma_start3A_227, %dma_start3A_228] : memref<10112x128xf32, #tpu.memory_space<vmem_shared>> -> memref<10112x128xf32, #tpu.memory_space<vmem_shared>>
      tpu.enqueue_indirect_dma source(%arg8 : memref<16x128xf32, #tpu.memory_space<vmem>>) target(%dma_start3A_229 : memref<10112x128xf32, #tpu.memory_space<vmem_shared>>) offsets(%dma_start3A_226 : memref<16xi32, #tpu.memory_space<vmem>>) semaphore(%arg16 : memref<!tpu.dma_semaphore, #tpu.memory_space<semaphore_mem>>) {add = true}
      %dma_wait3A_230 = arith.constant 5 : i32
      %dma_wait3A_231 = arith.constant 0 : i32
      %dma_wait3A_232 = tpu.memref_slice %arg6[%dma_wait3A_230, %dma_wait3A_231] : memref<12x16xi32, #tpu.memory_space<vmem>> -> memref<1x16xi32, #tpu.memory_space<vmem>>
      %dma_wait3A_233 = tpu.memref_squeeze %dma_wait3A_232 : memref<1x16xi32, #tpu.memory_space<vmem>> -> memref<16xi32, #tpu.memory_space<vmem>>
      %dma_wait3A_234 = arith.constant 0 : i32
      %dma_wait3A_235 = arith.constant 0 : i32
      %dma_wait3A_236 = tpu.memref_slice %arg11[%dma_wait3A_234, %dma_wait3A_235] : memref<5120x128xf32, #tpu.memory_space<vmem_shared>> -> memref<5120x128xf32, #tpu.memory_space<vmem_shared>>
      tpu.wait_indirect_dma semaphore(%arg15 : memref<!tpu.dma_semaphore, #tpu.memory_space<semaphore_mem>>) src(%dma_wait3A_236 : memref<5120x128xf32, #tpu.memory_space<vmem_shared>>) dst(%arg9 : memref<16x128xf32, #tpu.memory_space<vmem>>)
      %dma_start3A_237 = arith.constant 11 : i32
      %dma_start3A_238 = arith.constant 0 : i32
      %dma_start3A_239 = tpu.memref_slice %arg6[%dma_start3A_237, %dma_start3A_238] : memref<12x16xi32, #tpu.memory_space<vmem>> -> memref<1x16xi32, #tpu.memory_space<vmem>>
      %dma_start3A_240 = tpu.memref_squeeze %dma_start3A_239 : memref<1x16xi32, #tpu.memory_space<vmem>> -> memref<16xi32, #tpu.memory_space<vmem>>
      %dma_start3A_241 = arith.constant 0 : i32
      %dma_start3A_242 = arith.constant 0 : i32
      %dma_start3A_243 = tpu.memref_slice %arg10[%dma_start3A_241, %dma_start3A_242] : memref<10112x128xf32, #tpu.memory_space<vmem_shared>> -> memref<10112x128xf32, #tpu.memory_space<vmem_shared>>
      tpu.enqueue_indirect_dma source(%arg9 : memref<16x128xf32, #tpu.memory_space<vmem>>) target(%dma_start3A_243 : memref<10112x128xf32, #tpu.memory_space<vmem_shared>>) offsets(%dma_start3A_240 : memref<16xi32, #tpu.memory_space<vmem>>) semaphore(%arg17 : memref<!tpu.dma_semaphore, #tpu.memory_space<semaphore_mem>>) {add = true}
      %add3A_244 = arith.constant 2 : i32
      %add3A_245 = arith.addi %add3A_66, %add3A_244 : i32
      %lt3A_246 = arith.constant 210 : i32
      %lt3A_247 = arith.cmpi slt, %add3A_245, %lt3A_246 : i32
      %convert_element_type3A_248 = arith.extui %lt3A_247 : i1 to i32
      %cond3A_249 = arith.constant 0 : i32
      %cond3A_250 = arith.cmpi ne, %convert_element_type3A_248, %cond3A_249 : i32
      scf.if %cond3A_250 {
        %add3A_437 = arith.addi %mul3A_12, %add3A_66 : i32
        %add3A_438 = arith.constant 2 : i32
        %add3A_439 = arith.addi %add3A_437, %add3A_438 : i32
        %dma_start3A_440 = arith.constant 0 : i32
        %dma_start3A_441 = arith.constant 0 : i32
        %dma_start3A_442 = tpu.memref_slice %arg3[%add3A_439, %dma_start3A_440, %dma_start3A_441] : memref<6720x12x16xi32, #tpu.memory_space<hbm>> -> memref<1x12x16xi32, #tpu.memory_space<hbm>>
        %dma_start3A_443 = tpu.memref_squeeze %dma_start3A_442 : memref<1x12x16xi32, #tpu.memory_space<hbm>> -> memref<12x16xi32, #tpu.memory_space<hbm>>
        %dma_start3A_444 = arith.constant 0 : i32
        %dma_start3A_445 = arith.constant 0 : i32
        %dma_start3A_446 = tpu.memref_slice %arg3[%add3A_439, %dma_start3A_444, %dma_start3A_445] : memref<6720x12x16xi32, #tpu.memory_space<hbm>> -> memref<1x12x16xi32, #tpu.memory_space<hbm>>
        %dma_start3A_447 = tpu.memref_squeeze %dma_start3A_446 : memref<1x12x16xi32, #tpu.memory_space<hbm>> -> memref<12x16xi32, #tpu.memory_space<hbm>>
        tpu.enqueue_dma source(%dma_start3A_447 : memref<12x16xi32, #tpu.memory_space<hbm>>) target(%arg6 : memref<12x16xi32, #tpu.memory_space<vmem>>) target_semaphore(%arg12 : memref<!tpu.dma_semaphore, #tpu.memory_space<semaphore_mem>>)
      } else {
      }
      %add3A_251 = arith.addi %mul3A_12, %add3A_66 : i32
      %add3A_252 = arith.constant 1 : i32
      %add3A_253 = arith.addi %add3A_251, %add3A_252 : i32
      %dma_wait3A_254 = arith.constant 0 : i32
      %dma_wait3A_255 = arith.constant 0 : i32
      %dma_wait3A_256 = tpu.memref_slice %arg3[%add3A_253, %dma_wait3A_254, %dma_wait3A_255] : memref<6720x12x16xi32, #tpu.memory_space<hbm>> -> memref<1x12x16xi32, #tpu.memory_space<hbm>>
      %dma_wait3A_257 = tpu.memref_squeeze %dma_wait3A_256 : memref<1x12x16xi32, #tpu.memory_space<hbm>> -> memref<12x16xi32, #tpu.memory_space<hbm>>
      %dma_wait3A_258 = arith.constant 0 : i32
      %dma_wait3A_259 = arith.constant 0 : i32
      %dma_wait3A_260 = tpu.memref_slice %arg3[%add3A_253, %dma_wait3A_258, %dma_wait3A_259] : memref<6720x12x16xi32, #tpu.memory_space<hbm>> -> memref<1x12x16xi32, #tpu.memory_space<hbm>>
      %dma_wait3A_261 = tpu.memref_squeeze %dma_wait3A_260 : memref<1x12x16xi32, #tpu.memory_space<hbm>> -> memref<12x16xi32, #tpu.memory_space<hbm>>
      tpu.wait_dma2 semaphore(%arg13 : memref<!tpu.dma_semaphore, #tpu.memory_space<semaphore_mem>>) src(%dma_wait3A_261 : memref<12x16xi32, #tpu.memory_space<hbm>>) dst(%arg7 : memref<12x16xi32, #tpu.memory_space<vmem>>)
      %dma_wait3A_262 = arith.constant 6 : i32
      %dma_wait3A_263 = arith.constant 0 : i32
      %dma_wait3A_264 = tpu.memref_slice %arg7[%dma_wait3A_262, %dma_wait3A_263] : memref<12x16xi32, #tpu.memory_space<vmem>> -> memref<1x16xi32, #tpu.memory_space<vmem>>
      %dma_wait3A_265 = tpu.memref_squeeze %dma_wait3A_264 : memref<1x16xi32, #tpu.memory_space<vmem>> -> memref<16xi32, #tpu.memory_space<vmem>>
      %dma_wait3A_266 = arith.constant 0 : i32
      %dma_wait3A_267 = arith.constant 0 : i32
      %dma_wait3A_268 = tpu.memref_slice %arg10[%dma_wait3A_266, %dma_wait3A_267] : memref<10112x128xf32, #tpu.memory_space<vmem_shared>> -> memref<10112x128xf32, #tpu.memory_space<vmem_shared>>
      tpu.wait_indirect_dma semaphore(%arg16 : memref<!tpu.dma_semaphore, #tpu.memory_space<semaphore_mem>>) src(%arg8 : memref<16x128xf32, #tpu.memory_space<vmem>>) dst(%dma_wait3A_268 : memref<10112x128xf32, #tpu.memory_space<vmem_shared>>)
      %dma_start3A_269 = arith.constant 0 : i32
      %dma_start3A_270 = arith.constant 0 : i32
      %dma_start3A_271 = tpu.memref_slice %arg7[%dma_start3A_269, %dma_start3A_270] : memref<12x16xi32, #tpu.memory_space<vmem>> -> memref<1x16xi32, #tpu.memory_space<vmem>>
      %dma_start3A_272 = tpu.memref_squeeze %dma_start3A_271 : memref<1x16xi32, #tpu.memory_space<vmem>> -> memref<16xi32, #tpu.memory_space<vmem>>
      %dma_start3A_273 = arith.constant 0 : i32
      %dma_start3A_274 = arith.constant 0 : i32
      %dma_start3A_275 = tpu.memref_slice %arg11[%dma_start3A_273, %dma_start3A_274] : memref<5120x128xf32, #tpu.memory_space<vmem_shared>> -> memref<5120x128xf32, #tpu.memory_space<vmem_shared>>
      tpu.enqueue_indirect_dma source(%dma_start3A_275 : memref<5120x128xf32, #tpu.memory_space<vmem_shared>>) target(%arg8 : memref<16x128xf32, #tpu.memory_space<vmem>>) offsets(%dma_start3A_272 : memref<16xi32, #tpu.memory_space<vmem>>) semaphore(%arg14 : memref<!tpu.dma_semaphore, #tpu.memory_space<semaphore_mem>>)
      %dma_wait3A_276 = arith.constant 7 : i32
      %dma_wait3A_277 = arith.constant 0 : i32
      %dma_wait3A_278 = tpu.memref_slice %arg7[%dma_wait3A_276, %dma_wait3A_277] : memref<12x16xi32, #tpu.memory_space<vmem>> -> memref<1x16xi32, #tpu.memory_space<vmem>>
      %dma_wait3A_279 = tpu.memref_squeeze %dma_wait3A_278 : memref<1x16xi32, #tpu.memory_space<vmem>> -> memref<16xi32, #tpu.memory_space<vmem>>
      %dma_wait3A_280 = arith.constant 0 : i32
      %dma_wait3A_281 = arith.constant 0 : i32
      %dma_wait3A_282 = tpu.memref_slice %arg10[%dma_wait3A_280, %dma_wait3A_281] : memref<10112x128xf32, #tpu.memory_space<vmem_shared>> -> memref<10112x128xf32, #tpu.memory_space<vmem_shared>>
      tpu.wait_indirect_dma semaphore(%arg17 : memref<!tpu.dma_semaphore, #tpu.memory_space<semaphore_mem>>) src(%arg9 : memref<16x128xf32, #tpu.memory_space<vmem>>) dst(%dma_wait3A_282 : memref<10112x128xf32, #tpu.memory_space<vmem_shared>>)
      %dma_start3A_283 = arith.constant 1 : i32
      %dma_start3A_284 = arith.constant 0 : i32
      %dma_start3A_285 = tpu.memref_slice %arg7[%dma_start3A_283, %dma_start3A_284] : memref<12x16xi32, #tpu.memory_space<vmem>> -> memref<1x16xi32, #tpu.memory_space<vmem>>
      %dma_start3A_286 = tpu.memref_squeeze %dma_start3A_285 : memref<1x16xi32, #tpu.memory_space<vmem>> -> memref<16xi32, #tpu.memory_space<vmem>>
      %dma_start3A_287 = arith.constant 0 : i32
      %dma_start3A_288 = arith.constant 0 : i32
      %dma_start3A_289 = tpu.memref_slice %arg11[%dma_start3A_287, %dma_start3A_288] : memref<5120x128xf32, #tpu.memory_space<vmem_shared>> -> memref<5120x128xf32, #tpu.memory_space<vmem_shared>>
      tpu.enqueue_indirect_dma source(%dma_start3A_289 : memref<5120x128xf32, #tpu.memory_space<vmem_shared>>) target(%arg9 : memref<16x128xf32, #tpu.memory_space<vmem>>) offsets(%dma_start3A_286 : memref<16xi32, #tpu.memory_space<vmem>>) semaphore(%arg15 : memref<!tpu.dma_semaphore, #tpu.memory_space<semaphore_mem>>)
      %dma_wait3A_290 = arith.constant 0 : i32
      %dma_wait3A_291 = arith.constant 0 : i32
      %dma_wait3A_292 = tpu.memref_slice %arg7[%dma_wait3A_290, %dma_wait3A_291] : memref<12x16xi32, #tpu.memory_space<vmem>> -> memref<1x16xi32, #tpu.memory_space<vmem>>
      %dma_wait3A_293 = tpu.memref_squeeze %dma_wait3A_292 : memref<1x16xi32, #tpu.memory_space<vmem>> -> memref<16xi32, #tpu.memory_space<vmem>>
      %dma_wait3A_294 = arith.constant 0 : i32
      %dma_wait3A_295 = arith.constant 0 : i32
      %dma_wait3A_296 = tpu.memref_slice %arg11[%dma_wait3A_294, %dma_wait3A_295] : memref<5120x128xf32, #tpu.memory_space<vmem_shared>> -> memref<5120x128xf32, #tpu.memory_space<vmem_shared>>
      tpu.wait_indirect_dma semaphore(%arg14 : memref<!tpu.dma_semaphore, #tpu.memory_space<semaphore_mem>>) src(%dma_wait3A_296 : memref<5120x128xf32, #tpu.memory_space<vmem_shared>>) dst(%arg8 : memref<16x128xf32, #tpu.memory_space<vmem>>)
      %dma_start3A_297 = arith.constant 6 : i32
      %dma_start3A_298 = arith.constant 0 : i32
      %dma_start3A_299 = tpu.memref_slice %arg7[%dma_start3A_297, %dma_start3A_298] : memref<12x16xi32, #tpu.memory_space<vmem>> -> memref<1x16xi32, #tpu.memory_space<vmem>>
      %dma_start3A_300 = tpu.memref_squeeze %dma_start3A_299 : memref<1x16xi32, #tpu.memory_space<vmem>> -> memref<16xi32, #tpu.memory_space<vmem>>
      %dma_start3A_301 = arith.constant 0 : i32
      %dma_start3A_302 = arith.constant 0 : i32
      %dma_start3A_303 = tpu.memref_slice %arg10[%dma_start3A_301, %dma_start3A_302] : memref<10112x128xf32, #tpu.memory_space<vmem_shared>> -> memref<10112x128xf32, #tpu.memory_space<vmem_shared>>
      tpu.enqueue_indirect_dma source(%arg8 : memref<16x128xf32, #tpu.memory_space<vmem>>) target(%dma_start3A_303 : memref<10112x128xf32, #tpu.memory_space<vmem_shared>>) offsets(%dma_start3A_300 : memref<16xi32, #tpu.memory_space<vmem>>) semaphore(%arg16 : memref<!tpu.dma_semaphore, #tpu.memory_space<semaphore_mem>>) {add = true}
      %dma_wait3A_304 = arith.constant 8 : i32
      %dma_wait3A_305 = arith.constant 0 : i32
      %dma_wait3A_306 = tpu.memref_slice %arg7[%dma_wait3A_304, %dma_wait3A_305] : memref<12x16xi32, #tpu.memory_space<vmem>> -> memref<1x16xi32, #tpu.memory_space<vmem>>
      %dma_wait3A_307 = tpu.memref_squeeze %dma_wait3A_306 : memref<1x16xi32, #tpu.memory_space<vmem>> -> memref<16xi32, #tpu.memory_space<vmem>>
      %dma_wait3A_308 = arith.constant 0 : i32
      %dma_wait3A_309 = arith.constant 0 : i32
      %dma_wait3A_310 = tpu.memref_slice %arg10[%dma_wait3A_308, %dma_wait3A_309] : memref<10112x128xf32, #tpu.memory_space<vmem_shared>> -> memref<10112x128xf32, #tpu.memory_space<vmem_shared>>
      tpu.wait_indirect_dma semaphore(%arg16 : memref<!tpu.dma_semaphore, #tpu.memory_space<semaphore_mem>>) src(%arg8 : memref<16x128xf32, #tpu.memory_space<vmem>>) dst(%dma_wait3A_310 : memref<10112x128xf32, #tpu.memory_space<vmem_shared>>)
      %dma_start3A_311 = arith.constant 2 : i32
      %dma_start3A_312 = arith.constant 0 : i32
      %dma_start3A_313 = tpu.memref_slice %arg7[%dma_start3A_311, %dma_start3A_312] : memref<12x16xi32, #tpu.memory_space<vmem>> -> memref<1x16xi32, #tpu.memory_space<vmem>>
      %dma_start3A_314 = tpu.memref_squeeze %dma_start3A_313 : memref<1x16xi32, #tpu.memory_space<vmem>> -> memref<16xi32, #tpu.memory_space<vmem>>
      %dma_start3A_315 = arith.constant 0 : i32
      %dma_start3A_316 = arith.constant 0 : i32
      %dma_start3A_317 = tpu.memref_slice %arg11[%dma_start3A_315, %dma_start3A_316] : memref<5120x128xf32, #tpu.memory_space<vmem_shared>> -> memref<5120x128xf32, #tpu.memory_space<vmem_shared>>
      tpu.enqueue_indirect_dma source(%dma_start3A_317 : memref<5120x128xf32, #tpu.memory_space<vmem_shared>>) target(%arg8 : memref<16x128xf32, #tpu.memory_space<vmem>>) offsets(%dma_start3A_314 : memref<16xi32, #tpu.memory_space<vmem>>) semaphore(%arg14 : memref<!tpu.dma_semaphore, #tpu.memory_space<semaphore_mem>>)
      %dma_wait3A_318 = arith.constant 1 : i32
      %dma_wait3A_319 = arith.constant 0 : i32
      %dma_wait3A_320 = tpu.memref_slice %arg7[%dma_wait3A_318, %dma_wait3A_319] : memref<12x16xi32, #tpu.memory_space<vmem>> -> memref<1x16xi32, #tpu.memory_space<vmem>>
      %dma_wait3A_321 = tpu.memref_squeeze %dma_wait3A_320 : memref<1x16xi32, #tpu.memory_space<vmem>> -> memref<16xi32, #tpu.memory_space<vmem>>
      %dma_wait3A_322 = arith.constant 0 : i32
      %dma_wait3A_323 = arith.constant 0 : i32
      %dma_wait3A_324 = tpu.memref_slice %arg11[%dma_wait3A_322, %dma_wait3A_323] : memref<5120x128xf32, #tpu.memory_space<vmem_shared>> -> memref<5120x128xf32, #tpu.memory_space<vmem_shared>>
      tpu.wait_indirect_dma semaphore(%arg15 : memref<!tpu.dma_semaphore, #tpu.memory_space<semaphore_mem>>) src(%dma_wait3A_324 : memref<5120x128xf32, #tpu.memory_space<vmem_shared>>) dst(%arg9 : memref<16x128xf32, #tpu.memory_space<vmem>>)
      %dma_start3A_325 = arith.constant 7 : i32
      %dma_start3A_326 = arith.constant 0 : i32
      %dma_start3A_327 = tpu.memref_slice %arg7[%dma_start3A_325, %dma_start3A_326] : memref<12x16xi32, #tpu.memory_space<vmem>> -> memref<1x16xi32, #tpu.memory_space<vmem>>
      %dma_start3A_328 = tpu.memref_squeeze %dma_start3A_327 : memref<1x16xi32, #tpu.memory_space<vmem>> -> memref<16xi32, #tpu.memory_space<vmem>>
      %dma_start3A_329 = arith.constant 0 : i32
      %dma_start3A_330 = arith.constant 0 : i32
      %dma_start3A_331 = tpu.memref_slice %arg10[%dma_start3A_329, %dma_start3A_330] : memref<10112x128xf32, #tpu.memory_space<vmem_shared>> -> memref<10112x128xf32, #tpu.memory_space<vmem_shared>>
      tpu.enqueue_indirect_dma source(%arg9 : memref<16x128xf32, #tpu.memory_space<vmem>>) target(%dma_start3A_331 : memref<10112x128xf32, #tpu.memory_space<vmem_shared>>) offsets(%dma_start3A_328 : memref<16xi32, #tpu.memory_space<vmem>>) semaphore(%arg17 : memref<!tpu.dma_semaphore, #tpu.memory_space<semaphore_mem>>) {add = true}
      %dma_wait3A_332 = arith.constant 9 : i32
      %dma_wait3A_333 = arith.constant 0 : i32
      %dma_wait3A_334 = tpu.memref_slice %arg7[%dma_wait3A_332, %dma_wait3A_333] : memref<12x16xi32, #tpu.memory_space<vmem>> -> memref<1x16xi32, #tpu.memory_space<vmem>>
      %dma_wait3A_335 = tpu.memref_squeeze %dma_wait3A_334 : memref<1x16xi32, #tpu.memory_space<vmem>> -> memref<16xi32, #tpu.memory_space<vmem>>
      %dma_wait3A_336 = arith.constant 0 : i32
      %dma_wait3A_337 = arith.constant 0 : i32
      %dma_wait3A_338 = tpu.memref_slice %arg10[%dma_wait3A_336, %dma_wait3A_337] : memref<10112x128xf32, #tpu.memory_space<vmem_shared>> -> memref<10112x128xf32, #tpu.memory_space<vmem_shared>>
      tpu.wait_indirect_dma semaphore(%arg17 : memref<!tpu.dma_semaphore, #tpu.memory_space<semaphore_mem>>) src(%arg9 : memref<16x128xf32, #tpu.memory_space<vmem>>) dst(%dma_wait3A_338 : memref<10112x128xf32, #tpu.memory_space<vmem_shared>>)
      %dma_start3A_339 = arith.constant 3 : i32
      %dma_start3A_340 = arith.constant 0 : i32
      %dma_start3A_341 = tpu.memref_slice %arg7[%dma_start3A_339, %dma_start3A_340] : memref<12x16xi32, #tpu.memory_space<vmem>> -> memref<1x16xi32, #tpu.memory_space<vmem>>
      %dma_start3A_342 = tpu.memref_squeeze %dma_start3A_341 : memref<1x16xi32, #tpu.memory_space<vmem>> -> memref<16xi32, #tpu.memory_space<vmem>>
      %dma_start3A_343 = arith.constant 0 : i32
      %dma_start3A_344 = arith.constant 0 : i32
      %dma_start3A_345 = tpu.memref_slice %arg11[%dma_start3A_343, %dma_start3A_344] : memref<5120x128xf32, #tpu.memory_space<vmem_shared>> -> memref<5120x128xf32, #tpu.memory_space<vmem_shared>>
      tpu.enqueue_indirect_dma source(%dma_start3A_345 : memref<5120x128xf32, #tpu.memory_space<vmem_shared>>) target(%arg9 : memref<16x128xf32, #tpu.memory_space<vmem>>) offsets(%dma_start3A_342 : memref<16xi32, #tpu.memory_space<vmem>>) semaphore(%arg15 : memref<!tpu.dma_semaphore, #tpu.memory_space<semaphore_mem>>)
      %dma_wait3A_346 = arith.constant 2 : i32
      %dma_wait3A_347 = arith.constant 0 : i32
      %dma_wait3A_348 = tpu.memref_slice %arg7[%dma_wait3A_346, %dma_wait3A_347] : memref<12x16xi32, #tpu.memory_space<vmem>> -> memref<1x16xi32, #tpu.memory_space<vmem>>
      %dma_wait3A_349 = tpu.memref_squeeze %dma_wait3A_348 : memref<1x16xi32, #tpu.memory_space<vmem>> -> memref<16xi32, #tpu.memory_space<vmem>>
      %dma_wait3A_350 = arith.constant 0 : i32
      %dma_wait3A_351 = arith.constant 0 : i32
      %dma_wait3A_352 = tpu.memref_slice %arg11[%dma_wait3A_350, %dma_wait3A_351] : memref<5120x128xf32, #tpu.memory_space<vmem_shared>> -> memref<5120x128xf32, #tpu.memory_space<vmem_shared>>
      tpu.wait_indirect_dma semaphore(%arg14 : memref<!tpu.dma_semaphore, #tpu.memory_space<semaphore_mem>>) src(%dma_wait3A_352 : memref<5120x128xf32, #tpu.memory_space<vmem_shared>>) dst(%arg8 : memref<16x128xf32, #tpu.memory_space<vmem>>)
      %dma_start3A_353 = arith.constant 8 : i32
      %dma_start3A_354 = arith.constant 0 : i32
      %dma_start3A_355 = tpu.memref_slice %arg7[%dma_start3A_353, %dma_start3A_354] : memref<12x16xi32, #tpu.memory_space<vmem>> -> memref<1x16xi32, #tpu.memory_space<vmem>>
      %dma_start3A_356 = tpu.memref_squeeze %dma_start3A_355 : memref<1x16xi32, #tpu.memory_space<vmem>> -> memref<16xi32, #tpu.memory_space<vmem>>
      %dma_start3A_357 = arith.constant 0 : i32
      %dma_start3A_358 = arith.constant 0 : i32
      %dma_start3A_359 = tpu.memref_slice %arg10[%dma_start3A_357, %dma_start3A_358] : memref<10112x128xf32, #tpu.memory_space<vmem_shared>> -> memref<10112x128xf32, #tpu.memory_space<vmem_shared>>
      tpu.enqueue_indirect_dma source(%arg8 : memref<16x128xf32, #tpu.memory_space<vmem>>) target(%dma_start3A_359 : memref<10112x128xf32, #tpu.memory_space<vmem_shared>>) offsets(%dma_start3A_356 : memref<16xi32, #tpu.memory_space<vmem>>) semaphore(%arg16 : memref<!tpu.dma_semaphore, #tpu.memory_space<semaphore_mem>>) {add = true}
      %dma_wait3A_360 = arith.constant 10 : i32
      %dma_wait3A_361 = arith.constant 0 : i32
      %dma_wait3A_362 = tpu.memref_slice %arg7[%dma_wait3A_360, %dma_wait3A_361] : memref<12x16xi32, #tpu.memory_space<vmem>> -> memref<1x16xi32, #tpu.memory_space<vmem>>
      %dma_wait3A_363 = tpu.memref_squeeze %dma_wait3A_362 : memref<1x16xi32, #tpu.memory_space<vmem>> -> memref<16xi32, #tpu.memory_space<vmem>>
      %dma_wait3A_364 = arith.constant 0 : i32
      %dma_wait3A_365 = arith.constant 0 : i32
      %dma_wait3A_366 = tpu.memref_slice %arg10[%dma_wait3A_364, %dma_wait3A_365] : memref<10112x128xf32, #tpu.memory_space<vmem_shared>> -> memref<10112x128xf32, #tpu.memory_space<vmem_shared>>
      tpu.wait_indirect_dma semaphore(%arg16 : memref<!tpu.dma_semaphore, #tpu.memory_space<semaphore_mem>>) src(%arg8 : memref<16x128xf32, #tpu.memory_space<vmem>>) dst(%dma_wait3A_366 : memref<10112x128xf32, #tpu.memory_space<vmem_shared>>)
      %dma_start3A_367 = arith.constant 4 : i32
      %dma_start3A_368 = arith.constant 0 : i32
      %dma_start3A_369 = tpu.memref_slice %arg7[%dma_start3A_367, %dma_start3A_368] : memref<12x16xi32, #tpu.memory_space<vmem>> -> memref<1x16xi32, #tpu.memory_space<vmem>>
      %dma_start3A_370 = tpu.memref_squeeze %dma_start3A_369 : memref<1x16xi32, #tpu.memory_space<vmem>> -> memref<16xi32, #tpu.memory_space<vmem>>
      %dma_start3A_371 = arith.constant 0 : i32
      %dma_start3A_372 = arith.constant 0 : i32
      %dma_start3A_373 = tpu.memref_slice %arg11[%dma_start3A_371, %dma_start3A_372] : memref<5120x128xf32, #tpu.memory_space<vmem_shared>> -> memref<5120x128xf32, #tpu.memory_space<vmem_shared>>
      tpu.enqueue_indirect_dma source(%dma_start3A_373 : memref<5120x128xf32, #tpu.memory_space<vmem_shared>>) target(%arg8 : memref<16x128xf32, #tpu.memory_space<vmem>>) offsets(%dma_start3A_370 : memref<16xi32, #tpu.memory_space<vmem>>) semaphore(%arg14 : memref<!tpu.dma_semaphore, #tpu.memory_space<semaphore_mem>>)
      %dma_wait3A_374 = arith.constant 3 : i32
      %dma_wait3A_375 = arith.constant 0 : i32
      %dma_wait3A_376 = tpu.memref_slice %arg7[%dma_wait3A_374, %dma_wait3A_375] : memref<12x16xi32, #tpu.memory_space<vmem>> -> memref<1x16xi32, #tpu.memory_space<vmem>>
      %dma_wait3A_377 = tpu.memref_squeeze %dma_wait3A_376 : memref<1x16xi32, #tpu.memory_space<vmem>> -> memref<16xi32, #tpu.memory_space<vmem>>
      %dma_wait3A_378 = arith.constant 0 : i32
      %dma_wait3A_379 = arith.constant 0 : i32
      %dma_wait3A_380 = tpu.memref_slice %arg11[%dma_wait3A_378, %dma_wait3A_379] : memref<5120x128xf32, #tpu.memory_space<vmem_shared>> -> memref<5120x128xf32, #tpu.memory_space<vmem_shared>>
      tpu.wait_indirect_dma semaphore(%arg15 : memref<!tpu.dma_semaphore, #tpu.memory_space<semaphore_mem>>) src(%dma_wait3A_380 : memref<5120x128xf32, #tpu.memory_space<vmem_shared>>) dst(%arg9 : memref<16x128xf32, #tpu.memory_space<vmem>>)
      %dma_start3A_381 = arith.constant 9 : i32
      %dma_start3A_382 = arith.constant 0 : i32
      %dma_start3A_383 = tpu.memref_slice %arg7[%dma_start3A_381, %dma_start3A_382] : memref<12x16xi32, #tpu.memory_space<vmem>> -> memref<1x16xi32, #tpu.memory_space<vmem>>
      %dma_start3A_384 = tpu.memref_squeeze %dma_start3A_383 : memref<1x16xi32, #tpu.memory_space<vmem>> -> memref<16xi32, #tpu.memory_space<vmem>>
      %dma_start3A_385 = arith.constant 0 : i32
      %dma_start3A_386 = arith.constant 0 : i32
      %dma_start3A_387 = tpu.memref_slice %arg10[%dma_start3A_385, %dma_start3A_386] : memref<10112x128xf32, #tpu.memory_space<vmem_shared>> -> memref<10112x128xf32, #tpu.memory_space<vmem_shared>>
      tpu.enqueue_indirect_dma source(%arg9 : memref<16x128xf32, #tpu.memory_space<vmem>>) target(%dma_start3A_387 : memref<10112x128xf32, #tpu.memory_space<vmem_shared>>) offsets(%dma_start3A_384 : memref<16xi32, #tpu.memory_space<vmem>>) semaphore(%arg17 : memref<!tpu.dma_semaphore, #tpu.memory_space<semaphore_mem>>) {add = true}
      %dma_wait3A_388 = arith.constant 11 : i32
      %dma_wait3A_389 = arith.constant 0 : i32
      %dma_wait3A_390 = tpu.memref_slice %arg7[%dma_wait3A_388, %dma_wait3A_389] : memref<12x16xi32, #tpu.memory_space<vmem>> -> memref<1x16xi32, #tpu.memory_space<vmem>>
      %dma_wait3A_391 = tpu.memref_squeeze %dma_wait3A_390 : memref<1x16xi32, #tpu.memory_space<vmem>> -> memref<16xi32, #tpu.memory_space<vmem>>
      %dma_wait3A_392 = arith.constant 0 : i32
      %dma_wait3A_393 = arith.constant 0 : i32
      %dma_wait3A_394 = tpu.memref_slice %arg10[%dma_wait3A_392, %dma_wait3A_393] : memref<10112x128xf32, #tpu.memory_space<vmem_shared>> -> memref<10112x128xf32, #tpu.memory_space<vmem_shared>>
      tpu.wait_indirect_dma semaphore(%arg17 : memref<!tpu.dma_semaphore, #tpu.memory_space<semaphore_mem>>) src(%arg9 : memref<16x128xf32, #tpu.memory_space<vmem>>) dst(%dma_wait3A_394 : memref<10112x128xf32, #tpu.memory_space<vmem_shared>>)
      %dma_start3A_395 = arith.constant 5 : i32
      %dma_start3A_396 = arith.constant 0 : i32
      %dma_start3A_397 = tpu.memref_slice %arg7[%dma_start3A_395, %dma_start3A_396] : memref<12x16xi32, #tpu.memory_space<vmem>> -> memref<1x16xi32, #tpu.memory_space<vmem>>
      %dma_start3A_398 = tpu.memref_squeeze %dma_start3A_397 : memref<1x16xi32, #tpu.memory_space<vmem>> -> memref<16xi32, #tpu.memory_space<vmem>>
      %dma_start3A_399 = arith.constant 0 : i32
      %dma_start3A_400 = arith.constant 0 : i32
      %dma_start3A_401 = tpu.memref_slice %arg11[%dma_start3A_399, %dma_start3A_400] : memref<5120x128xf32, #tpu.memory_space<vmem_shared>> -> memref<5120x128xf32, #tpu.memory_space<vmem_shared>>
      tpu.enqueue_indirect_dma source(%dma_start3A_401 : memref<5120x128xf32, #tpu.memory_space<vmem_shared>>) target(%arg9 : memref<16x128xf32, #tpu.memory_space<vmem>>) offsets(%dma_start3A_398 : memref<16xi32, #tpu.memory_space<vmem>>) semaphore(%arg15 : memref<!tpu.dma_semaphore, #tpu.memory_space<semaphore_mem>>)
      %dma_wait3A_402 = arith.constant 4 : i32
      %dma_wait3A_403 = arith.constant 0 : i32
      %dma_wait3A_404 = tpu.memref_slice %arg7[%dma_wait3A_402, %dma_wait3A_403] : memref<12x16xi32, #tpu.memory_space<vmem>> -> memref<1x16xi32, #tpu.memory_space<vmem>>
      %dma_wait3A_405 = tpu.memref_squeeze %dma_wait3A_404 : memref<1x16xi32, #tpu.memory_space<vmem>> -> memref<16xi32, #tpu.memory_space<vmem>>
      %dma_wait3A_406 = arith.constant 0 : i32
      %dma_wait3A_407 = arith.constant 0 : i32
      %dma_wait3A_408 = tpu.memref_slice %arg11[%dma_wait3A_406, %dma_wait3A_407] : memref<5120x128xf32, #tpu.memory_space<vmem_shared>> -> memref<5120x128xf32, #tpu.memory_space<vmem_shared>>
      tpu.wait_indirect_dma semaphore(%arg14 : memref<!tpu.dma_semaphore, #tpu.memory_space<semaphore_mem>>) src(%dma_wait3A_408 : memref<5120x128xf32, #tpu.memory_space<vmem_shared>>) dst(%arg8 : memref<16x128xf32, #tpu.memory_space<vmem>>)
      %dma_start3A_409 = arith.constant 10 : i32
      %dma_start3A_410 = arith.constant 0 : i32
      %dma_start3A_411 = tpu.memref_slice %arg7[%dma_start3A_409, %dma_start3A_410] : memref<12x16xi32, #tpu.memory_space<vmem>> -> memref<1x16xi32, #tpu.memory_space<vmem>>
      %dma_start3A_412 = tpu.memref_squeeze %dma_start3A_411 : memref<1x16xi32, #tpu.memory_space<vmem>> -> memref<16xi32, #tpu.memory_space<vmem>>
      %dma_start3A_413 = arith.constant 0 : i32
      %dma_start3A_414 = arith.constant 0 : i32
      %dma_start3A_415 = tpu.memref_slice %arg10[%dma_start3A_413, %dma_start3A_414] : memref<10112x128xf32, #tpu.memory_space<vmem_shared>> -> memref<10112x128xf32, #tpu.memory_space<vmem_shared>>
      tpu.enqueue_indirect_dma source(%arg8 : memref<16x128xf32, #tpu.memory_space<vmem>>) target(%dma_start3A_415 : memref<10112x128xf32, #tpu.memory_space<vmem_shared>>) offsets(%dma_start3A_412 : memref<16xi32, #tpu.memory_space<vmem>>) semaphore(%arg16 : memref<!tpu.dma_semaphore, #tpu.memory_space<semaphore_mem>>) {add = true}
      %dma_wait3A_416 = arith.constant 5 : i32
      %dma_wait3A_417 = arith.constant 0 : i32
      %dma_wait3A_418 = tpu.memref_slice %arg7[%dma_wait3A_416, %dma_wait3A_417] : memref<12x16xi32, #tpu.memory_space<vmem>> -> memref<1x16xi32, #tpu.memory_space<vmem>>
      %dma_wait3A_419 = tpu.memref_squeeze %dma_wait3A_418 : memref<1x16xi32, #tpu.memory_space<vmem>> -> memref<16xi32, #tpu.memory_space<vmem>>
      %dma_wait3A_420 = arith.constant 0 : i32
      %dma_wait3A_421 = arith.constant 0 : i32
      %dma_wait3A_422 = tpu.memref_slice %arg11[%dma_wait3A_420, %dma_wait3A_421] : memref<5120x128xf32, #tpu.memory_space<vmem_shared>> -> memref<5120x128xf32, #tpu.memory_space<vmem_shared>>
      tpu.wait_indirect_dma semaphore(%arg15 : memref<!tpu.dma_semaphore, #tpu.memory_space<semaphore_mem>>) src(%dma_wait3A_422 : memref<5120x128xf32, #tpu.memory_space<vmem_shared>>) dst(%arg9 : memref<16x128xf32, #tpu.memory_space<vmem>>)
      %dma_start3A_423 = arith.constant 11 : i32
      %dma_start3A_424 = arith.constant 0 : i32
      %dma_start3A_425 = tpu.memref_slice %arg7[%dma_start3A_423, %dma_start3A_424] : memref<12x16xi32, #tpu.memory_space<vmem>> -> memref<1x16xi32, #tpu.memory_space<vmem>>
      %dma_start3A_426 = tpu.memref_squeeze %dma_start3A_425 : memref<1x16xi32, #tpu.memory_space<vmem>> -> memref<16xi32, #tpu.memory_space<vmem>>
      %dma_start3A_427 = arith.constant 0 : i32
      %dma_start3A_428 = arith.constant 0 : i32
      %dma_start3A_429 = tpu.memref_slice %arg10[%dma_start3A_427, %dma_start3A_428] : memref<10112x128xf32, #tpu.memory_space<vmem_shared>> -> memref<10112x128xf32, #tpu.memory_space<vmem_shared>>
      tpu.enqueue_indirect_dma source(%arg9 : memref<16x128xf32, #tpu.memory_space<vmem>>) target(%dma_start3A_429 : memref<10112x128xf32, #tpu.memory_space<vmem_shared>>) offsets(%dma_start3A_426 : memref<16xi32, #tpu.memory_space<vmem>>) semaphore(%arg17 : memref<!tpu.dma_semaphore, #tpu.memory_space<semaphore_mem>>) {add = true}
      %add3A_430 = arith.constant 3 : i32
      %add3A_431 = arith.addi %add3A_66, %add3A_430 : i32
      %lt3A_432 = arith.constant 210 : i32
      %lt3A_433 = arith.cmpi slt, %add3A_431, %lt3A_432 : i32
      %convert_element_type3A_434 = arith.extui %lt3A_433 : i1 to i32
      %cond3A_435 = arith.constant 0 : i32
      %cond3A_436 = arith.cmpi ne, %convert_element_type3A_434, %cond3A_435 : i32
      scf.if %cond3A_436 {
        %add3A_437 = arith.addi %mul3A_12, %add3A_66 : i32
        %add3A_438 = arith.constant 3 : i32
        %add3A_439 = arith.addi %add3A_437, %add3A_438 : i32
        %dma_start3A_440 = arith.constant 0 : i32
        %dma_start3A_441 = arith.constant 0 : i32
        %dma_start3A_442 = tpu.memref_slice %arg3[%add3A_439, %dma_start3A_440, %dma_start3A_441] : memref<6720x12x16xi32, #tpu.memory_space<hbm>> -> memref<1x12x16xi32, #tpu.memory_space<hbm>>
        %dma_start3A_443 = tpu.memref_squeeze %dma_start3A_442 : memref<1x12x16xi32, #tpu.memory_space<hbm>> -> memref<12x16xi32, #tpu.memory_space<hbm>>
        %dma_start3A_444 = arith.constant 0 : i32
        %dma_start3A_445 = arith.constant 0 : i32
        %dma_start3A_446 = tpu.memref_slice %arg3[%add3A_439, %dma_start3A_444, %dma_start3A_445] : memref<6720x12x16xi32, #tpu.memory_space<hbm>> -> memref<1x12x16xi32, #tpu.memory_space<hbm>>
        %dma_start3A_447 = tpu.memref_squeeze %dma_start3A_446 : memref<1x12x16xi32, #tpu.memory_space<hbm>> -> memref<12x16xi32, #tpu.memory_space<hbm>>
        tpu.enqueue_dma source(%dma_start3A_447 : memref<12x16xi32, #tpu.memory_space<hbm>>) target(%arg7 : memref<12x16xi32, #tpu.memory_space<vmem>>) target_semaphore(%arg13 : memref<!tpu.dma_semaphore, #tpu.memory_space<semaphore_mem>>)
      } else {
      }
    }
    %scan3A_45 = arith.constant 105 : i32
    %dma_wait3A = arith.constant 10096 : i32
    %dma_wait3A_46 = arith.constant 0 : i32
    %dma_wait3A_47 = tpu.memref_slice %arg10[%dma_wait3A, %dma_wait3A_46] : memref<10112x128xf32, #tpu.memory_space<vmem_shared>> -> memref<16x128xf32, #tpu.memory_space<vmem_shared>>
    %dma_wait3A_48 = arith.constant 10096 : i32
    %dma_wait3A_49 = arith.constant 0 : i32
    %dma_wait3A_50 = tpu.memref_slice %arg10[%dma_wait3A_48, %dma_wait3A_49] : memref<10112x128xf32, #tpu.memory_space<vmem_shared>> -> memref<16x128xf32, #tpu.memory_space<vmem_shared>>
    tpu.wait_dma2 semaphore(%arg16 : memref<!tpu.dma_semaphore, #tpu.memory_space<semaphore_mem>>) src(%arg8 : memref<16x128xf32, #tpu.memory_space<vmem>>) dst(%dma_wait3A_50 : memref<16x128xf32, #tpu.memory_space<vmem_shared>>)
    %dma_wait3A_51 = arith.constant 10096 : i32
    %dma_wait3A_52 = arith.constant 0 : i32
    %dma_wait3A_53 = tpu.memref_slice %arg10[%dma_wait3A_51, %dma_wait3A_52] : memref<10112x128xf32, #tpu.memory_space<vmem_shared>> -> memref<16x128xf32, #tpu.memory_space<vmem_shared>>
    %dma_wait3A_54 = arith.constant 10096 : i32
    %dma_wait3A_55 = arith.constant 0 : i32
    %dma_wait3A_56 = tpu.memref_slice %arg10[%dma_wait3A_54, %dma_wait3A_55] : memref<10112x128xf32, #tpu.memory_space<vmem_shared>> -> memref<16x128xf32, #tpu.memory_space<vmem_shared>>
    tpu.wait_dma2 semaphore(%arg17 : memref<!tpu.dma_semaphore, #tpu.memory_space<semaphore_mem>>) src(%arg9 : memref<16x128xf32, #tpu.memory_space<vmem>>) dst(%dma_wait3A_56 : memref<16x128xf32, #tpu.memory_space<vmem_shared>>)
    %barrier3A_57 = arith.constant 0 : index
    tpu.barrier barrier_id(%barrier3A_57)
    %mul3A_58 = arith.constant 632 : i32
    %mul3A_59 = arith.muli %arg1, %mul3A_58 : i32
    %mul3A_60 = arith.constant 632 : i32
    %mul3A_61 = arith.muli %arg1, %mul3A_60 : i32
    "tpu.region"() ({
      %run_scoped3A = tpu.sem_alloc : memref<!tpu.dma_semaphore, #tpu.memory_space<semaphore_mem>>
      %dma_start3A_62 = arith.constant 0 : i32
      %dma_start3A_63 = arith.constant 0 : i32
      %dma_start3A_64 = tpu.memref_slice %arg5[%arg0, %dma_start3A_62, %dma_start3A_63] : memref<2x10112x128xf32, #tpu.memory_space<hbm>> -> memref<1x10112x128xf32, #tpu.memory_space<hbm>>
      %dma_start3A_65 = tpu.memref_squeeze %dma_start3A_64 : memref<1x10112x128xf32, #tpu.memory_space<hbm>> -> memref<10112x128xf32, #tpu.memory_space<hbm>>
      %dma_start3A_66 = arith.constant 0 : i32
      %dma_start3A_67 = tpu.memref_slice %dma_start3A_65[%mul3A_61, %dma_start3A_66] : memref<10112x128xf32, #tpu.memory_space<hbm>> -> memref<632x128xf32, #tpu.memory_space<hbm>>
      %dma_start3A_68 = arith.constant 0 : i32
      %dma_start3A_69 = tpu.memref_slice %arg10[%mul3A_59, %dma_start3A_68] : memref<10112x128xf32, #tpu.memory_space<vmem_shared>> -> memref<632x128xf32, #tpu.memory_space<vmem_shared>>
      tpu.enqueue_dma source(%dma_start3A_69 : memref<632x128xf32, #tpu.memory_space<vmem_shared>>) target(%dma_start3A_67 : memref<632x128xf32, #tpu.memory_space<hbm>>) target_semaphore(%run_scoped3A : memref<!tpu.dma_semaphore, #tpu.memory_space<semaphore_mem>>)
      %dma_wait3A_70 = arith.constant 0 : i32
      %dma_wait3A_71 = arith.constant 0 : i32
      %dma_wait3A_72 = tpu.memref_slice %arg5[%arg0, %dma_wait3A_70, %dma_wait3A_71] : memref<2x10112x128xf32, #tpu.memory_space<hbm>> -> memref<1x10112x128xf32, #tpu.memory_space<hbm>>
      %dma_wait3A_73 = tpu.memref_squeeze %dma_wait3A_72 : memref<1x10112x128xf32, #tpu.memory_space<hbm>> -> memref<10112x128xf32, #tpu.memory_space<hbm>>
      %dma_wait3A_74 = arith.constant 0 : i32
      %dma_wait3A_75 = tpu.memref_slice %dma_wait3A_73[%mul3A_61, %dma_wait3A_74] : memref<10112x128xf32, #tpu.memory_space<hbm>> -> memref<632x128xf32, #tpu.memory_space<hbm>>
      %dma_wait3A_76 = arith.constant 0 : i32
      %dma_wait3A_77 = tpu.memref_slice %arg10[%mul3A_59, %dma_wait3A_76] : memref<10112x128xf32, #tpu.memory_space<vmem_shared>> -> memref<632x128xf32, #tpu.memory_space<vmem_shared>>
      tpu.wait_dma2 semaphore(%run_scoped3A : memref<!tpu.dma_semaphore, #tpu.memory_space<semaphore_mem>>) src(%dma_wait3A_77 : memref<632x128xf32, #tpu.memory_space<vmem_shared>>) dst(%dma_wait3A_75 : memref<632x128xf32, #tpu.memory_space<hbm>>)
      tpu.yield
    }) : () -> ()
    return
  }
}

module attributes {stable_mosaic.version = 14 : i64} {
  func.func @_tc_body(%arg0: memref<10000x128xf32, #tpu.memory_space<vmem>>, %arg1: memref<2x10000x128xf32, #tpu.memory_space<vmem>>, %arg2: memref<128x128xf32, #tpu.memory_space<vmem>>, %arg3: memref<1x128xf32, #tpu.memory_space<vmem>>, %arg4: memref<1x1xf32, #tpu.memory_space<vmem>>, %arg5: memref<10000x128xf32, #tpu.memory_space<vmem>>) attributes {dimension_semantics = [], scalar_prefetch = 0 : i64, scratch_operands = 0 : i64, tpu.core_type = #tpu.core_type<tc>} {
    %get3A = arith.constant 0 : index
    %get3A_0 = arith.constant 0 : index
    %get3A_1 = vector.load %arg4[%get3A, %get3A_0] : memref<1x1xf32, #tpu.memory_space<vmem>>, vector<1x1xf32>
    %get3A_2 = vector.extract %get3A_1[0, 0] : f32 from vector<1x1xf32>
    %get3A_3 = arith.constant 0 : index
    %get3A_4 = arith.constant 0 : index
    %get3A_5 = vector.load %arg0[%get3A_3, %get3A_4] : memref<10000x128xf32, #tpu.memory_space<vmem>>, vector<10000x128xf32>
    %mul3A = vector.broadcast %get3A_2 : f32 to vector<10000x128xf32>
    %mul3A_6 = arith.mulf %mul3A, %get3A_5 : vector<10000x128xf32>
    %get3A_7 = arith.constant 0 : index
    %get3A_8 = arith.constant 0 : index
    %get3A_9 = arith.constant 0 : index
    %get3A_10 = vector.load %arg1[%get3A_7, %get3A_8, %get3A_9] : memref<2x10000x128xf32, #tpu.memory_space<vmem>>, vector<1x10000x128xf32>
    %get3A_11 = vector.shape_cast %get3A_10 : vector<1x10000x128xf32> to vector<10000x128xf32>
    %get3A_12 = arith.constant 1 : index
    %get3A_13 = arith.constant 0 : index
    %get3A_14 = arith.constant 0 : index
    %get3A_15 = vector.load %arg1[%get3A_12, %get3A_13, %get3A_14] : memref<2x10000x128xf32, #tpu.memory_space<vmem>>, vector<1x10000x128xf32>
    %get3A_16 = vector.shape_cast %get3A_15 : vector<1x10000x128xf32> to vector<10000x128xf32>
    %add3A = arith.addf %get3A_11, %get3A_16 : vector<10000x128xf32>
    %add3A_17 = arith.addf %mul3A_6, %add3A : vector<10000x128xf32>
    %get3A_18 = arith.constant 0 : index
    %get3A_19 = arith.constant 0 : index
    %get3A_20 = vector.load %arg2[%get3A_18, %get3A_19] : memref<128x128xf32, #tpu.memory_space<vmem>>, vector<128x128xf32>
    %dot_general3A = arith.constant dense<0.000000e+00> : vector<10000x128xf32>
    %dot_general3A_21 = tpu.matmul %add3A_17, %get3A_20, %dot_general3A {dimension_numbers = #tpu.dot_dimension_numbers<[1], [1], [0], [0], [0, 0, 1, 0], [], []>, transpose_lhs_hint = false} : vector<10000x128xf32>, vector<128x128xf32>, vector<10000x128xf32> -> vector<10000x128xf32>
    %get3A_22 = arith.constant 0 : index
    %get3A_23 = arith.constant 0 : index
    %get3A_24 = vector.load %arg3[%get3A_22, %get3A_23] : memref<1x128xf32, #tpu.memory_space<vmem>>, vector<1x128xf32>
    %add3A_25 = vector.broadcast %get3A_24 : vector<1x128xf32> to vector<10000x128xf32>
    %add3A_26 = arith.addf %dot_general3A_21, %add3A_25 : vector<10000x128xf32>
    %max3A = arith.constant 0.000000e+00 : f32
    %max3A_27 = vector.broadcast %max3A : f32 to vector<10000x128xf32>
    %max3A_28 = arith.maximumf %add3A_26, %max3A_27 : vector<10000x128xf32>
    %swap3A = arith.constant 0 : index
    %swap3A_29 = arith.constant 0 : index
    %swap3A_30 = vector.load %arg5[%swap3A, %swap3A_29] : memref<10000x128xf32, #tpu.memory_space<vmem>>, vector<10000x128xf32>
    tpu.vector_store %arg5[%swap3A, %swap3A_29], %max3A_28 {strides = array<i32>} : memref<10000x128xf32, #tpu.memory_space<vmem>>, vector<10000x128xf32>,
    return
  }
}

module attributes {stable_mosaic.version = 14 : i64} {
  func.func @_tc_body(%arg0: memref<10000x128xf32, #tpu.memory_space<vmem>>, %arg1: memref<2x10000x128xf32, #tpu.memory_space<vmem>>, %arg2: memref<128x128xf32, #tpu.memory_space<vmem>>, %arg3: memref<1x128xf32, #tpu.memory_space<vmem>>, %arg4: memref<1x1xf32, #tpu.memory_space<vmem>>, %arg5: memref<10000x128xf32, #tpu.memory_space<vmem>>) attributes {dimension_semantics = [], scalar_prefetch = 0 : i64, scratch_operands = 0 : i64, tpu.core_type = #tpu.core_type<tc>} {
    %get3A = arith.constant 0 : index
    %get3A_0 = arith.constant 0 : index
    %get3A_1 = vector.load %arg4[%get3A, %get3A_0] : memref<1x1xf32, #tpu.memory_space<vmem>>, vector<1x1xf32>
    %get3A_2 = vector.extract %get3A_1[0, 0] : f32 from vector<1x1xf32>
    %get3A_3 = arith.constant 0 : index
    %get3A_4 = arith.constant 0 : index
    %get3A_5 = vector.load %arg0[%get3A_3, %get3A_4] : memref<10000x128xf32, #tpu.memory_space<vmem>>, vector<10000x128xf32>
    %mul3A = vector.broadcast %get3A_2 : f32 to vector<10000x128xf32>
    %mul3A_6 = arith.mulf %mul3A, %get3A_5 : vector<10000x128xf32>
    %get3A_7 = arith.constant 0 : index
    %get3A_8 = arith.constant 0 : index
    %get3A_9 = arith.constant 0 : index
    %get3A_10 = vector.load %arg1[%get3A_7, %get3A_8, %get3A_9] : memref<2x10000x128xf32, #tpu.memory_space<vmem>>, vector<1x10000x128xf32>
    %get3A_11 = vector.shape_cast %get3A_10 : vector<1x10000x128xf32> to vector<10000x128xf32>
    %get3A_12 = arith.constant 1 : index
    %get3A_13 = arith.constant 0 : index
    %get3A_14 = arith.constant 0 : index
    %get3A_15 = vector.load %arg1[%get3A_12, %get3A_13, %get3A_14] : memref<2x10000x128xf32, #tpu.memory_space<vmem>>, vector<1x10000x128xf32>
    %get3A_16 = vector.shape_cast %get3A_15 : vector<1x10000x128xf32> to vector<10000x128xf32>
    %add3A = arith.addf %get3A_11, %get3A_16 : vector<10000x128xf32>
    %add3A_17 = arith.addf %mul3A_6, %add3A : vector<10000x128xf32>
    %get3A_18 = arith.constant 0 : index
    %get3A_19 = arith.constant 0 : index
    %get3A_20 = vector.load %arg2[%get3A_18, %get3A_19] : memref<128x128xf32, #tpu.memory_space<vmem>>, vector<128x128xf32>
    %dot_general3A = arith.constant dense<0.000000e+00> : vector<10000x128xf32>
    %dot_general3A_21 = tpu.matmul %add3A_17, %get3A_20, %dot_general3A {dimension_numbers = #tpu.dot_dimension_numbers<[1], [1], [0], [0], [0, 0, 1, 0], [], []>, transpose_lhs_hint = false} : vector<10000x128xf32>, vector<128x128xf32>, vector<10000x128xf32> -> vector<10000x128xf32>
    %get3A_22 = arith.constant 0 : index
    %get3A_23 = arith.constant 0 : index
    %get3A_24 = vector.load %arg3[%get3A_22, %get3A_23] : memref<1x128xf32, #tpu.memory_space<vmem>>, vector<1x128xf32>
    %add3A_25 = vector.broadcast %get3A_24 : vector<1x128xf32> to vector<10000x128xf32>
    %add3A_26 = arith.addf %dot_general3A_21, %add3A_25 : vector<10000x128xf32>
    %swap3A = arith.constant 0 : index
    %swap3A_27 = arith.constant 0 : index
    %swap3A_28 = vector.load %arg5[%swap3A, %swap3A_27] : memref<10000x128xf32, #tpu.memory_space<vmem>>, vector<10000x128xf32>
    tpu.vector_store %arg5[%swap3A, %swap3A_27], %add3A_26 {strides = array<i32>} : memref<10000x128xf32, #tpu.memory_space<vmem>>, vector<10000x128xf32>,
    return
  }
}

</mosaic_0001>

<sc_bundles>
// kernel: kernel.11.cloned.1.call-start
scs
__scs_entry_jumppad:
0x0: {  	(pc) =	sbr.rel $0x88, $3  }
0x1: {  	(tag) =	ssettag $0x0;
	lr =	simm.s32 $0x1  }
0x2: {  	[smem:$0x3F96] =	sst lr;
	_ =	strace $0xD0000000  }
0x3: {  	_ = 	snop  }
0x4: {  	_ = 	snop  }
0x5: {  	_ = 	snop  }
0x6: {  	_ = 	snop  }
0x7: {  	_ = 	snop  }
__scs_overlays_trampoline_lowered:
0x8: {  	[smem:$0x3FA5] =	sst s0  }
0x9: {  	[smem:$0x3FA6] =	sst s1  }
0xa: {  	[smem:$0x3FA7] =	sst s2  }
0xb: {  	[smem:$0x3FA8] =	sst s3  }
0xc: {  	[smem:$0x3FA9] =	sst s4  }
0xd: {  	[smem:$0x3FAA] =	sst s5  }
0xe: {  	[smem:$0x3FAB] =	sst s6  }
0xf: {  	[smem:$0x3FAC] =	sst s7  }
0x10: {  	[smem:$0x3FAD] =	sst s8  }
0x11: {  	[smem:$0x3FAE] =	sst s9;
	s0 =	simm.s32 @!p0 $0x0  }
0x12: {  	s1 =	sld [smem:$0x3F94];
	s0 =	simm.s32 @p0 $0x1  }
0x13: {  	[smem:$0x3FAF] =	sst s0;
	s0 =	simm.s32 @!p1 $0x0  }
0x14: {  	s2 =	sld [smem:$0x3F93];
	s0 =	simm.s32 @p1 $0x1  }
0x15: {  	[smem:$0x3FB0] =	sst s0;
	s0 =	simm.s32 @!p2 $0x0  }
0x16: {  	s3 =	sld [smem:$0x3FDB];
	s0 =	simm.s32 @p2 $0x1  }
0x17: {  	s4 =	simm.s32 $0x1BF5;
	[smem:$0x3FB2] =	sst s0  }
0x18: {  	s0 =	sld [smem:$0x3F95];
	_ =	swait.ge [sflag:s4], $0x0  }
0x19: {  	s7 =	sld [smem:$0x3F96]  }
0x1a: {  	s8 =	sadd.s32 $0xFFFFE003, lr  }
0x1b: {  	s9 =	sadd.s32 $0xFFFFFEF7, lr;
	s5 =	simm.s32 $0xFFFFFFFF;
	p2 =	slt.u32 s8, $0xFFFFF086  }
0x1c: {  	p1 =	slt.u32 s9, $0xF7A;
	s5 =	simm.s32 @!p2 $0x0  }
0x1d: {  	s5 =	simm.s32 @p1 $0x1;
	p0 =	seq.s32 s7, s2  }
0x1e: {  	s7 =	smul.u32 @!p0 $0xF7A, s2;
	p2 =	seq.s32 @!p0 s5, $0x0  }
0x1f: {  	s9 =	smul.u32 $0xF7A, s1;
	s8 =	simm.s32 @!p0 $0x1BF5;
	p2 =	por !p2, p0  }
0x20: {  	[sflag:s8] =	ssyncset.s32 @!p0 $0xFFFFF086;
	s6 =	sadd.s32 @!p0 s3, s7;
	s7 =	simm.s32 @!p0 $0x108  }
0x21: {  	s3 =	sadd.s32 s3, s9;
	s6 =	sadd.s32 @!p0 $0x88, s6;
	s7 =	simm.s32 @p2 $0x1082  }
0x22: {  	[simem:s7], [sflag:s8] =	dma.local @!p0 [hbm:s6], $0xF7A  }
0x23: {  	s9 =	sor.u32 $0xD0000000, s2;
	s6 =	simm.s32 $0x108;
	_ =	swait.ge @!p0 [sflag:s8], $0x0  }
0x24: {  	s3 =	sadd.s32 $0x88, s3;
	s6 =	simm.s32 @!p1 $0x1082;
	[sflag:s4] =	ssyncset.s32 $0xFFFFF086  }
0x25: {  	[simem:s6], [sflag:s4] =	dma.local [hbm:s3], $0xF7A  }
0x26: {  	[smem:$0x3F96] =	sst s1;
	(tag) =	ssettag s2;
	_ =	strace s9  }
0x27: {  	s1 =	sld [smem:$0x3FA6]  }
0x28: {  	s2 =	sld [smem:$0x3FA7]  }
0x29: {  	s4 =	sld [smem:$0x3FA9]  }
0x2a: {  	p0 =	seq.s32 s5, $0x0;
	s5 =	sld [smem:$0x3FAA]  }
0x2b: {  	s6 =	sld [smem:$0x3FAB]  }
0x2c: {  	s7 =	sld [smem:$0x3FAC]  }
0x2d: {  	s3 =	simm.s32 $0x108;
	s8 =	sld [smem:$0x3FAD]  }
0x2e: {  	s3 =	simm.s32 @!p0 $0x1082;
	s9 =	sld [smem:$0x3FAE]  }
0x2f: {  	lr =	sadd.s32 s0, s3;
	s0 =	sld [smem:$0x3FA5]  }
0x30: {  	s3 =	sld [smem:$0x3FA8]  }
0x31: {  	[smem:$0x3FB1] =	sst s10  }
0x32: {  	s10 =	sld [smem:$0x3FAF];
	_ =	sdelay $0x3  }
0x33: {  	p0 =	seq.s32 s10, $0x1;
	s10 =	sld [smem:$0x3FB1];
	_ =	sdelay $0x3  }
0x34: {  	[smem:$0x3FB1] =	sst s10  }
0x35: {  	s10 =	sld [smem:$0x3FB0];
	_ =	sdelay $0x3  }
0x36: {  	p1 =	seq.s32 s10, $0x1;
	s10 =	sld [smem:$0x3FB1];
	_ =	sdelay $0x3  }
0x37: {  	[smem:$0x3FB1] =	sst s10  }
0x38: {  	s10 =	sld [smem:$0x3FB2]  }
0x39: {  	_ = 	snop;
	(pc) =	sbr.ind lr, $3  }
0x3a: {  	_ = 	snop  }
0x3b: {  	_ = 	snop  }
0x3c: {  	p2 =	seq.s32 s10, $0x1;
	s10 =	sld [smem:$0x3FB1]  }
0x3d: {  	_ =	shalt  }
0x3e: {  	_ =	shalt  }
0x3f: {  	_ =	shalt  }
0x40: {  	_ =	shalt  }
0x41: {  	_ =	shalt  }
0x42: {  	_ =	shalt  }
0x43: {  	_ =	shalt  }
0x44: {  	_ =	shalt  }
0x45: {  	_ =	shalt  }
0x46: {  	_ =	shalt  }
0x47: {  	_ =	shalt  }
0x48: {  	_ =	shalt  }
0x49: {  	_ =	shalt  }
0x4a: {  	_ =	shalt  }
0x4b: {  	_ =	shalt  }
0x4c: {  	_ =	shalt  }
0x4d: {  	_ =	shalt  }
0x4e: {  	_ =	shalt  }
0x4f: {  	_ =	shalt  }
0x50: {  	_ =	shalt  }
0x51: {  	_ =	shalt  }
0x52: {  	_ =	shalt  }
0x53: {  	_ =	shalt  }
0x54: {  	_ =	shalt  }
0x55: {  	_ =	shalt  }
0x56: {  	_ =	shalt  }
0x57: {  	_ =	shalt  }
0x58: {  	_ =	shalt  }
0x59: {  	_ =	shalt  }
0x5a: {  	_ =	shalt  }
0x5b: {  	_ =	shalt  }
0x5c: {  	_ =	shalt  }
0x5d: {  	_ =	shalt  }
0x5e: {  	_ =	shalt  }
0x5f: {  	_ =	shalt  }
0x60: {  	_ =	shalt  }
0x61: {  	_ =	shalt  }
0x62: {  	_ =	shalt  }
0x63: {  	_ =	shalt  }
0x64: {  	_ =	shalt  }
0x65: {  	_ =	shalt  }
0x66: {  	_ =	shalt  }
0x67: {  	_ =	shalt  }
0x68: {  	_ =	shalt  }
0x69: {  	_ =	shalt  }
0x6a: {  	_ =	shalt  }
0x6b: {  	_ =	shalt  }
0x6c: {  	_ =	shalt  }
0x6d: {  	_ =	shalt  }
0x6e: {  	_ =	shalt  }
0x6f: {  	_ =	shalt  }
0x70: {  	_ =	shalt  }
0x71: {  	_ =	shalt  }
0x72: {  	_ =	shalt  }
0x73: {  	_ =	shalt  }
0x74: {  	_ =	shalt  }
0x75: {  	_ =	shalt  }
0x76: {  	_ =	shalt  }
0x77: {  	_ =	shalt  }
0x78: {  	_ =	shalt  }
0x79: {  	_ =	shalt  }
0x7a: {  	_ =	shalt  }
0x7b: {  	_ =	shalt  }
0x7c: {  	_ =	shalt  }
0x7d: {  	_ =	shalt  }
0x7e: {  	_ =	shalt  }
0x7f: {  	_ =	shalt  }
0x80: {  	_ =	shalt  }
0x81: {  	_ =	shalt  }
0x82: {  	_ =	shalt  }
0x83: {  	_ =	shalt  }
0x84: {  	_ =	shalt  }
0x85: {  	_ =	shalt  }
0x86: {  	_ =	shalt  }
0x87: {  	_ =	shalt  }
.Lfunc_end0:
.L_simem_size_0:
called_computation.1_lowered:
.L_overlay_start_0:
0x88: {  	s2 =	sld [smem:$0x3FD9]  }
0x89: {  	s3 =	sld [smem:$0x3FFE];
	_ =	sdelay $0x1  }
0x8a: {  	s1 =	srdreg.scid  }
0x8b: {  	s0 =	sand.u32 $0x1, s1  }
0x8c: {  	s16 =	sshll.u32 s0, $0xA;
	s2 =	sadd.s32 s3, s2  }
0x8d: {  	s2 =	sadd.s32 s2, s16  }
0x8e: {  	[smem:$0x3FBD] =	sst s2  }
0x8f: {  	_ = 	snop  }
0x90: {  	(tm) =	ssettm $0x1  }
0x91: {  	s17 =	sld [smem:$0x3FFB];
	_ =	sdelay $0x3  }
0x92: {  	_ =	strace s17  }
0x93: {  	s2 =	sld [smem:$0x3FFC];
	_ =	sdelay $0x3  }
0x94: {  	_ =	strace s2  }
0x95: {  	s2 =	sld [smem:$0x3FFD];
	_ =	sdelay $0x3  }
0x96: {  	_ =	strace s2  }
0x97: {  	_ =	strace $0x8FFFFFFF  }
0x98: {  	s18 =	sld [smem:$0x3FDB];
	_ =	sdelay $0x1  }
0x99: {  	s19 =	simm.s32 $_scs_section_size  }
0x9a: {  	s4 =	simm.s32 $_size__tile_overlayer_lowered;
	s5 =	simm.s32 $_tile_overlayer_lowered  }
0x9b: {  	s22 =	simm.s32 $0x1BFF;
	s21 =	sshll.u32 s5, $0x1;
	s2 =	sadd.s32 s19, s18  }
0x9c: {  	s6 =	simm.s32 $0x0;
	s20 =	sshll.u32 s4, $0x1;
	s4 =	sadd.s32 s21, s2  }
0x9d: {  	[timem:s6], [sflag:s22] =	dma.local [hbm:s4], s20  }
0x9e: {  	_ =	swait.ge [sflag:s22], s20  }
0x9f: {  	s3 =	ssub.s32 $0x0, s20;
	[sflag:s22] =	ssyncset.done $0x0  }
0xa0: {  	[sflag:s22] =	ssyncadd.s32 s3;
	_ =	sdelay $0x1  }
0xa1: {  	s23 =	simm.s32 $0x1B8B  }
0xa2: {  	_ =	swait.ge [sflag:s23], $0x1  }
0xa3: {  	[sflag:s23] =	ssyncset.done $0x0  }
0xa4: {  	s25 =	simm.s32 $0x1B8E;
	s24 =	sld [smem:$0x3FFE];
	[sflag:s23] =	ssyncadd.s32 $0xFFFFFFFF  }
0xa5: {  	s26 =	simm.s32 $execute0_lowered;
	[smem:$0x3FD2] =	sst s25  }
0xa6: {  	s4 =	sshll.u32 s26, $0x1;
	_ =	strace $0x80000049;
	[dreg:$0x1] =	wrdreg $0xFFFFFFFF  }
0xa7: {  	s28 =	simm.s32 $_size_execute0_lowered;
	s2 =	sadd.s32 s2, s4;
	[dreg:$0x0] =	wrdreg $0x0  }
0xa8: {  	s4 =	sshll.u32 s28, $0x1;
	[dreg:$0x2] =	wrdreg s2  }
0xa9: {  	[dreg:$0x3] =	wrdreg s4  }
0xaa: {  	[dreg:$0x4] =	wrdreg $0xC0  }
0xab: {  	_ =	task [dreg:s6], $0x5FFFF  }
0xac: {  	[dreg:$0x1] =	wrdreg $0xFFFFFFFF  }
0xad: {  	[dreg:$0x0] =	wrdreg $0x60  }
0xae: {  	[dreg:$0x2] =	wrdreg s24  }
0xaf: {  	[dreg:$0x3] =	wrdreg $0x20000  }
0xb0: {  	[dreg:$0x4] =	wrdreg $0x15C000  }
0xb1: {  	[dreg:$0x5] =	wrdreg $0x9  }
0xb2: {  	_ =	task.clear_ibuf [dreg:s6], $0x6FFFF;
	_ =	strace $0x90000049  }
0xb3: {  	s29 =	simm.s32 $0x9;
	_ =	strace $0x8000004B  }
0xb4: {  	_ =	swait.ge [sflag:s29], $0x1  }
0xb5: {  	[sflag:s29] =	ssyncadd.s32 $0xFFFFFFFF  }
0xb6: {  	_ =	strace $0x9000004B  }
0xb7: {  	_ =	sfence  }
0xb8: {  	s30 =	sld [smem:$0x0];
	_ =	sdelay $0x2  }
0xb9: {  	s31 =	sshll.u32 s1, $0xD;
	s1 =	sshrl.u32 s1, $0x2  }
0xba: {  	s3 =	sand.u32 $0x4000, s31;
	s1 =	sadd.s32 s1, s30  }
0xbb: {  	s0 =	sor.u32 s3, s0;
	s1 =	sshll.u32 s1, $0x11  }
0xbc: {  	s0 =	sor.u32 s1, s0  }
0xbd: {  	s0 =	sadd.s32 $0x8F2B, s0  }
0xbe: {  	[sflag:s0] =	ssyncadd.remote.s32 $0x1  }
0xbf: {  	_ =	sfence.sel $0xFFFF  }
0xc0: {  	[dreg:$0x0] =	wrdreg $0xFFFFFFFF;
	(pc) =	sbr.abs _section_cstart, $3  }
0xc1: {  	[dreg:$0x1] =	wrdreg $0xFFFFFFFF  }
0xc2: {  	_ =	task.clear_ibuf [dreg:s6], $0x2FFFF;
	_ =	strace $0x9FFFFFFF  }
0xc3: {  	(tm) =	ssettm $0x7FFFFFFF  }
tec
execute0_lowered:
.L_overlay_start_1:
0x0: {  	(tag) =	ssettag $0x1  }
0x1: {  	s0 =	rddreg [dreg:$0x0]  }
0x2: {  	s2 =	rddreg [dreg:$0x1];
	s1 =	srdreg.scid  }
0x3: {  	s14 =	stileid.u32;
	s3 =	rddreg [dreg:$0x2];
	s4 =	simm.s32 $0x0  }
0x4: {  	s18 =	simm.s32 $0x800;
	s19 =	simm.s32 $0x1000;
	s28 =	simm.s32 $0x3  }
0x5: {  	s31 =	simm.s32 $0x4;
	s17 =	simm.s32 $0x880;
	s29 =	simm.s32 $0xC80  }
0x6: {  	s30 =	simm.s32 $0xA80;
	s1 =	sand.u32 $0x1, s1;
	s5 =	smul.u32 $0x2780, s14  }
0x7: {  	[smem:$0x7FF] =	sst s4;
	s7 =	sadd.s32 $0x1E00, s0;
	s10 =	smul.u32 $0x13C00, s14  }
0x8: {  	s12 =	sadd.s32 $0x1CD600, s0;
	s22 =	sshll.u32 s14, $0x6;
	s25 =	smul.u32 $0xD200, s14  }
0x9: {  	s24 =	sadd.s32 $0x13B800, s2;
	p0 =	sgt.u32 s14, $0x7;
	s6 =	smul.u32 $0x13C00, s1  }
0xa: {  	_ =	strace $0x8000004A;
	s8 =	smul.u32 $0x27800, s1;
	s9 =	ssub.s32 $0x2, s1  }
0xb: {  	s11 =	sshll.u32 s1, $0x4;
	[dreg:$0x4] =	wrdreg s12;
	s15 =	sor.u32 $0x1C07, s22  }
0xc: {  	s1 =	smul.u32 $0xD2000, s1;
	[dreg:$0xa] =	wrdreg s24;
	p1 =	sne.s32 @p0 s14, $0x8  }
0xd: {  	s22 =	simm.s32 $0x5;
	s24 =	simm.s32 $0xB00;
	s20 =	sshrl.u32 s9, $0x1  }
0xe: {  	s21 =	sadd.s32 s10, s2;
	s11 =	sor.u32 s14, s11;
	s12 =	sadd.s32 s12, s5  }
0xf: {  	s16 =	sadd.s32 s10, s3;
	s10 =	simm.s32 $0x7;
	p1 =	por p1, !p0  }
0x10: {  	s14 =	simm.s32 $0xB80;
	s6 =	sadd.s32 s5, s6;
	[dreg:$0x5] =	wrdreg s12  }
0x11: {  	s11 =	smul.u32 $0xD200, s11;
	s12 =	sadd.s32 $0x9E000, s3;
	s1 =	sadd.s32 s1, s7  }
0x12: {  	s6 =	sadd.s32 s6, s0;
	s0 =	sadd.s32 s8, s0;
	s8 =	ssub.s32 s9, s20  }
0x13: {  	s13 =	sadd.s32 s25, s1;
	s1 =	sshrl.u32 @!p1 s12, $0x3;
	s20 =	simm.s32 $0x1800  }
0x14: {  	s25 =	simm.s32 $0x6;
	s9 =	simm.s32 $0x500;
	s12 =	simm.s32 $0x580  }
0x15: {  	s6 =	sadd.s32 $0x1A5E00, s6;
	s23 =	sadd.s32 s7, s11;
	[dreg:$0xd] =	wrdreg s1  }
0x16: {  	s0 =	sadd.s32 $0x1F4E00, s0;
	s26 =	smax.u32 s8, $0x1;
	[dreg:$0x7] =	wrdreg s6  }
0x17: {  	s8 =	sshrl.u32 s21, $0x3;
	s1 =	sshrl.u32 @!p0 s16, $0x3;
	[dreg:$0x8] =	wrdreg s23  }
0x18: {  	s21 =	simm.s32 $0x1;
	s16 =	simm.s32 $0x2;
	[dreg:$0xb] =	wrdreg s26  }
0x19: {  	s11 =	simm.s32 $0x900;
	s7 =	simm.s32 $0xC00;
	[dreg:$0xe] =	wrdreg s1  }
.Ltmp0:
0x1a: {  	s6 =	sadd.s32 $0x100, s23;
	[dreg:$0xc] =	wrdreg s8;
	(pc) =	sbr.rel .LBB2_1-.Ltmp0, $4  }
0x1b: {  	s23 =	simm.s32 $0x10;
	s0 =	sadd.s32 s5, s0;
	[dreg:$0x9] =	wrdreg s6  }
0x1c: {  	s26 =	simm.s32 $0xA00;
	s5 =	simm.s32 $0x0;
	[dreg:$0xf] =	wrdreg s0  }
0x1d: {  	s1 =	simm.s32 $0xD00;
	s6 =	smov.u32 s15;
	[dreg:$0x10] =	wrdreg s5  }
0x1e: {  	s15 =	simm.s32 $0x980;
	s0 =	simm.s32 $0xD80;
	[dreg:$0x6] =	wrdreg s6  }
.LBB2_4:
0x1f: {  	_ =	swait.ge [sflag:s22], $0x800  }
0x20: {  	[sflag:s22] =	ssyncset.done $0x0  }
0x21: {  	[sflag:s22] =	ssyncadd.s32 $0xFFFFF800  }
0x22: {  	_ =	swait.ge [sflag:s25], $0x800  }
0x23: {  	[sflag:s25] =	ssyncset.done $0x0  }
0x24: {  	[sflag:s25] =	ssyncadd.s32 $0xFFFFF800  }
0x25: {  	[bflag:$0x0] =	sbarrier.arrive $0xFFFF  }
0x26: {  	s6 =	rddreg [dreg:$0x6]  }
0x27: {  	s8 =	rddreg [dreg:$0xc]  }
0x28: {  	s10 =	simm.s32 $0x7;
	s5 =	rddreg [dreg:$0xf]  }
0x29: {  	[hbm:s5], [sflag:s6] =	dma.local [spmem:s8], $0x2780  }
0x2a: {  	_ =	swait.ge [sflag:s10], $0x2780  }
0x2b: {  	s9 =	rddreg [dreg:$0x10]  }
0x2c: {  	s5 =	rddreg [dreg:$0xb];
	s9 =	sadd.s32 $0x1, s9  }
0x2d: {  	p2 =	sne.s32 s9, s5  }
.Ltmp1:
0x2e: {  	_ = 	snop;
	(pc) =	sbr.rel @!p2 .LBB2_5-.Ltmp1, $3  }
0x2f: {  	_ =	sdelay $0x1  }
0x30: {  	[sflag:s10] =	ssyncset.done $0x0  }
0x31: {  	[sflag:s10] =	ssyncadd.s32 $0xFFFFD880;
	[dreg:$0x10] =	wrdreg s9;
	s9 =	simm.s32 $0x500  }
.LBB2_1:
0x32: {  	s5 =	rddreg [dreg:$0x5]  }
0x33: {  	[spmem:s8], [sflag:s6] =	dma.local [hbm:s5], $0x2780  }
0x34: {  	_ =	swait.ge [sflag:s10], $0x2780  }
0x35: {  	[sflag:s10] =	ssyncset.done $0x0;
	s5 =	rddreg [dreg:$0x4]  }
0x36: {  	s8 =	rddreg [dreg:$0xd];
	[sflag:s10] =	ssyncadd.s32 $0xFFFFD880  }
0x37: {  	[spmem:s8], [sflag:s6] =	dma.local @!p1 [hbm:s5], $0x400  }
0x38: {  	s5 =	simm.s32 @!p1 $0x7  }
0x39: {  	_ =	swait.ge @!p1 [sflag:s5], $0x400  }
0x3a: {  	[sflag:s5] =	ssyncset.done @!p1 $0x0;
	s8 =	rddreg [dreg:$0xe]  }
0x3b: {  	[sflag:s5] =	ssyncadd.s32 @!p1 $0xFFFFFC00;
	s5 =	rddreg [dreg:$0x7]  }
0x3c: {  	[spmem:s8], [sflag:s6] =	dma.local @!p0 [hbm:s5], $0x2780  }
0x3d: {  	s5 =	simm.s32 @!p0 $0x7  }
0x3e: {  	_ =	swait.ge @!p0 [sflag:s5], $0x2780  }
0x3f: {  	[sflag:s5] =	ssyncset.done @!p0 $0x0  }
0x40: {  	[sflag:s5] =	ssyncadd.s32 @!p0 $0xFFFFD880  }
0x41: {  	[bflag:$0x0] =	sbarrier.arrive $0xFFFF  }
0x42: {  	s6 =	rddreg [dreg:$0x8]  }
0x43: {  	[tilespmem:s4], [sflag:$0x1] =	stream.linear.gather [hbm4b:s6+s4], $0x600, $0x38;
	[tilespmem:$0x1FC00] =	vst v63  }
0x44: {  	s8 =	rddreg [dreg:$0x9]  }
0x45: {  	[tilespmem:s18], [sflag:$0x2] =	stream.linear.gather [hbm4b:s8+s4], $0x600, $0x38;
	[tilespmem:$0x1FC00] =	vst v63  }
0x46: {  	s10 =	rddreg [dreg:$0xa]  }
0x47: {  	[spmem:s10] =	stream.linear.scatter [tilespmem:s19], [sflag:$0x5], $0x800, $0x38;
	[tilespmem:$0x1FC00] =	vst v63  }
0x48: {  	_ = 	snop  }
0x49: {  	[spmem:s10] =	stream.linear.scatter [tilespmem:s20], [sflag:$0x6], $0x800, $0x38;
	[tilespmem:$0x1FC00] =	vst v63  }
0x4a: {  	s5 =	simm.s32 $0xFFFF3000;
	s10 =	simm.s32 $0x80  }
.LBB2_2:
0x4b: {  	_ =	swait.ge [sflag:s21], $0x600  }
0x4c: {  	[sflag:s21] =	ssyncset.done $0x0  }
0x4d: {  	[sflag:s21] =	ssyncadd.s32 $0xFFFFFA00  }
0x4e: {  	_ =	swait.ge [sflag:s22], $0x800  }
0x4f: {  	[sflag:s22] =	ssyncset.done $0x0  }
0x50: {  	[sflag:s22] =	ssyncadd.s32 $0xFFFFF800  }
0x51: {  	[tilespmem:s19], [sflag:$0x3] =	stream.indirect.gather [spmem:s3], $0x80, s4, s23, $0xb8;
	[tilespmem:$0x1FC00] =	vst v63  }
0x52: {  	_ =	swait.ge [sflag:s25], $0x800  }
0x53: {  	[sflag:s25] =	ssyncset.done $0x0  }
0x54: {  	[sflag:s25] =	ssyncadd.s32 $0xFFFFF800  }
0x55: {  	[tilespmem:s20], [sflag:$0x4] =	stream.indirect.gather [spmem:s3], $0x80, s10, s23, $0xb8;
	[tilespmem:$0x1FC00] =	vst v63  }
0x56: {  	_ =	swait.ge [sflag:s28], $0x800  }
0x57: {  	[sflag:s28] =	ssyncset.done $0x0  }
0x58: {  	s6 =	simm.s32 $0x300;
	[sflag:s28] =	ssyncadd.s32 $0xFFFFF800  }
0x59: {  	[spmem:s2] =	stream.indirect.scatter.add.f32 [tilespmem:s19], [sflag:$0x5], $0x80, s6, s23, $0xb8;
	[tilespmem:$0x1FC00] =	vst v63  }
0x5a: {  	_ =	swait.ge [sflag:s22], $0x800  }
0x5b: {  	[sflag:s22] =	ssyncset.done $0x0  }
0x5c: {  	s8 =	simm.s32 $0x100;
	[sflag:s22] =	ssyncadd.s32 $0xFFFFF800  }
0x5d: {  	[tilespmem:s19], [sflag:$0x3] =	stream.indirect.gather [spmem:s3], $0x80, s8, s23, $0xb8;
	[tilespmem:$0x1FC00] =	vst v63  }
0x5e: {  	_ =	swait.ge [sflag:s31], $0x800  }
0x5f: {  	[sflag:s31] =	ssyncset.done $0x0  }
0x60: {  	s8 =	simm.s32 $0x380;
	[sflag:s31] =	ssyncadd.s32 $0xFFFFF800  }
0x61: {  	[spmem:s2] =	stream.indirect.scatter.add.f32 [tilespmem:s20], [sflag:$0x6], $0x80, s8, s23, $0xb8;
	[tilespmem:$0x1FC00] =	vst v63  }
0x62: {  	_ =	swait.ge [sflag:s25], $0x800  }
0x63: {  	[sflag:s25] =	ssyncset.done $0x0  }
0x64: {  	s8 =	simm.s32 $0x180;
	[sflag:s25] =	ssyncadd.s32 $0xFFFFF800  }
0x65: {  	[tilespmem:s20], [sflag:$0x4] =	stream.indirect.gather [spmem:s3], $0x80, s8, s23, $0xb8;
	[tilespmem:$0x1FC00] =	vst v63  }
0x66: {  	_ =	swait.ge [sflag:s28], $0x800  }
0x67: {  	[sflag:s28] =	ssyncset.done $0x0  }
0x68: {  	s8 =	simm.s32 $0x400;
	[sflag:s28] =	ssyncadd.s32 $0xFFFFF800  }
0x69: {  	[spmem:s2] =	stream.indirect.scatter.add.f32 [tilespmem:s19], [sflag:$0x5], $0x80, s8, s23, $0xb8;
	[tilespmem:$0x1FC00] =	vst v63  }
0x6a: {  	_ =	swait.ge [sflag:s22], $0x800  }
0x6b: {  	[sflag:s22] =	ssyncset.done $0x0  }
0x6c: {  	s8 =	simm.s32 $0x200;
	[sflag:s22] =	ssyncadd.s32 $0xFFFFF800  }
0x6d: {  	[tilespmem:s19], [sflag:$0x3] =	stream.indirect.gather [spmem:s3], $0x80, s8, s23, $0xb8;
	[tilespmem:$0x1FC00] =	vst v63  }
0x6e: {  	_ =	swait.ge [sflag:s31], $0x800  }
0x6f: {  	[sflag:s31] =	ssyncset.done $0x0  }
0x70: {  	s8 =	simm.s32 $0x480;
	[sflag:s31] =	ssyncadd.s32 $0xFFFFF800  }
0x71: {  	[spmem:s2] =	stream.indirect.scatter.add.f32 [tilespmem:s20], [sflag:$0x6], $0x80, s8, s23, $0xb8;
	[tilespmem:$0x1FC00] =	vst v63  }
0x72: {  	_ =	swait.ge [sflag:s25], $0x800  }
0x73: {  	[sflag:s25] =	ssyncset.done $0x0  }
0x74: {  	s8 =	simm.s32 $0x280;
	[sflag:s25] =	ssyncadd.s32 $0xFFFFF800  }
0x75: {  	[tilespmem:s20], [sflag:$0x4] =	stream.indirect.gather [spmem:s3], $0x80, s8, s23, $0xb8;
	[tilespmem:$0x1FC00] =	vst v63  }
0x76: {  	_ =	swait.ge [sflag:s28], $0x800  }
0x77: {  	[sflag:s28] =	ssyncset.done $0x0  }
0x78: {  	[sflag:s28] =	ssyncadd.s32 $0xFFFFF800  }
0x79: {  	[spmem:s2] =	stream.indirect.scatter.add.f32 [tilespmem:s19], [sflag:$0x5], $0x80, s9, s23, $0xb8;
	[tilespmem:$0x1FC00] =	vst v63  }
0x7a: {  	_ =	swait.ge [sflag:s31], $0x800  }
0x7b: {  	p2 =	seq.s32 s5, $0x0;
	[sflag:s31] =	ssyncset.done $0x0  }
0x7c: {  	s6 =	sadd.s32 @!p2 s5, s13;
	[sflag:s31] =	ssyncadd.s32 $0xFFFFF800  }
0x7d: {  	[spmem:s2] =	stream.indirect.scatter.add.f32 [tilespmem:s20], [sflag:$0x6], $0x80, s12, s23, $0xb8;
	[tilespmem:$0x1FC00] =	vst v63  }
0x7e: {  	s6 =	sadd.s32 @!p2 $0xD200, s6;
	s8 =	simm.s32 @!p2 $0x0  }
0x7f: {  	[tilespmem:s8], [sflag:$0x1] =	stream.linear.gather @!p2 [hbm4b:s6+s8], $0x600, $0x38;
	[tilespmem:$0x1FC00] =	vst v63  }
0x80: {  	_ =	swait.ge [sflag:s16], $0x600  }
0x81: {  	[sflag:s16] =	ssyncset.done $0x0  }
0x82: {  	[sflag:s16] =	ssyncadd.s32 $0xFFFFFA00  }
0x83: {  	_ =	swait.ge [sflag:s22], $0x800  }
0x84: {  	[sflag:s22] =	ssyncset.done $0x0  }
0x85: {  	[sflag:s22] =	ssyncadd.s32 $0xFFFFF800  }
0x86: {  	[tilespmem:s19], [sflag:$0x3] =	stream.indirect.gather [spmem:s3], $0x80, s18, s23, $0xb8;
	[tilespmem:$0x1FC00] =	vst v63  }
0x87: {  	_ =	swait.ge [sflag:s25], $0x800  }
0x88: {  	[sflag:s25] =	ssyncset.done $0x0  }
0x89: {  	[sflag:s25] =	ssyncadd.s32 $0xFFFFF800  }
0x8a: {  	[tilespmem:s20], [sflag:$0x4] =	stream.indirect.gather [spmem:s3], $0x80, s17, s23, $0xb8;
	[tilespmem:$0x1FC00] =	vst v63  }
0x8b: {  	_ =	swait.ge [sflag:s28], $0x800  }
0x8c: {  	[sflag:s28] =	ssyncset.done $0x0  }
0x8d: {  	[sflag:s28] =	ssyncadd.s32 $0xFFFFF800  }
0x8e: {  	[spmem:s2] =	stream.indirect.scatter.add.f32 [tilespmem:s19], [sflag:$0x5], $0x80, s24, s23, $0xb8;
	[tilespmem:$0x1FC00] =	vst v63  }
0x8f: {  	_ =	swait.ge [sflag:s22], $0x800  }
0x90: {  	[sflag:s22] =	ssyncset.done $0x0  }
0x91: {  	[sflag:s22] =	ssyncadd.s32 $0xFFFFF800  }
0x92: {  	[tilespmem:s19], [sflag:$0x3] =	stream.indirect.gather [spmem:s3], $0x80, s11, s23, $0xb8;
	[tilespmem:$0x1FC00] =	vst v63  }
0x93: {  	_ =	swait.ge [sflag:s31], $0x800  }
0x94: {  	[sflag:s31] =	ssyncset.done $0x0  }
0x95: {  	[sflag:s31] =	ssyncadd.s32 $0xFFFFF800  }
0x96: {  	[spmem:s2] =	stream.indirect.scatter.add.f32 [tilespmem:s20], [sflag:$0x6], $0x80, s14, s23, $0xb8;
	[tilespmem:$0x1FC00] =	vst v63  }
0x97: {  	_ =	swait.ge [sflag:s25], $0x800  }
0x98: {  	[sflag:s25] =	ssyncset.done $0x0  }
0x99: {  	[sflag:s25] =	ssyncadd.s32 $0xFFFFF800  }
0x9a: {  	[tilespmem:s20], [sflag:$0x4] =	stream.indirect.gather [spmem:s3], $0x80, s15, s23, $0xb8;
	[tilespmem:$0x1FC00] =	vst v63  }
0x9b: {  	_ =	swait.ge [sflag:s28], $0x800  }
0x9c: {  	[sflag:s28] =	ssyncset.done $0x0  }
0x9d: {  	[sflag:s28] =	ssyncadd.s32 $0xFFFFF800  }
0x9e: {  	[spmem:s2] =	stream.indirect.scatter.add.f32 [tilespmem:s19], [sflag:$0x5], $0x80, s7, s23, $0xb8;
	[tilespmem:$0x1FC00] =	vst v63  }
0x9f: {  	_ =	swait.ge [sflag:s22], $0x800  }
0xa0: {  	[sflag:s22] =	ssyncset.done $0x0  }
0xa1: {  	[sflag:s22] =	ssyncadd.s32 $0xFFFFF800  }
0xa2: {  	[tilespmem:s19], [sflag:$0x3] =	stream.indirect.gather [spmem:s3], $0x80, s26, s23, $0xb8;
	[tilespmem:$0x1FC00] =	vst v63  }
0xa3: {  	_ =	swait.ge [sflag:s31], $0x800  }
0xa4: {  	[sflag:s31] =	ssyncset.done $0x0  }
0xa5: {  	[sflag:s31] =	ssyncadd.s32 $0xFFFFF800  }
0xa6: {  	[spmem:s2] =	stream.indirect.scatter.add.f32 [tilespmem:s20], [sflag:$0x6], $0x80, s29, s23, $0xb8;
	[tilespmem:$0x1FC00] =	vst v63  }
0xa7: {  	_ =	swait.ge [sflag:s25], $0x800  }
0xa8: {  	[sflag:s25] =	ssyncset.done $0x0  }
0xa9: {  	[sflag:s25] =	ssyncadd.s32 $0xFFFFF800  }
0xaa: {  	[tilespmem:s20], [sflag:$0x4] =	stream.indirect.gather [spmem:s3], $0x80, s30, s23, $0xb8;
	[tilespmem:$0x1FC00] =	vst v63  }
0xab: {  	_ =	swait.ge [sflag:s28], $0x800  }
0xac: {  	[sflag:s28] =	ssyncset.done $0x0  }
0xad: {  	[sflag:s28] =	ssyncadd.s32 $0xFFFFF800  }
0xae: {  	[spmem:s2] =	stream.indirect.scatter.add.f32 [tilespmem:s19], [sflag:$0x5], $0x80, s1, s23, $0xb8;
	[tilespmem:$0x1FC00] =	vst v63  }
.Ltmp2:
0xaf: {  	_ = 	snop;
	(pc) =	sbr.rel @p2 .LBB2_4-.Ltmp2, $4  }
0xb0: {  	_ =	swait.ge [sflag:s31], $0x800  }
0xb1: {  	[sflag:s31] =	ssyncset.done $0x0  }
0xb2: {  	[sflag:s31] =	ssyncadd.s32 $0xFFFFF800  }
0xb3: {  	[spmem:s2] =	stream.indirect.scatter.add.f32 [tilespmem:s20], [sflag:$0x6], $0x80, s0, s23, $0xb8;
	[tilespmem:$0x1FC00] =	vst v63  }
.Ltmp3:
0xb4: {  	(pc) =	sbr.rel .LBB2_2-.Ltmp3, $4  }
0xb5: {  	_ = 	snop  }
0xb6: {  	s6 =	sadd.s32 s5, s13  }
0xb7: {  	s5 =	sadd.s32 $0x200, s5;
	s6 =	sadd.s32 $0xD300, s6  }
0xb8: {  	[tilespmem:s18], [sflag:$0x2] =	stream.linear.gather [hbm4b:s6+s4], $0x600, $0x38;
	[tilespmem:$0x1FC00] =	vst v63  }
.LBB2_5:
0xb9: {  	_ =	sfence.sel $0x180000  }
0xba: {  	[bflag:$0x0] =	sbarrier.arrive $0xFFFF  }
0xbb: {  	_ =	strace $0x9000004A  }
0xbc: {  	s0 =	stileid.u32;
	[bflag:$0x2] =	sbarrier.arrive $0xFFFF  }
0xbd: {  	p0 =	sne.s32 s0, $0x0;
	s0 =	rddreg [dreg:$0x3]  }
0xbe: {  	s0 =	sadd.s32 @!p0 $0x100000, s0  }
0xbf: {  	[sflag:s0] =	ssyncadd.tile.s32 @!p0 $0x1;
	_ =	shalt  }
.Lfunc_end2:
_tile_overlayer_lowered:
.L_overlay_start_2:
0xc0: {  	(tag) =	ssettag $0x2  }
0xc1: {  	s0 =	rddreg [dreg:$0x0];
	s2 =	stileid.u32  }
0xc2: {  	s1 =	rddreg [dreg:$0x1];
	p0 =	sne.s32 s2, $0x0  }
0xc3: {  	s3 =	rddreg [dreg:$0x2];
	[bflag:$0x3] =	sbarrier.arrive $0xFFFF;
	s2 =	simm.s32 @!p0 $0x1C07  }
0xc4: {  	[timem:s3], [sflag:s2] =	dma.local @!p0 [hbm:s0], s1  }
0xc5: {  	s0 =	simm.s32 @!p0 $0x7  }
0xc6: {  	_ =	swait.ge @!p0 [sflag:s0], s1  }
0xc7: {  	s1 =	ssub.s32 @!p0 $0x0, s1;
	[sflag:s0] =	ssyncset.done @!p0 $0x0  }
0xc8: {  	[sflag:s0] =	ssyncadd.s32 @!p0 s1  }
0xc9: {  	[bflag:$0x3] =	sbarrier.arrive $0xFFFF  }
0xca: {  	_ =	shalt  }

// kernel: kernel.14.cloned.1.call-start
scs
__scs_entry_jumppad:
0x0: {  	(pc) =	sbr.rel $0x88, $3  }
0x1: {  	(tag) =	ssettag $0x0;
	lr =	simm.s32 $0x1  }
0x2: {  	[smem:$0x3F96] =	sst lr;
	_ =	strace $0xD0000000  }
0x3: {  	_ = 	snop  }
0x4: {  	_ = 	snop  }
0x5: {  	_ = 	snop  }
0x6: {  	_ = 	snop  }
0x7: {  	_ = 	snop  }
__scs_overlays_trampoline_lowered:
0x8: {  	[smem:$0x3FA5] =	sst s0  }
0x9: {  	[smem:$0x3FA6] =	sst s1  }
0xa: {  	[smem:$0x3FA7] =	sst s2  }
0xb: {  	[smem:$0x3FA8] =	sst s3  }
0xc: {  	[smem:$0x3FA9] =	sst s4  }
0xd: {  	[smem:$0x3FAA] =	sst s5  }
0xe: {  	[smem:$0x3FAB] =	sst s6  }
0xf: {  	[smem:$0x3FAC] =	sst s7  }
0x10: {  	[smem:$0x3FAD] =	sst s8  }
0x11: {  	[smem:$0x3FAE] =	sst s9;
	s0 =	simm.s32 @!p0 $0x0  }
0x12: {  	s1 =	sld [smem:$0x3F94];
	s0 =	simm.s32 @p0 $0x1  }
0x13: {  	[smem:$0x3FAF] =	sst s0;
	s0 =	simm.s32 @!p1 $0x0  }
0x14: {  	s2 =	sld [smem:$0x3F93];
	s0 =	simm.s32 @p1 $0x1  }
0x15: {  	[smem:$0x3FB0] =	sst s0;
	s0 =	simm.s32 @!p2 $0x0  }
0x16: {  	s3 =	sld [smem:$0x3FDB];
	s0 =	simm.s32 @p2 $0x1  }
0x17: {  	s4 =	simm.s32 $0x1BF5;
	[smem:$0x3FB2] =	sst s0  }
0x18: {  	s0 =	sld [smem:$0x3F95];
	_ =	swait.ge [sflag:s4], $0x0  }
0x19: {  	s7 =	sld [smem:$0x3F96]  }
0x1a: {  	s8 =	sadd.s32 $0xFFFFE003, lr  }
0x1b: {  	s9 =	sadd.s32 $0xFFFFFEF7, lr;
	s5 =	simm.s32 $0xFFFFFFFF;
	p2 =	slt.u32 s8, $0xFFFFF086  }
0x1c: {  	p1 =	slt.u32 s9, $0xF7A;
	s5 =	simm.s32 @!p2 $0x0  }
0x1d: {  	s5 =	simm.s32 @p1 $0x1;
	p0 =	seq.s32 s7, s2  }
0x1e: {  	s7 =	smul.u32 @!p0 $0xF7A, s2;
	p2 =	seq.s32 @!p0 s5, $0x0  }
0x1f: {  	s9 =	smul.u32 $0xF7A, s1;
	s8 =	simm.s32 @!p0 $0x1BF5;
	p2 =	por !p2, p0  }
0x20: {  	[sflag:s8] =	ssyncset.s32 @!p0 $0xFFFFF086;
	s6 =	sadd.s32 @!p0 s3, s7;
	s7 =	simm.s32 @!p0 $0x108  }
0x21: {  	s3 =	sadd.s32 s3, s9;
	s6 =	sadd.s32 @!p0 $0x88, s6;
	s7 =	simm.s32 @p2 $0x1082  }
0x22: {  	[simem:s7], [sflag:s8] =	dma.local @!p0 [hbm:s6], $0xF7A  }
0x23: {  	s9 =	sor.u32 $0xD0000000, s2;
	s6 =	simm.s32 $0x108;
	_ =	swait.ge @!p0 [sflag:s8], $0x0  }
0x24: {  	s3 =	sadd.s32 $0x88, s3;
	s6 =	simm.s32 @!p1 $0x1082;
	[sflag:s4] =	ssyncset.s32 $0xFFFFF086  }
0x25: {  	[simem:s6], [sflag:s4] =	dma.local [hbm:s3], $0xF7A  }
0x26: {  	[smem:$0x3F96] =	sst s1;
	(tag) =	ssettag s2;
	_ =	strace s9  }
0x27: {  	s1 =	sld [smem:$0x3FA6]  }
0x28: {  	s2 =	sld [smem:$0x3FA7]  }
0x29: {  	s4 =	sld [smem:$0x3FA9]  }
0x2a: {  	p0 =	seq.s32 s5, $0x0;
	s5 =	sld [smem:$0x3FAA]  }
0x2b: {  	s6 =	sld [smem:$0x3FAB]  }
0x2c: {  	s7 =	sld [smem:$0x3FAC]  }
0x2d: {  	s3 =	simm.s32 $0x108;
	s8 =	sld [smem:$0x3FAD]  }
0x2e: {  	s3 =	simm.s32 @!p0 $0x1082;
	s9 =	sld [smem:$0x3FAE]  }
0x2f: {  	lr =	sadd.s32 s0, s3;
	s0 =	sld [smem:$0x3FA5]  }
0x30: {  	s3 =	sld [smem:$0x3FA8]  }
0x31: {  	[smem:$0x3FB1] =	sst s10  }
0x32: {  	s10 =	sld [smem:$0x3FAF];
	_ =	sdelay $0x3  }
0x33: {  	p0 =	seq.s32 s10, $0x1;
	s10 =	sld [smem:$0x3FB1];
	_ =	sdelay $0x3  }
0x34: {  	[smem:$0x3FB1] =	sst s10  }
0x35: {  	s10 =	sld [smem:$0x3FB0];
	_ =	sdelay $0x3  }
0x36: {  	p1 =	seq.s32 s10, $0x1;
	s10 =	sld [smem:$0x3FB1];
	_ =	sdelay $0x3  }
0x37: {  	[smem:$0x3FB1] =	sst s10  }
0x38: {  	s10 =	sld [smem:$0x3FB2]  }
0x39: {  	_ = 	snop;
	(pc) =	sbr.ind lr, $3  }
0x3a: {  	_ = 	snop  }
0x3b: {  	_ = 	snop  }
0x3c: {  	p2 =	seq.s32 s10, $0x1;
	s10 =	sld [smem:$0x3FB1]  }
0x3d: {  	_ =	shalt  }
0x3e: {  	_ =	shalt  }
0x3f: {  	_ =	shalt  }
0x40: {  	_ =	shalt  }
0x41: {  	_ =	shalt  }
0x42: {  	_ =	shalt  }
0x43: {  	_ =	shalt  }
0x44: {  	_ =	shalt  }
0x45: {  	_ =	shalt  }
0x46: {  	_ =	shalt  }
0x47: {  	_ =	shalt  }
0x48: {  	_ =	shalt  }
0x49: {  	_ =	shalt  }
0x4a: {  	_ =	shalt  }
0x4b: {  	_ =	shalt  }
0x4c: {  	_ =	shalt  }
0x4d: {  	_ =	shalt  }
0x4e: {  	_ =	shalt  }
0x4f: {  	_ =	shalt  }
0x50: {  	_ =	shalt  }
0x51: {  	_ =	shalt  }
0x52: {  	_ =	shalt  }
0x53: {  	_ =	shalt  }
0x54: {  	_ =	shalt  }
0x55: {  	_ =	shalt  }
0x56: {  	_ =	shalt  }
0x57: {  	_ =	shalt  }
0x58: {  	_ =	shalt  }
0x59: {  	_ =	shalt  }
0x5a: {  	_ =	shalt  }
0x5b: {  	_ =	shalt  }
0x5c: {  	_ =	shalt  }
0x5d: {  	_ =	shalt  }
0x5e: {  	_ =	shalt  }
0x5f: {  	_ =	shalt  }
0x60: {  	_ =	shalt  }
0x61: {  	_ =	shalt  }
0x62: {  	_ =	shalt  }
0x63: {  	_ =	shalt  }
0x64: {  	_ =	shalt  }
0x65: {  	_ =	shalt  }
0x66: {  	_ =	shalt  }
0x67: {  	_ =	shalt  }
0x68: {  	_ =	shalt  }
0x69: {  	_ =	shalt  }
0x6a: {  	_ =	shalt  }
0x6b: {  	_ =	shalt  }
0x6c: {  	_ =	shalt  }
0x6d: {  	_ =	shalt  }
0x6e: {  	_ =	shalt  }
0x6f: {  	_ =	shalt  }
0x70: {  	_ =	shalt  }
0x71: {  	_ =	shalt  }
0x72: {  	_ =	shalt  }
0x73: {  	_ =	shalt  }
0x74: {  	_ =	shalt  }
0x75: {  	_ =	shalt  }
0x76: {  	_ =	shalt  }
0x77: {  	_ =	shalt  }
0x78: {  	_ =	shalt  }
0x79: {  	_ =	shalt  }
0x7a: {  	_ =	shalt  }
0x7b: {  	_ =	shalt  }
0x7c: {  	_ =	shalt  }
0x7d: {  	_ =	shalt  }
0x7e: {  	_ =	shalt  }
0x7f: {  	_ =	shalt  }
0x80: {  	_ =	shalt  }
0x81: {  	_ =	shalt  }
0x82: {  	_ =	shalt  }
0x83: {  	_ =	shalt  }
0x84: {  	_ =	shalt  }
0x85: {  	_ =	shalt  }
0x86: {  	_ =	shalt  }
0x87: {  	_ =	shalt  }
.Lfunc_end0:
.L_simem_size_0:
called_computation.2_lowered:
.L_overlay_start_0:
0x88: {  	s2 =	sld [smem:$0x3FD9]  }
0x89: {  	s3 =	sld [smem:$0x3FFE];
	_ =	sdelay $0x1  }
0x8a: {  	s1 =	srdreg.scid  }
0x8b: {  	s0 =	sand.u32 $0x1, s1  }
0x8c: {  	s16 =	sshll.u32 s0, $0xA;
	s2 =	sadd.s32 s3, s2  }
0x8d: {  	s2 =	sadd.s32 s2, s16  }
0x8e: {  	[smem:$0x3FBD] =	sst s2  }
0x8f: {  	_ = 	snop  }
0x90: {  	(tm) =	ssettm $0x1  }
0x91: {  	s17 =	sld [smem:$0x3FFB];
	_ =	sdelay $0x3  }
0x92: {  	_ =	strace s17  }
0x93: {  	s2 =	sld [smem:$0x3FFC];
	_ =	sdelay $0x3  }
0x94: {  	_ =	strace s2  }
0x95: {  	s2 =	sld [smem:$0x3FFD];
	_ =	sdelay $0x3  }
0x96: {  	_ =	strace s2  }
0x97: {  	_ =	strace $0x8FFFFFFF  }
0x98: {  	s18 =	sld [smem:$0x3FDB];
	_ =	sdelay $0x1  }
0x99: {  	s19 =	simm.s32 $_scs_section_size  }
0x9a: {  	s4 =	simm.s32 $_size__tile_overlayer_lowered;
	s5 =	simm.s32 $_tile_overlayer_lowered  }
0x9b: {  	s22 =	simm.s32 $0x1BFF;
	s21 =	sshll.u32 s5, $0x1;
	s2 =	sadd.s32 s19, s18  }
0x9c: {  	s6 =	simm.s32 $0x0;
	s20 =	sshll.u32 s4, $0x1;
	s4 =	sadd.s32 s21, s2  }
0x9d: {  	[timem:s6], [sflag:s22] =	dma.local [hbm:s4], s20  }
0x9e: {  	_ =	swait.ge [sflag:s22], s20  }
0x9f: {  	s3 =	ssub.s32 $0x0, s20;
	[sflag:s22] =	ssyncset.done $0x0  }
0xa0: {  	[sflag:s22] =	ssyncadd.s32 s3;
	_ =	sdelay $0x1  }
0xa1: {  	s23 =	simm.s32 $0x1B8B  }
0xa2: {  	_ =	swait.ge [sflag:s23], $0x1  }
0xa3: {  	[sflag:s23] =	ssyncset.done $0x0  }
0xa4: {  	s25 =	simm.s32 $0x1B8E;
	s24 =	sld [smem:$0x3FFE];
	[sflag:s23] =	ssyncadd.s32 $0xFFFFFFFF  }
0xa5: {  	s26 =	simm.s32 $execute0_lowered;
	[smem:$0x3FD2] =	sst s25  }
0xa6: {  	s4 =	sshll.u32 s26, $0x1;
	_ =	strace $0x8000004C;
	[dreg:$0x1] =	wrdreg $0xFFFFFFFF  }
0xa7: {  	s28 =	simm.s32 $_size_execute0_lowered;
	s2 =	sadd.s32 s2, s4;
	[dreg:$0x0] =	wrdreg $0x0  }
0xa8: {  	s4 =	sshll.u32 s28, $0x1;
	[dreg:$0x2] =	wrdreg s2  }
0xa9: {  	[dreg:$0x3] =	wrdreg s4  }
0xaa: {  	[dreg:$0x4] =	wrdreg $0xC0  }
0xab: {  	_ =	task [dreg:s6], $0x5FFFF  }
0xac: {  	[dreg:$0x1] =	wrdreg $0xFFFFFFFF  }
0xad: {  	[dreg:$0x0] =	wrdreg $0x60  }
0xae: {  	[dreg:$0x2] =	wrdreg s24  }
0xaf: {  	[dreg:$0x3] =	wrdreg $0x20000  }
0xb0: {  	[dreg:$0x4] =	wrdreg $0x15C000  }
0xb1: {  	[dreg:$0x5] =	wrdreg $0x9  }
0xb2: {  	_ =	task.clear_ibuf [dreg:s6], $0x6FFFF;
	_ =	strace $0x9000004C  }
0xb3: {  	s29 =	simm.s32 $0x9;
	_ =	strace $0x8000004E  }
0xb4: {  	_ =	swait.ge [sflag:s29], $0x1  }
0xb5: {  	[sflag:s29] =	ssyncadd.s32 $0xFFFFFFFF  }
0xb6: {  	_ =	strace $0x9000004E  }
0xb7: {  	_ =	sfence  }
0xb8: {  	s30 =	sld [smem:$0x0];
	_ =	sdelay $0x2  }
0xb9: {  	s31 =	sshll.u32 s1, $0xD;
	s1 =	sshrl.u32 s1, $0x2  }
0xba: {  	s3 =	sand.u32 $0x4000, s31;
	s1 =	sadd.s32 s1, s30  }
0xbb: {  	s0 =	sor.u32 s3, s0;
	s1 =	sshll.u32 s1, $0x11  }
0xbc: {  	s0 =	sor.u32 s1, s0  }
0xbd: {  	s0 =	sadd.s32 $0x8F2B, s0  }
0xbe: {  	[sflag:s0] =	ssyncadd.remote.s32 $0x1  }
0xbf: {  	_ =	sfence.sel $0xFFFF  }
0xc0: {  	[dreg:$0x0] =	wrdreg $0xFFFFFFFF;
	(pc) =	sbr.abs _section_cstart, $3  }
0xc1: {  	[dreg:$0x1] =	wrdreg $0xFFFFFFFF  }
0xc2: {  	_ =	task.clear_ibuf [dreg:s6], $0x2FFFF;
	_ =	strace $0x9FFFFFFF  }
0xc3: {  	(tm) =	ssettm $0x7FFFFFFF  }
tec
execute0_lowered:
.L_overlay_start_1:
0x0: {  	(tag) =	ssettag $0x1  }
0x1: {  	s0 =	rddreg [dreg:$0x0]  }
0x2: {  	s2 =	rddreg [dreg:$0x1];
	s1 =	srdreg.scid  }
0x3: {  	s14 =	stileid.u32;
	s3 =	rddreg [dreg:$0x2];
	s4 =	simm.s32 $0x0  }
0x4: {  	s18 =	simm.s32 $0x800;
	s19 =	simm.s32 $0x1000;
	s28 =	simm.s32 $0x3  }
0x5: {  	s31 =	simm.s32 $0x4;
	s17 =	simm.s32 $0x880;
	s29 =	simm.s32 $0xC80  }
0x6: {  	s30 =	simm.s32 $0xA80;
	s1 =	sand.u32 $0x1, s1;
	s5 =	smul.u32 $0x2780, s14  }
0x7: {  	[smem:$0x7FF] =	sst s4;
	s7 =	sadd.s32 $0x1E00, s0;
	s10 =	smul.u32 $0x13C00, s14  }
0x8: {  	s12 =	sadd.s32 $0x1CD600, s0;
	s22 =	sshll.u32 s14, $0x6;
	s25 =	smul.u32 $0xD200, s14  }
0x9: {  	s24 =	sadd.s32 $0x13B800, s2;
	p0 =	sgt.u32 s14, $0x7;
	s6 =	smul.u32 $0x13C00, s1  }
0xa: {  	_ =	strace $0x8000004D;
	s8 =	smul.u32 $0x27800, s1;
	s9 =	ssub.s32 $0x2, s1  }
0xb: {  	s11 =	sshll.u32 s1, $0x4;
	[dreg:$0x4] =	wrdreg s12;
	s15 =	sor.u32 $0x1C07, s22  }
0xc: {  	s1 =	smul.u32 $0xD2000, s1;
	[dreg:$0xa] =	wrdreg s24;
	p1 =	sne.s32 @p0 s14, $0x8  }
0xd: {  	s22 =	simm.s32 $0x5;
	s24 =	simm.s32 $0xB00;
	s20 =	sshrl.u32 s9, $0x1  }
0xe: {  	s21 =	sadd.s32 s10, s2;
	s11 =	sor.u32 s14, s11;
	s12 =	sadd.s32 s12, s5  }
0xf: {  	s16 =	sadd.s32 s10, s3;
	s10 =	simm.s32 $0x7;
	p1 =	por p1, !p0  }
0x10: {  	s14 =	simm.s32 $0xB80;
	s6 =	sadd.s32 s5, s6;
	[dreg:$0x5] =	wrdreg s12  }
0x11: {  	s11 =	smul.u32 $0xD200, s11;
	s12 =	sadd.s32 $0x9E000, s3;
	s1 =	sadd.s32 s1, s7  }
0x12: {  	s6 =	sadd.s32 s6, s0;
	s0 =	sadd.s32 s8, s0;
	s8 =	ssub.s32 s9, s20  }
0x13: {  	s13 =	sadd.s32 s25, s1;
	s1 =	sshrl.u32 @!p1 s12, $0x3;
	s20 =	simm.s32 $0x1800  }
0x14: {  	s25 =	simm.s32 $0x6;
	s9 =	simm.s32 $0x500;
	s12 =	simm.s32 $0x580  }
0x15: {  	s6 =	sadd.s32 $0x1A5E00, s6;
	s23 =	sadd.s32 s7, s11;
	[dreg:$0xd] =	wrdreg s1  }
0x16: {  	s0 =	sadd.s32 $0x1F4E00, s0;
	s26 =	smax.u32 s8, $0x1;
	[dreg:$0x7] =	wrdreg s6  }
0x17: {  	s8 =	sshrl.u32 s21, $0x3;
	s1 =	sshrl.u32 @!p0 s16, $0x3;
	[dreg:$0x8] =	wrdreg s23  }
0x18: {  	s21 =	simm.s32 $0x1;
	s16 =	simm.s32 $0x2;
	[dreg:$0xb] =	wrdreg s26  }
0x19: {  	s11 =	simm.s32 $0x900;
	s7 =	simm.s32 $0xC00;
	[dreg:$0xe] =	wrdreg s1  }
.Ltmp0:
0x1a: {  	s6 =	sadd.s32 $0x100, s23;
	[dreg:$0xc] =	wrdreg s8;
	(pc) =	sbr.rel .LBB2_1-.Ltmp0, $4  }
0x1b: {  	s23 =	simm.s32 $0x10;
	s0 =	sadd.s32 s5, s0;
	[dreg:$0x9] =	wrdreg s6  }
0x1c: {  	s26 =	simm.s32 $0xA00;
	s5 =	simm.s32 $0x0;
	[dreg:$0xf] =	wrdreg s0  }
0x1d: {  	s1 =	simm.s32 $0xD00;
	s6 =	smov.u32 s15;
	[dreg:$0x10] =	wrdreg s5  }
0x1e: {  	s15 =	simm.s32 $0x980;
	s0 =	simm.s32 $0xD80;
	[dreg:$0x6] =	wrdreg s6  }
.LBB2_4:
0x1f: {  	_ =	swait.ge [sflag:s22], $0x800  }
0x20: {  	[sflag:s22] =	ssyncset.done $0x0  }
0x21: {  	[sflag:s22] =	ssyncadd.s32 $0xFFFFF800  }
0x22: {  	_ =	swait.ge [sflag:s25], $0x800  }
0x23: {  	[sflag:s25] =	ssyncset.done $0x0  }
0x24: {  	[sflag:s25] =	ssyncadd.s32 $0xFFFFF800  }
0x25: {  	[bflag:$0x0] =	sbarrier.arrive $0xFFFF  }
0x26: {  	s6 =	rddreg [dreg:$0x6]  }
0x27: {  	s8 =	rddreg [dreg:$0xc]  }
0x28: {  	s10 =	simm.s32 $0x7;
	s5 =	rddreg [dreg:$0xf]  }
0x29: {  	[hbm:s5], [sflag:s6] =	dma.local [spmem:s8], $0x2780  }
0x2a: {  	_ =	swait.ge [sflag:s10], $0x2780  }
0x2b: {  	s9 =	rddreg [dreg:$0x10]  }
0x2c: {  	s5 =	rddreg [dreg:$0xb];
	s9 =	sadd.s32 $0x1, s9  }
0x2d: {  	p2 =	sne.s32 s9, s5  }
.Ltmp1:
0x2e: {  	_ = 	snop;
	(pc) =	sbr.rel @!p2 .LBB2_5-.Ltmp1, $3  }
0x2f: {  	_ =	sdelay $0x1  }
0x30: {  	[sflag:s10] =	ssyncset.done $0x0  }
0x31: {  	[sflag:s10] =	ssyncadd.s32 $0xFFFFD880;
	[dreg:$0x10] =	wrdreg s9;
	s9 =	simm.s32 $0x500  }
.LBB2_1:
0x32: {  	s5 =	rddreg [dreg:$0x5]  }
0x33: {  	[spmem:s8], [sflag:s6] =	dma.local [hbm:s5], $0x2780  }
0x34: {  	_ =	swait.ge [sflag:s10], $0x2780  }
0x35: {  	[sflag:s10] =	ssyncset.done $0x0;
	s5 =	rddreg [dreg:$0x4]  }
0x36: {  	s8 =	rddreg [dreg:$0xd];
	[sflag:s10] =	ssyncadd.s32 $0xFFFFD880  }
0x37: {  	[spmem:s8], [sflag:s6] =	dma.local @!p1 [hbm:s5], $0x400  }
0x38: {  	s5 =	simm.s32 @!p1 $0x7  }
0x39: {  	_ =	swait.ge @!p1 [sflag:s5], $0x400  }
0x3a: {  	[sflag:s5] =	ssyncset.done @!p1 $0x0;
	s8 =	rddreg [dreg:$0xe]  }
0x3b: {  	[sflag:s5] =	ssyncadd.s32 @!p1 $0xFFFFFC00;
	s5 =	rddreg [dreg:$0x7]  }
0x3c: {  	[spmem:s8], [sflag:s6] =	dma.local @!p0 [hbm:s5], $0x2780  }
0x3d: {  	s5 =	simm.s32 @!p0 $0x7  }
0x3e: {  	_ =	swait.ge @!p0 [sflag:s5], $0x2780  }
0x3f: {  	[sflag:s5] =	ssyncset.done @!p0 $0x0  }
0x40: {  	[sflag:s5] =	ssyncadd.s32 @!p0 $0xFFFFD880  }
0x41: {  	[bflag:$0x0] =	sbarrier.arrive $0xFFFF  }
0x42: {  	s6 =	rddreg [dreg:$0x8]  }
0x43: {  	[tilespmem:s4], [sflag:$0x1] =	stream.linear.gather [hbm4b:s6+s4], $0x600, $0x38;
	[tilespmem:$0x1FC00] =	vst v63  }
0x44: {  	s8 =	rddreg [dreg:$0x9]  }
0x45: {  	[tilespmem:s18], [sflag:$0x2] =	stream.linear.gather [hbm4b:s8+s4], $0x600, $0x38;
	[tilespmem:$0x1FC00] =	vst v63  }
0x46: {  	s10 =	rddreg [dreg:$0xa]  }
0x47: {  	[spmem:s10] =	stream.linear.scatter [tilespmem:s19], [sflag:$0x5], $0x800, $0x38;
	[tilespmem:$0x1FC00] =	vst v63  }
0x48: {  	_ = 	snop  }
0x49: {  	[spmem:s10] =	stream.linear.scatter [tilespmem:s20], [sflag:$0x6], $0x800, $0x38;
	[tilespmem:$0x1FC00] =	vst v63  }
0x4a: {  	s5 =	simm.s32 $0xFFFF3000;
	s10 =	simm.s32 $0x80  }
.LBB2_2:
0x4b: {  	_ =	swait.ge [sflag:s21], $0x600  }
0x4c: {  	[sflag:s21] =	ssyncset.done $0x0  }
0x4d: {  	[sflag:s21] =	ssyncadd.s32 $0xFFFFFA00  }
0x4e: {  	_ =	swait.ge [sflag:s22], $0x800  }
0x4f: {  	[sflag:s22] =	ssyncset.done $0x0  }
0x50: {  	[sflag:s22] =	ssyncadd.s32 $0xFFFFF800  }
0x51: {  	[tilespmem:s19], [sflag:$0x3] =	stream.indirect.gather [spmem:s3], $0x80, s4, s23, $0xb8;
	[tilespmem:$0x1FC00] =	vst v63  }
0x52: {  	_ =	swait.ge [sflag:s25], $0x800  }
0x53: {  	[sflag:s25] =	ssyncset.done $0x0  }
0x54: {  	[sflag:s25] =	ssyncadd.s32 $0xFFFFF800  }
0x55: {  	[tilespmem:s20], [sflag:$0x4] =	stream.indirect.gather [spmem:s3], $0x80, s10, s23, $0xb8;
	[tilespmem:$0x1FC00] =	vst v63  }
0x56: {  	_ =	swait.ge [sflag:s28], $0x800  }
0x57: {  	[sflag:s28] =	ssyncset.done $0x0  }
0x58: {  	s6 =	simm.s32 $0x300;
	[sflag:s28] =	ssyncadd.s32 $0xFFFFF800  }
0x59: {  	[spmem:s2] =	stream.indirect.scatter.add.f32 [tilespmem:s19], [sflag:$0x5], $0x80, s6, s23, $0xb8;
	[tilespmem:$0x1FC00] =	vst v63  }
0x5a: {  	_ =	swait.ge [sflag:s22], $0x800  }
0x5b: {  	[sflag:s22] =	ssyncset.done $0x0  }
0x5c: {  	s8 =	simm.s32 $0x100;
	[sflag:s22] =	ssyncadd.s32 $0xFFFFF800  }
0x5d: {  	[tilespmem:s19], [sflag:$0x3] =	stream.indirect.gather [spmem:s3], $0x80, s8, s23, $0xb8;
	[tilespmem:$0x1FC00] =	vst v63  }
0x5e: {  	_ =	swait.ge [sflag:s31], $0x800  }
0x5f: {  	[sflag:s31] =	ssyncset.done $0x0  }
0x60: {  	s8 =	simm.s32 $0x380;
	[sflag:s31] =	ssyncadd.s32 $0xFFFFF800  }
0x61: {  	[spmem:s2] =	stream.indirect.scatter.add.f32 [tilespmem:s20], [sflag:$0x6], $0x80, s8, s23, $0xb8;
	[tilespmem:$0x1FC00] =	vst v63  }
0x62: {  	_ =	swait.ge [sflag:s25], $0x800  }
0x63: {  	[sflag:s25] =	ssyncset.done $0x0  }
0x64: {  	s8 =	simm.s32 $0x180;
	[sflag:s25] =	ssyncadd.s32 $0xFFFFF800  }
0x65: {  	[tilespmem:s20], [sflag:$0x4] =	stream.indirect.gather [spmem:s3], $0x80, s8, s23, $0xb8;
	[tilespmem:$0x1FC00] =	vst v63  }
0x66: {  	_ =	swait.ge [sflag:s28], $0x800  }
0x67: {  	[sflag:s28] =	ssyncset.done $0x0  }
0x68: {  	s8 =	simm.s32 $0x400;
	[sflag:s28] =	ssyncadd.s32 $0xFFFFF800  }
0x69: {  	[spmem:s2] =	stream.indirect.scatter.add.f32 [tilespmem:s19], [sflag:$0x5], $0x80, s8, s23, $0xb8;
	[tilespmem:$0x1FC00] =	vst v63  }
0x6a: {  	_ =	swait.ge [sflag:s22], $0x800  }
0x6b: {  	[sflag:s22] =	ssyncset.done $0x0  }
0x6c: {  	s8 =	simm.s32 $0x200;
	[sflag:s22] =	ssyncadd.s32 $0xFFFFF800  }
0x6d: {  	[tilespmem:s19], [sflag:$0x3] =	stream.indirect.gather [spmem:s3], $0x80, s8, s23, $0xb8;
	[tilespmem:$0x1FC00] =	vst v63  }
0x6e: {  	_ =	swait.ge [sflag:s31], $0x800  }
0x6f: {  	[sflag:s31] =	ssyncset.done $0x0  }
0x70: {  	s8 =	simm.s32 $0x480;
	[sflag:s31] =	ssyncadd.s32 $0xFFFFF800  }
0x71: {  	[spmem:s2] =	stream.indirect.scatter.add.f32 [tilespmem:s20], [sflag:$0x6], $0x80, s8, s23, $0xb8;
	[tilespmem:$0x1FC00] =	vst v63  }
0x72: {  	_ =	swait.ge [sflag:s25], $0x800  }
0x73: {  	[sflag:s25] =	ssyncset.done $0x0  }
0x74: {  	s8 =	simm.s32 $0x280;
	[sflag:s25] =	ssyncadd.s32 $0xFFFFF800  }
0x75: {  	[tilespmem:s20], [sflag:$0x4] =	stream.indirect.gather [spmem:s3], $0x80, s8, s23, $0xb8;
	[tilespmem:$0x1FC00] =	vst v63  }
0x76: {  	_ =	swait.ge [sflag:s28], $0x800  }
0x77: {  	[sflag:s28] =	ssyncset.done $0x0  }
0x78: {  	[sflag:s28] =	ssyncadd.s32 $0xFFFFF800  }
0x79: {  	[spmem:s2] =	stream.indirect.scatter.add.f32 [tilespmem:s19], [sflag:$0x5], $0x80, s9, s23, $0xb8;
	[tilespmem:$0x1FC00] =	vst v63  }
0x7a: {  	_ =	swait.ge [sflag:s31], $0x800  }
0x7b: {  	p2 =	seq.s32 s5, $0x0;
	[sflag:s31] =	ssyncset.done $0x0  }
0x7c: {  	s6 =	sadd.s32 @!p2 s5, s13;
	[sflag:s31] =	ssyncadd.s32 $0xFFFFF800  }
0x7d: {  	[spmem:s2] =	stream.indirect.scatter.add.f32 [tilespmem:s20], [sflag:$0x6], $0x80, s12, s23, $0xb8;
	[tilespmem:$0x1FC00] =	vst v63  }
0x7e: {  	s6 =	sadd.s32 @!p2 $0xD200, s6;
	s8 =	simm.s32 @!p2 $0x0  }
0x7f: {  	[tilespmem:s8], [sflag:$0x1] =	stream.linear.gather @!p2 [hbm4b:s6+s8], $0x600, $0x38;
	[tilespmem:$0x1FC00] =	vst v63  }
0x80: {  	_ =	swait.ge [sflag:s16], $0x600  }
0x81: {  	[sflag:s16] =	ssyncset.done $0x0  }
0x82: {  	[sflag:s16] =	ssyncadd.s32 $0xFFFFFA00  }
0x83: {  	_ =	swait.ge [sflag:s22], $0x800  }
0x84: {  	[sflag:s22] =	ssyncset.done $0x0  }
0x85: {  	[sflag:s22] =	ssyncadd.s32 $0xFFFFF800  }
0x86: {  	[tilespmem:s19], [sflag:$0x3] =	stream.indirect.gather [spmem:s3], $0x80, s18, s23, $0xb8;
	[tilespmem:$0x1FC00] =	vst v63  }
0x87: {  	_ =	swait.ge [sflag:s25], $0x800  }
0x88: {  	[sflag:s25] =	ssyncset.done $0x0  }
0x89: {  	[sflag:s25] =	ssyncadd.s32 $0xFFFFF800  }
0x8a: {  	[tilespmem:s20], [sflag:$0x4] =	stream.indirect.gather [spmem:s3], $0x80, s17, s23, $0xb8;
	[tilespmem:$0x1FC00] =	vst v63  }
0x8b: {  	_ =	swait.ge [sflag:s28], $0x800  }
0x8c: {  	[sflag:s28] =	ssyncset.done $0x0  }
0x8d: {  	[sflag:s28] =	ssyncadd.s32 $0xFFFFF800  }
0x8e: {  	[spmem:s2] =	stream.indirect.scatter.add.f32 [tilespmem:s19], [sflag:$0x5], $0x80, s24, s23, $0xb8;
	[tilespmem:$0x1FC00] =	vst v63  }
0x8f: {  	_ =	swait.ge [sflag:s22], $0x800  }
0x90: {  	[sflag:s22] =	ssyncset.done $0x0  }
0x91: {  	[sflag:s22] =	ssyncadd.s32 $0xFFFFF800  }
0x92: {  	[tilespmem:s19], [sflag:$0x3] =	stream.indirect.gather [spmem:s3], $0x80, s11, s23, $0xb8;
	[tilespmem:$0x1FC00] =	vst v63  }
0x93: {  	_ =	swait.ge [sflag:s31], $0x800  }
0x94: {  	[sflag:s31] =	ssyncset.done $0x0  }
0x95: {  	[sflag:s31] =	ssyncadd.s32 $0xFFFFF800  }
0x96: {  	[spmem:s2] =	stream.indirect.scatter.add.f32 [tilespmem:s20], [sflag:$0x6], $0x80, s14, s23, $0xb8;
	[tilespmem:$0x1FC00] =	vst v63  }
0x97: {  	_ =	swait.ge [sflag:s25], $0x800  }
0x98: {  	[sflag:s25] =	ssyncset.done $0x0  }
0x99: {  	[sflag:s25] =	ssyncadd.s32 $0xFFFFF800  }
0x9a: {  	[tilespmem:s20], [sflag:$0x4] =	stream.indirect.gather [spmem:s3], $0x80, s15, s23, $0xb8;
	[tilespmem:$0x1FC00] =	vst v63  }
0x9b: {  	_ =	swait.ge [sflag:s28], $0x800  }
0x9c: {  	[sflag:s28] =	ssyncset.done $0x0  }
0x9d: {  	[sflag:s28] =	ssyncadd.s32 $0xFFFFF800  }
0x9e: {  	[spmem:s2] =	stream.indirect.scatter.add.f32 [tilespmem:s19], [sflag:$0x5], $0x80, s7, s23, $0xb8;
	[tilespmem:$0x1FC00] =	vst v63  }
0x9f: {  	_ =	swait.ge [sflag:s22], $0x800  }
0xa0: {  	[sflag:s22] =	ssyncset.done $0x0  }
0xa1: {  	[sflag:s22] =	ssyncadd.s32 $0xFFFFF800  }
0xa2: {  	[tilespmem:s19], [sflag:$0x3] =	stream.indirect.gather [spmem:s3], $0x80, s26, s23, $0xb8;
	[tilespmem:$0x1FC00] =	vst v63  }
0xa3: {  	_ =	swait.ge [sflag:s31], $0x800  }
0xa4: {  	[sflag:s31] =	ssyncset.done $0x0  }
0xa5: {  	[sflag:s31] =	ssyncadd.s32 $0xFFFFF800  }
0xa6: {  	[spmem:s2] =	stream.indirect.scatter.add.f32 [tilespmem:s20], [sflag:$0x6], $0x80, s29, s23, $0xb8;
	[tilespmem:$0x1FC00] =	vst v63  }
0xa7: {  	_ =	swait.ge [sflag:s25], $0x800  }
0xa8: {  	[sflag:s25] =	ssyncset.done $0x0  }
0xa9: {  	[sflag:s25] =	ssyncadd.s32 $0xFFFFF800  }
0xaa: {  	[tilespmem:s20], [sflag:$0x4] =	stream.indirect.gather [spmem:s3], $0x80, s30, s23, $0xb8;
	[tilespmem:$0x1FC00] =	vst v63  }
0xab: {  	_ =	swait.ge [sflag:s28], $0x800  }
0xac: {  	[sflag:s28] =	ssyncset.done $0x0  }
0xad: {  	[sflag:s28] =	ssyncadd.s32 $0xFFFFF800  }
0xae: {  	[spmem:s2] =	stream.indirect.scatter.add.f32 [tilespmem:s19], [sflag:$0x5], $0x80, s1, s23, $0xb8;
	[tilespmem:$0x1FC00] =	vst v63  }
.Ltmp2:
0xaf: {  	_ = 	snop;
	(pc) =	sbr.rel @p2 .LBB2_4-.Ltmp2, $4  }
0xb0: {  	_ =	swait.ge [sflag:s31], $0x800  }
0xb1: {  	[sflag:s31] =	ssyncset.done $0x0  }
0xb2: {  	[sflag:s31] =	ssyncadd.s32 $0xFFFFF800  }
0xb3: {  	[spmem:s2] =	stream.indirect.scatter.add.f32 [tilespmem:s20], [sflag:$0x6], $0x80, s0, s23, $0xb8;
	[tilespmem:$0x1FC00] =	vst v63  }
.Ltmp3:
0xb4: {  	(pc) =	sbr.rel .LBB2_2-.Ltmp3, $4  }
0xb5: {  	_ = 	snop  }
0xb6: {  	s6 =	sadd.s32 s5, s13  }
0xb7: {  	s5 =	sadd.s32 $0x200, s5;
	s6 =	sadd.s32 $0xD300, s6  }
0xb8: {  	[tilespmem:s18], [sflag:$0x2] =	stream.linear.gather [hbm4b:s6+s4], $0x600, $0x38;
	[tilespmem:$0x1FC00] =	vst v63  }
.LBB2_5:
0xb9: {  	_ =	sfence.sel $0x180000  }
0xba: {  	[bflag:$0x0] =	sbarrier.arrive $0xFFFF  }
0xbb: {  	_ =	strace $0x9000004D  }
0xbc: {  	s0 =	stileid.u32;
	[bflag:$0x2] =	sbarrier.arrive $0xFFFF  }
0xbd: {  	p0 =	sne.s32 s0, $0x0;
	s0 =	rddreg [dreg:$0x3]  }
0xbe: {  	s0 =	sadd.s32 @!p0 $0x100000, s0  }
0xbf: {  	[sflag:s0] =	ssyncadd.tile.s32 @!p0 $0x1;
	_ =	shalt  }
.Lfunc_end2:
_tile_overlayer_lowered:
.L_overlay_start_2:
0xc0: {  	(tag) =	ssettag $0x2  }
0xc1: {  	s0 =	rddreg [dreg:$0x0];
	s2 =	stileid.u32  }
0xc2: {  	s1 =	rddreg [dreg:$0x1];
	p0 =	sne.s32 s2, $0x0  }
0xc3: {  	s3 =	rddreg [dreg:$0x2];
	[bflag:$0x3] =	sbarrier.arrive $0xFFFF;
	s2 =	simm.s32 @!p0 $0x1C07  }
0xc4: {  	[timem:s3], [sflag:s2] =	dma.local @!p0 [hbm:s0], s1  }
0xc5: {  	s0 =	simm.s32 @!p0 $0x7  }
0xc6: {  	_ =	swait.ge @!p0 [sflag:s0], s1  }
0xc7: {  	s1 =	ssub.s32 @!p0 $0x0, s1;
	[sflag:s0] =	ssyncset.done @!p0 $0x0  }
0xc8: {  	[sflag:s0] =	ssyncadd.s32 @!p0 s1  }
0xc9: {  	[bflag:$0x3] =	sbarrier.arrive $0xFFFF  }
0xca: {  	_ =	shalt  }

// kernel: kernel.8.cloned.1.call-start
scs
__scs_entry_jumppad:
0x0: {  	(pc) =	sbr.rel $0x88, $3  }
0x1: {  	(tag) =	ssettag $0x0;
	lr =	simm.s32 $0x1  }
0x2: {  	[smem:$0x3F96] =	sst lr;
	_ =	strace $0xD0000000  }
0x3: {  	_ = 	snop  }
0x4: {  	_ = 	snop  }
0x5: {  	_ = 	snop  }
0x6: {  	_ = 	snop  }
0x7: {  	_ = 	snop  }
__scs_overlays_trampoline_lowered:
0x8: {  	[smem:$0x3FA5] =	sst s0  }
0x9: {  	[smem:$0x3FA6] =	sst s1  }
0xa: {  	[smem:$0x3FA7] =	sst s2  }
0xb: {  	[smem:$0x3FA8] =	sst s3  }
0xc: {  	[smem:$0x3FA9] =	sst s4  }
0xd: {  	[smem:$0x3FAA] =	sst s5  }
0xe: {  	[smem:$0x3FAB] =	sst s6  }
0xf: {  	[smem:$0x3FAC] =	sst s7  }
0x10: {  	[smem:$0x3FAD] =	sst s8  }
0x11: {  	[smem:$0x3FAE] =	sst s9;
	s0 =	simm.s32 @!p0 $0x0  }
0x12: {  	s1 =	sld [smem:$0x3F94];
	s0 =	simm.s32 @p0 $0x1  }
0x13: {  	[smem:$0x3FAF] =	sst s0;
	s0 =	simm.s32 @!p1 $0x0  }
0x14: {  	s2 =	sld [smem:$0x3F93];
	s0 =	simm.s32 @p1 $0x1  }
0x15: {  	[smem:$0x3FB0] =	sst s0;
	s0 =	simm.s32 @!p2 $0x0  }
0x16: {  	s3 =	sld [smem:$0x3FDB];
	s0 =	simm.s32 @p2 $0x1  }
0x17: {  	s4 =	simm.s32 $0x1BF5;
	[smem:$0x3FB2] =	sst s0  }
0x18: {  	s0 =	sld [smem:$0x3F95];
	_ =	swait.ge [sflag:s4], $0x0  }
0x19: {  	s7 =	sld [smem:$0x3F96]  }
0x1a: {  	s8 =	sadd.s32 $0xFFFFE003, lr  }
0x1b: {  	s9 =	sadd.s32 $0xFFFFFEF7, lr;
	s5 =	simm.s32 $0xFFFFFFFF;
	p2 =	slt.u32 s8, $0xFFFFF086  }
0x1c: {  	p1 =	slt.u32 s9, $0xF7A;
	s5 =	simm.s32 @!p2 $0x0  }
0x1d: {  	s5 =	simm.s32 @p1 $0x1;
	p0 =	seq.s32 s7, s2  }
0x1e: {  	s7 =	smul.u32 @!p0 $0xF7A, s2;
	p2 =	seq.s32 @!p0 s5, $0x0  }
0x1f: {  	s9 =	smul.u32 $0xF7A, s1;
	s8 =	simm.s32 @!p0 $0x1BF5;
	p2 =	por !p2, p0  }
0x20: {  	[sflag:s8] =	ssyncset.s32 @!p0 $0xFFFFF086;
	s6 =	sadd.s32 @!p0 s3, s7;
	s7 =	simm.s32 @!p0 $0x108  }
0x21: {  	s3 =	sadd.s32 s3, s9;
	s6 =	sadd.s32 @!p0 $0x88, s6;
	s7 =	simm.s32 @p2 $0x1082  }
0x22: {  	[simem:s7], [sflag:s8] =	dma.local @!p0 [hbm:s6], $0xF7A  }
0x23: {  	s9 =	sor.u32 $0xD0000000, s2;
	s6 =	simm.s32 $0x108;
	_ =	swait.ge @!p0 [sflag:s8], $0x0  }
0x24: {  	s3 =	sadd.s32 $0x88, s3;
	s6 =	simm.s32 @!p1 $0x1082;
	[sflag:s4] =	ssyncset.s32 $0xFFFFF086  }
0x25: {  	[simem:s6], [sflag:s4] =	dma.local [hbm:s3], $0xF7A  }
0x26: {  	[smem:$0x3F96] =	sst s1;
	(tag) =	ssettag s2;
	_ =	strace s9  }
0x27: {  	s1 =	sld [smem:$0x3FA6]  }
0x28: {  	s2 =	sld [smem:$0x3FA7]  }
0x29: {  	s4 =	sld [smem:$0x3FA9]  }
0x2a: {  	p0 =	seq.s32 s5, $0x0;
	s5 =	sld [smem:$0x3FAA]  }
0x2b: {  	s6 =	sld [smem:$0x3FAB]  }
0x2c: {  	s7 =	sld [smem:$0x3FAC]  }
0x2d: {  	s3 =	simm.s32 $0x108;
	s8 =	sld [smem:$0x3FAD]  }
0x2e: {  	s3 =	simm.s32 @!p0 $0x1082;
	s9 =	sld [smem:$0x3FAE]  }
0x2f: {  	lr =	sadd.s32 s0, s3;
	s0 =	sld [smem:$0x3FA5]  }
0x30: {  	s3 =	sld [smem:$0x3FA8]  }
0x31: {  	[smem:$0x3FB1] =	sst s10  }
0x32: {  	s10 =	sld [smem:$0x3FAF];
	_ =	sdelay $0x3  }
0x33: {  	p0 =	seq.s32 s10, $0x1;
	s10 =	sld [smem:$0x3FB1];
	_ =	sdelay $0x3  }
0x34: {  	[smem:$0x3FB1] =	sst s10  }
0x35: {  	s10 =	sld [smem:$0x3FB0];
	_ =	sdelay $0x3  }
0x36: {  	p1 =	seq.s32 s10, $0x1;
	s10 =	sld [smem:$0x3FB1];
	_ =	sdelay $0x3  }
0x37: {  	[smem:$0x3FB1] =	sst s10  }
0x38: {  	s10 =	sld [smem:$0x3FB2]  }
0x39: {  	_ = 	snop;
	(pc) =	sbr.ind lr, $3  }
0x3a: {  	_ = 	snop  }
0x3b: {  	_ = 	snop  }
0x3c: {  	p2 =	seq.s32 s10, $0x1;
	s10 =	sld [smem:$0x3FB1]  }
0x3d: {  	_ =	shalt  }
0x3e: {  	_ =	shalt  }
0x3f: {  	_ =	shalt  }
0x40: {  	_ =	shalt  }
0x41: {  	_ =	shalt  }
0x42: {  	_ =	shalt  }
0x43: {  	_ =	shalt  }
0x44: {  	_ =	shalt  }
0x45: {  	_ =	shalt  }
0x46: {  	_ =	shalt  }
0x47: {  	_ =	shalt  }
0x48: {  	_ =	shalt  }
0x49: {  	_ =	shalt  }
0x4a: {  	_ =	shalt  }
0x4b: {  	_ =	shalt  }
0x4c: {  	_ =	shalt  }
0x4d: {  	_ =	shalt  }
0x4e: {  	_ =	shalt  }
0x4f: {  	_ =	shalt  }
0x50: {  	_ =	shalt  }
0x51: {  	_ =	shalt  }
0x52: {  	_ =	shalt  }
0x53: {  	_ =	shalt  }
0x54: {  	_ =	shalt  }
0x55: {  	_ =	shalt  }
0x56: {  	_ =	shalt  }
0x57: {  	_ =	shalt  }
0x58: {  	_ =	shalt  }
0x59: {  	_ =	shalt  }
0x5a: {  	_ =	shalt  }
0x5b: {  	_ =	shalt  }
0x5c: {  	_ =	shalt  }
0x5d: {  	_ =	shalt  }
0x5e: {  	_ =	shalt  }
0x5f: {  	_ =	shalt  }
0x60: {  	_ =	shalt  }
0x61: {  	_ =	shalt  }
0x62: {  	_ =	shalt  }
0x63: {  	_ =	shalt  }
0x64: {  	_ =	shalt  }
0x65: {  	_ =	shalt  }
0x66: {  	_ =	shalt  }
0x67: {  	_ =	shalt  }
0x68: {  	_ =	shalt  }
0x69: {  	_ =	shalt  }
0x6a: {  	_ =	shalt  }
0x6b: {  	_ =	shalt  }
0x6c: {  	_ =	shalt  }
0x6d: {  	_ =	shalt  }
0x6e: {  	_ =	shalt  }
0x6f: {  	_ =	shalt  }
0x70: {  	_ =	shalt  }
0x71: {  	_ =	shalt  }
0x72: {  	_ =	shalt  }
0x73: {  	_ =	shalt  }
0x74: {  	_ =	shalt  }
0x75: {  	_ =	shalt  }
0x76: {  	_ =	shalt  }
0x77: {  	_ =	shalt  }
0x78: {  	_ =	shalt  }
0x79: {  	_ =	shalt  }
0x7a: {  	_ =	shalt  }
0x7b: {  	_ =	shalt  }
0x7c: {  	_ =	shalt  }
0x7d: {  	_ =	shalt  }
0x7e: {  	_ =	shalt  }
0x7f: {  	_ =	shalt  }
0x80: {  	_ =	shalt  }
0x81: {  	_ =	shalt  }
0x82: {  	_ =	shalt  }
0x83: {  	_ =	shalt  }
0x84: {  	_ =	shalt  }
0x85: {  	_ =	shalt  }
0x86: {  	_ =	shalt  }
0x87: {  	_ =	shalt  }
.Lfunc_end0:
.L_simem_size_0:
called_computation_lowered:
.L_overlay_start_0:
0x88: {  	s2 =	sld [smem:$0x3FD9]  }
0x89: {  	s3 =	sld [smem:$0x3FFE];
	_ =	sdelay $0x1  }
0x8a: {  	s1 =	srdreg.scid  }
0x8b: {  	s0 =	sand.u32 $0x1, s1  }
0x8c: {  	s16 =	sshll.u32 s0, $0xA;
	s2 =	sadd.s32 s3, s2  }
0x8d: {  	s2 =	sadd.s32 s2, s16  }
0x8e: {  	[smem:$0x3FBD] =	sst s2  }
0x8f: {  	_ = 	snop  }
0x90: {  	(tm) =	ssettm $0x1  }
0x91: {  	s17 =	sld [smem:$0x3FFB];
	_ =	sdelay $0x3  }
0x92: {  	_ =	strace s17  }
0x93: {  	s2 =	sld [smem:$0x3FFC];
	_ =	sdelay $0x3  }
0x94: {  	_ =	strace s2  }
0x95: {  	s2 =	sld [smem:$0x3FFD];
	_ =	sdelay $0x3  }
0x96: {  	_ =	strace s2  }
0x97: {  	_ =	strace $0x8FFFFFFF  }
0x98: {  	s18 =	sld [smem:$0x3FDB];
	_ =	sdelay $0x1  }
0x99: {  	s19 =	simm.s32 $_scs_section_size  }
0x9a: {  	s4 =	simm.s32 $_size__tile_overlayer_lowered;
	s5 =	simm.s32 $_tile_overlayer_lowered  }
0x9b: {  	s22 =	simm.s32 $0x1BFF;
	s21 =	sshll.u32 s5, $0x1;
	s2 =	sadd.s32 s19, s18  }
0x9c: {  	s6 =	simm.s32 $0x0;
	s20 =	sshll.u32 s4, $0x1;
	s4 =	sadd.s32 s21, s2  }
0x9d: {  	[timem:s6], [sflag:s22] =	dma.local [hbm:s4], s20  }
0x9e: {  	_ =	swait.ge [sflag:s22], s20  }
0x9f: {  	s3 =	ssub.s32 $0x0, s20;
	[sflag:s22] =	ssyncset.done $0x0  }
0xa0: {  	[sflag:s22] =	ssyncadd.s32 s3;
	_ =	sdelay $0x1  }
0xa1: {  	s23 =	simm.s32 $0x1B8B  }
0xa2: {  	_ =	swait.ge [sflag:s23], $0x1  }
0xa3: {  	[sflag:s23] =	ssyncset.done $0x0  }
0xa4: {  	s25 =	simm.s32 $0x1B8E;
	s24 =	sld [smem:$0x3FFE];
	[sflag:s23] =	ssyncadd.s32 $0xFFFFFFFF  }
0xa5: {  	s26 =	simm.s32 $execute0_lowered;
	[smem:$0x3FD2] =	sst s25  }
0xa6: {  	s4 =	sshll.u32 s26, $0x1;
	_ =	strace $0x80000046;
	[dreg:$0x1] =	wrdreg $0xFFFFFFFF  }
0xa7: {  	s28 =	simm.s32 $_size_execute0_lowered;
	s2 =	sadd.s32 s2, s4;
	[dreg:$0x0] =	wrdreg $0x0  }
0xa8: {  	s4 =	sshll.u32 s28, $0x1;
	[dreg:$0x2] =	wrdreg s2  }
0xa9: {  	[dreg:$0x3] =	wrdreg s4  }
0xaa: {  	[dreg:$0x4] =	wrdreg $0xC0  }
0xab: {  	_ =	task [dreg:s6], $0x5FFFF  }
0xac: {  	[dreg:$0x1] =	wrdreg $0xFFFFFFFF  }
0xad: {  	[dreg:$0x0] =	wrdreg $0x60  }
0xae: {  	[dreg:$0x2] =	wrdreg s24  }
0xaf: {  	[dreg:$0x3] =	wrdreg $0x20000  }
0xb0: {  	[dreg:$0x4] =	wrdreg $0x15C000  }
0xb1: {  	[dreg:$0x5] =	wrdreg $0x9  }
0xb2: {  	_ =	task.clear_ibuf [dreg:s6], $0x6FFFF;
	_ =	strace $0x90000046  }
0xb3: {  	s29 =	simm.s32 $0x9;
	_ =	strace $0x80000048  }
0xb4: {  	_ =	swait.ge [sflag:s29], $0x1  }
0xb5: {  	[sflag:s29] =	ssyncadd.s32 $0xFFFFFFFF  }
0xb6: {  	_ =	strace $0x90000048  }
0xb7: {  	_ =	sfence  }
0xb8: {  	s30 =	sld [smem:$0x0];
	_ =	sdelay $0x2  }
0xb9: {  	s31 =	sshll.u32 s1, $0xD;
	s1 =	sshrl.u32 s1, $0x2  }
0xba: {  	s3 =	sand.u32 $0x4000, s31;
	s1 =	sadd.s32 s1, s30  }
0xbb: {  	s0 =	sor.u32 s3, s0;
	s1 =	sshll.u32 s1, $0x11  }
0xbc: {  	s0 =	sor.u32 s1, s0  }
0xbd: {  	s0 =	sadd.s32 $0x8F2B, s0  }
0xbe: {  	[sflag:s0] =	ssyncadd.remote.s32 $0x1  }
0xbf: {  	_ =	sfence.sel $0xFFFF  }
0xc0: {  	[dreg:$0x0] =	wrdreg $0xFFFFFFFF;
	(pc) =	sbr.abs _section_cstart, $3  }
0xc1: {  	[dreg:$0x1] =	wrdreg $0xFFFFFFFF  }
0xc2: {  	_ =	task.clear_ibuf [dreg:s6], $0x2FFFF;
	_ =	strace $0x9FFFFFFF  }
0xc3: {  	(tm) =	ssettm $0x7FFFFFFF  }
tec
execute0_lowered:
.L_overlay_start_1:
0x0: {  	(tag) =	ssettag $0x1  }
0x1: {  	s0 =	rddreg [dreg:$0x0]  }
0x2: {  	s2 =	rddreg [dreg:$0x1];
	s1 =	srdreg.scid  }
0x3: {  	s14 =	stileid.u32;
	s3 =	rddreg [dreg:$0x2];
	s4 =	simm.s32 $0x0  }
0x4: {  	s18 =	simm.s32 $0x800;
	s19 =	simm.s32 $0x1000;
	s28 =	simm.s32 $0x3  }
0x5: {  	s31 =	simm.s32 $0x4;
	s17 =	simm.s32 $0x880;
	s29 =	simm.s32 $0xC80  }
0x6: {  	s30 =	simm.s32 $0xA80;
	s1 =	sand.u32 $0x1, s1;
	s5 =	smul.u32 $0x2780, s14  }
0x7: {  	[smem:$0x7FF] =	sst s4;
	s7 =	sadd.s32 $0x1E00, s0;
	s10 =	smul.u32 $0x13C00, s14  }
0x8: {  	s12 =	sadd.s32 $0x1CD600, s0;
	s22 =	sshll.u32 s14, $0x6;
	s25 =	smul.u32 $0xD200, s14  }
0x9: {  	s24 =	sadd.s32 $0x13B800, s2;
	p0 =	sgt.u32 s14, $0x7;
	s6 =	smul.u32 $0x13C00, s1  }
0xa: {  	_ =	strace $0x80000047;
	s8 =	smul.u32 $0x27800, s1;
	s9 =	ssub.s32 $0x2, s1  }
0xb: {  	s11 =	sshll.u32 s1, $0x4;
	[dreg:$0x4] =	wrdreg s12;
	s15 =	sor.u32 $0x1C07, s22  }
0xc: {  	s1 =	smul.u32 $0xD2000, s1;
	[dreg:$0xa] =	wrdreg s24;
	p1 =	sne.s32 @p0 s14, $0x8  }
0xd: {  	s22 =	simm.s32 $0x5;
	s24 =	simm.s32 $0xB00;
	s20 =	sshrl.u32 s9, $0x1  }
0xe: {  	s21 =	sadd.s32 s10, s2;
	s11 =	sor.u32 s14, s11;
	s12 =	sadd.s32 s12, s5  }
0xf: {  	s16 =	sadd.s32 s10, s3;
	s10 =	simm.s32 $0x7;
	p1 =	por p1, !p0  }
0x10: {  	s14 =	simm.s32 $0xB80;
	s6 =	sadd.s32 s5, s6;
	[dreg:$0x5] =	wrdreg s12  }
0x11: {  	s11 =	smul.u32 $0xD200, s11;
	s12 =	sadd.s32 $0x9E000, s3;
	s1 =	sadd.s32 s1, s7  }
0x12: {  	s6 =	sadd.s32 s6, s0;
	s0 =	sadd.s32 s8, s0;
	s8 =	ssub.s32 s9, s20  }
0x13: {  	s13 =	sadd.s32 s25, s1;
	s1 =	sshrl.u32 @!p1 s12, $0x3;
	s20 =	simm.s32 $0x1800  }
0x14: {  	s25 =	simm.s32 $0x6;
	s9 =	simm.s32 $0x500;
	s12 =	simm.s32 $0x580  }
0x15: {  	s6 =	sadd.s32 $0x1A5E00, s6;
	s23 =	sadd.s32 s7, s11;
	[dreg:$0xd] =	wrdreg s1  }
0x16: {  	s0 =	sadd.s32 $0x1F4E00, s0;
	s26 =	smax.u32 s8, $0x1;
	[dreg:$0x7] =	wrdreg s6  }
0x17: {  	s8 =	sshrl.u32 s21, $0x3;
	s1 =	sshrl.u32 @!p0 s16, $0x3;
	[dreg:$0x8] =	wrdreg s23  }
0x18: {  	s21 =	simm.s32 $0x1;
	s16 =	simm.s32 $0x2;
	[dreg:$0xb] =	wrdreg s26  }
0x19: {  	s11 =	simm.s32 $0x900;
	s7 =	simm.s32 $0xC00;
	[dreg:$0xe] =	wrdreg s1  }
.Ltmp0:
0x1a: {  	s6 =	sadd.s32 $0x100, s23;
	[dreg:$0xc] =	wrdreg s8;
	(pc) =	sbr.rel .LBB2_1-.Ltmp0, $4  }
0x1b: {  	s23 =	simm.s32 $0x10;
	s0 =	sadd.s32 s5, s0;
	[dreg:$0x9] =	wrdreg s6  }
0x1c: {  	s26 =	simm.s32 $0xA00;
	s5 =	simm.s32 $0x0;
	[dreg:$0xf] =	wrdreg s0  }
0x1d: {  	s1 =	simm.s32 $0xD00;
	s6 =	smov.u32 s15;
	[dreg:$0x10] =	wrdreg s5  }
0x1e: {  	s15 =	simm.s32 $0x980;
	s0 =	simm.s32 $0xD80;
	[dreg:$0x6] =	wrdreg s6  }
.LBB2_4:
0x1f: {  	_ =	swait.ge [sflag:s22], $0x800  }
0x20: {  	[sflag:s22] =	ssyncset.done $0x0  }
0x21: {  	[sflag:s22] =	ssyncadd.s32 $0xFFFFF800  }
0x22: {  	_ =	swait.ge [sflag:s25], $0x800  }
0x23: {  	[sflag:s25] =	ssyncset.done $0x0  }
0x24: {  	[sflag:s25] =	ssyncadd.s32 $0xFFFFF800  }
0x25: {  	[bflag:$0x0] =	sbarrier.arrive $0xFFFF  }
0x26: {  	s6 =	rddreg [dreg:$0x6]  }
0x27: {  	s8 =	rddreg [dreg:$0xc]  }
0x28: {  	s10 =	simm.s32 $0x7;
	s5 =	rddreg [dreg:$0xf]  }
0x29: {  	[hbm:s5], [sflag:s6] =	dma.local [spmem:s8], $0x2780  }
0x2a: {  	_ =	swait.ge [sflag:s10], $0x2780  }
0x2b: {  	s9 =	rddreg [dreg:$0x10]  }
0x2c: {  	s5 =	rddreg [dreg:$0xb];
	s9 =	sadd.s32 $0x1, s9  }
0x2d: {  	p2 =	sne.s32 s9, s5  }
.Ltmp1:
0x2e: {  	_ = 	snop;
	(pc) =	sbr.rel @!p2 .LBB2_5-.Ltmp1, $3  }
0x2f: {  	_ =	sdelay $0x1  }
0x30: {  	[sflag:s10] =	ssyncset.done $0x0  }
0x31: {  	[sflag:s10] =	ssyncadd.s32 $0xFFFFD880;
	[dreg:$0x10] =	wrdreg s9;
	s9 =	simm.s32 $0x500  }
.LBB2_1:
0x32: {  	s5 =	rddreg [dreg:$0x5]  }
0x33: {  	[spmem:s8], [sflag:s6] =	dma.local [hbm:s5], $0x2780  }
0x34: {  	_ =	swait.ge [sflag:s10], $0x2780  }
0x35: {  	[sflag:s10] =	ssyncset.done $0x0;
	s5 =	rddreg [dreg:$0x4]  }
0x36: {  	s8 =	rddreg [dreg:$0xd];
	[sflag:s10] =	ssyncadd.s32 $0xFFFFD880  }
0x37: {  	[spmem:s8], [sflag:s6] =	dma.local @!p1 [hbm:s5], $0x400  }
0x38: {  	s5 =	simm.s32 @!p1 $0x7  }
0x39: {  	_ =	swait.ge @!p1 [sflag:s5], $0x400  }
0x3a: {  	[sflag:s5] =	ssyncset.done @!p1 $0x0;
	s8 =	rddreg [dreg:$0xe]  }
0x3b: {  	[sflag:s5] =	ssyncadd.s32 @!p1 $0xFFFFFC00;
	s5 =	rddreg [dreg:$0x7]  }
0x3c: {  	[spmem:s8], [sflag:s6] =	dma.local @!p0 [hbm:s5], $0x2780  }
0x3d: {  	s5 =	simm.s32 @!p0 $0x7  }
0x3e: {  	_ =	swait.ge @!p0 [sflag:s5], $0x2780  }
0x3f: {  	[sflag:s5] =	ssyncset.done @!p0 $0x0  }
0x40: {  	[sflag:s5] =	ssyncadd.s32 @!p0 $0xFFFFD880  }
0x41: {  	[bflag:$0x0] =	sbarrier.arrive $0xFFFF  }
0x42: {  	s6 =	rddreg [dreg:$0x8]  }
0x43: {  	[tilespmem:s4], [sflag:$0x1] =	stream.linear.gather [hbm4b:s6+s4], $0x600, $0x38;
	[tilespmem:$0x1FC00] =	vst v63  }
0x44: {  	s8 =	rddreg [dreg:$0x9]  }
0x45: {  	[tilespmem:s18], [sflag:$0x2] =	stream.linear.gather [hbm4b:s8+s4], $0x600, $0x38;
	[tilespmem:$0x1FC00] =	vst v63  }
0x46: {  	s10 =	rddreg [dreg:$0xa]  }
0x47: {  	[spmem:s10] =	stream.linear.scatter [tilespmem:s19], [sflag:$0x5], $0x800, $0x38;
	[tilespmem:$0x1FC00] =	vst v63  }
0x48: {  	_ = 	snop  }
0x49: {  	[spmem:s10] =	stream.linear.scatter [tilespmem:s20], [sflag:$0x6], $0x800, $0x38;
	[tilespmem:$0x1FC00] =	vst v63  }
0x4a: {  	s5 =	simm.s32 $0xFFFF3000;
	s10 =	simm.s32 $0x80  }
.LBB2_2:
0x4b: {  	_ =	swait.ge [sflag:s21], $0x600  }
0x4c: {  	[sflag:s21] =	ssyncset.done $0x0  }
0x4d: {  	[sflag:s21] =	ssyncadd.s32 $0xFFFFFA00  }
0x4e: {  	_ =	swait.ge [sflag:s22], $0x800  }
0x4f: {  	[sflag:s22] =	ssyncset.done $0x0  }
0x50: {  	[sflag:s22] =	ssyncadd.s32 $0xFFFFF800  }
0x51: {  	[tilespmem:s19], [sflag:$0x3] =	stream.indirect.gather [spmem:s3], $0x80, s4, s23, $0xb8;
	[tilespmem:$0x1FC00] =	vst v63  }
0x52: {  	_ =	swait.ge [sflag:s25], $0x800  }
0x53: {  	[sflag:s25] =	ssyncset.done $0x0  }
0x54: {  	[sflag:s25] =	ssyncadd.s32 $0xFFFFF800  }
0x55: {  	[tilespmem:s20], [sflag:$0x4] =	stream.indirect.gather [spmem:s3], $0x80, s10, s23, $0xb8;
	[tilespmem:$0x1FC00] =	vst v63  }
0x56: {  	_ =	swait.ge [sflag:s28], $0x800  }
0x57: {  	[sflag:s28] =	ssyncset.done $0x0  }
0x58: {  	s6 =	simm.s32 $0x300;
	[sflag:s28] =	ssyncadd.s32 $0xFFFFF800  }
0x59: {  	[spmem:s2] =	stream.indirect.scatter.add.f32 [tilespmem:s19], [sflag:$0x5], $0x80, s6, s23, $0xb8;
	[tilespmem:$0x1FC00] =	vst v63  }
0x5a: {  	_ =	swait.ge [sflag:s22], $0x800  }
0x5b: {  	[sflag:s22] =	ssyncset.done $0x0  }
0x5c: {  	s8 =	simm.s32 $0x100;
	[sflag:s22] =	ssyncadd.s32 $0xFFFFF800  }
0x5d: {  	[tilespmem:s19], [sflag:$0x3] =	stream.indirect.gather [spmem:s3], $0x80, s8, s23, $0xb8;
	[tilespmem:$0x1FC00] =	vst v63  }
0x5e: {  	_ =	swait.ge [sflag:s31], $0x800  }
0x5f: {  	[sflag:s31] =	ssyncset.done $0x0  }
0x60: {  	s8 =	simm.s32 $0x380;
	[sflag:s31] =	ssyncadd.s32 $0xFFFFF800  }
0x61: {  	[spmem:s2] =	stream.indirect.scatter.add.f32 [tilespmem:s20], [sflag:$0x6], $0x80, s8, s23, $0xb8;
	[tilespmem:$0x1FC00] =	vst v63  }
0x62: {  	_ =	swait.ge [sflag:s25], $0x800  }
0x63: {  	[sflag:s25] =	ssyncset.done $0x0  }
0x64: {  	s8 =	simm.s32 $0x180;
	[sflag:s25] =	ssyncadd.s32 $0xFFFFF800  }
0x65: {  	[tilespmem:s20], [sflag:$0x4] =	stream.indirect.gather [spmem:s3], $0x80, s8, s23, $0xb8;
	[tilespmem:$0x1FC00] =	vst v63  }
0x66: {  	_ =	swait.ge [sflag:s28], $0x800  }
0x67: {  	[sflag:s28] =	ssyncset.done $0x0  }
0x68: {  	s8 =	simm.s32 $0x400;
	[sflag:s28] =	ssyncadd.s32 $0xFFFFF800  }
0x69: {  	[spmem:s2] =	stream.indirect.scatter.add.f32 [tilespmem:s19], [sflag:$0x5], $0x80, s8, s23, $0xb8;
	[tilespmem:$0x1FC00] =	vst v63  }
0x6a: {  	_ =	swait.ge [sflag:s22], $0x800  }
0x6b: {  	[sflag:s22] =	ssyncset.done $0x0  }
0x6c: {  	s8 =	simm.s32 $0x200;
	[sflag:s22] =	ssyncadd.s32 $0xFFFFF800  }
0x6d: {  	[tilespmem:s19], [sflag:$0x3] =	stream.indirect.gather [spmem:s3], $0x80, s8, s23, $0xb8;
	[tilespmem:$0x1FC00] =	vst v63  }
0x6e: {  	_ =	swait.ge [sflag:s31], $0x800  }
0x6f: {  	[sflag:s31] =	ssyncset.done $0x0  }
0x70: {  	s8 =	simm.s32 $0x480;
	[sflag:s31] =	ssyncadd.s32 $0xFFFFF800  }
0x71: {  	[spmem:s2] =	stream.indirect.scatter.add.f32 [tilespmem:s20], [sflag:$0x6], $0x80, s8, s23, $0xb8;
	[tilespmem:$0x1FC00] =	vst v63  }
0x72: {  	_ =	swait.ge [sflag:s25], $0x800  }
0x73: {  	[sflag:s25] =	ssyncset.done $0x0  }
0x74: {  	s8 =	simm.s32 $0x280;
	[sflag:s25] =	ssyncadd.s32 $0xFFFFF800  }
0x75: {  	[tilespmem:s20], [sflag:$0x4] =	stream.indirect.gather [spmem:s3], $0x80, s8, s23, $0xb8;
	[tilespmem:$0x1FC00] =	vst v63  }
0x76: {  	_ =	swait.ge [sflag:s28], $0x800  }
0x77: {  	[sflag:s28] =	ssyncset.done $0x0  }
0x78: {  	[sflag:s28] =	ssyncadd.s32 $0xFFFFF800  }
0x79: {  	[spmem:s2] =	stream.indirect.scatter.add.f32 [tilespmem:s19], [sflag:$0x5], $0x80, s9, s23, $0xb8;
	[tilespmem:$0x1FC00] =	vst v63  }
0x7a: {  	_ =	swait.ge [sflag:s31], $0x800  }
0x7b: {  	p2 =	seq.s32 s5, $0x0;
	[sflag:s31] =	ssyncset.done $0x0  }
0x7c: {  	s6 =	sadd.s32 @!p2 s5, s13;
	[sflag:s31] =	ssyncadd.s32 $0xFFFFF800  }
0x7d: {  	[spmem:s2] =	stream.indirect.scatter.add.f32 [tilespmem:s20], [sflag:$0x6], $0x80, s12, s23, $0xb8;
	[tilespmem:$0x1FC00] =	vst v63  }
0x7e: {  	s6 =	sadd.s32 @!p2 $0xD200, s6;
	s8 =	simm.s32 @!p2 $0x0  }
0x7f: {  	[tilespmem:s8], [sflag:$0x1] =	stream.linear.gather @!p2 [hbm4b:s6+s8], $0x600, $0x38;
	[tilespmem:$0x1FC00] =	vst v63  }
0x80: {  	_ =	swait.ge [sflag:s16], $0x600  }
0x81: {  	[sflag:s16] =	ssyncset.done $0x0  }
0x82: {  	[sflag:s16] =	ssyncadd.s32 $0xFFFFFA00  }
0x83: {  	_ =	swait.ge [sflag:s22], $0x800  }
0x84: {  	[sflag:s22] =	ssyncset.done $0x0  }
0x85: {  	[sflag:s22] =	ssyncadd.s32 $0xFFFFF800  }
0x86: {  	[tilespmem:s19], [sflag:$0x3] =	stream.indirect.gather [spmem:s3], $0x80, s18, s23, $0xb8;
	[tilespmem:$0x1FC00] =	vst v63  }
0x87: {  	_ =	swait.ge [sflag:s25], $0x800  }
0x88: {  	[sflag:s25] =	ssyncset.done $0x0  }
0x89: {  	[sflag:s25] =	ssyncadd.s32 $0xFFFFF800  }
0x8a: {  	[tilespmem:s20], [sflag:$0x4] =	stream.indirect.gather [spmem:s3], $0x80, s17, s23, $0xb8;
	[tilespmem:$0x1FC00] =	vst v63  }
0x8b: {  	_ =	swait.ge [sflag:s28], $0x800  }
0x8c: {  	[sflag:s28] =	ssyncset.done $0x0  }
0x8d: {  	[sflag:s28] =	ssyncadd.s32 $0xFFFFF800  }
0x8e: {  	[spmem:s2] =	stream.indirect.scatter.add.f32 [tilespmem:s19], [sflag:$0x5], $0x80, s24, s23, $0xb8;
	[tilespmem:$0x1FC00] =	vst v63  }
0x8f: {  	_ =	swait.ge [sflag:s22], $0x800  }
0x90: {  	[sflag:s22] =	ssyncset.done $0x0  }
0x91: {  	[sflag:s22] =	ssyncadd.s32 $0xFFFFF800  }
0x92: {  	[tilespmem:s19], [sflag:$0x3] =	stream.indirect.gather [spmem:s3], $0x80, s11, s23, $0xb8;
	[tilespmem:$0x1FC00] =	vst v63  }
0x93: {  	_ =	swait.ge [sflag:s31], $0x800  }
0x94: {  	[sflag:s31] =	ssyncset.done $0x0  }
0x95: {  	[sflag:s31] =	ssyncadd.s32 $0xFFFFF800  }
0x96: {  	[spmem:s2] =	stream.indirect.scatter.add.f32 [tilespmem:s20], [sflag:$0x6], $0x80, s14, s23, $0xb8;
	[tilespmem:$0x1FC00] =	vst v63  }
0x97: {  	_ =	swait.ge [sflag:s25], $0x800  }
0x98: {  	[sflag:s25] =	ssyncset.done $0x0  }
0x99: {  	[sflag:s25] =	ssyncadd.s32 $0xFFFFF800  }
0x9a: {  	[tilespmem:s20], [sflag:$0x4] =	stream.indirect.gather [spmem:s3], $0x80, s15, s23, $0xb8;
	[tilespmem:$0x1FC00] =	vst v63  }
0x9b: {  	_ =	swait.ge [sflag:s28], $0x800  }
0x9c: {  	[sflag:s28] =	ssyncset.done $0x0  }
0x9d: {  	[sflag:s28] =	ssyncadd.s32 $0xFFFFF800  }
0x9e: {  	[spmem:s2] =	stream.indirect.scatter.add.f32 [tilespmem:s19], [sflag:$0x5], $0x80, s7, s23, $0xb8;
	[tilespmem:$0x1FC00] =	vst v63  }
0x9f: {  	_ =	swait.ge [sflag:s22], $0x800  }
0xa0: {  	[sflag:s22] =	ssyncset.done $0x0  }
0xa1: {  	[sflag:s22] =	ssyncadd.s32 $0xFFFFF800  }
0xa2: {  	[tilespmem:s19], [sflag:$0x3] =	stream.indirect.gather [spmem:s3], $0x80, s26, s23, $0xb8;
	[tilespmem:$0x1FC00] =	vst v63  }
0xa3: {  	_ =	swait.ge [sflag:s31], $0x800  }
0xa4: {  	[sflag:s31] =	ssyncset.done $0x0  }
0xa5: {  	[sflag:s31] =	ssyncadd.s32 $0xFFFFF800  }
0xa6: {  	[spmem:s2] =	stream.indirect.scatter.add.f32 [tilespmem:s20], [sflag:$0x6], $0x80, s29, s23, $0xb8;
	[tilespmem:$0x1FC00] =	vst v63  }
0xa7: {  	_ =	swait.ge [sflag:s25], $0x800  }
0xa8: {  	[sflag:s25] =	ssyncset.done $0x0  }
0xa9: {  	[sflag:s25] =	ssyncadd.s32 $0xFFFFF800  }
0xaa: {  	[tilespmem:s20], [sflag:$0x4] =	stream.indirect.gather [spmem:s3], $0x80, s30, s23, $0xb8;
	[tilespmem:$0x1FC00] =	vst v63  }
0xab: {  	_ =	swait.ge [sflag:s28], $0x800  }
0xac: {  	[sflag:s28] =	ssyncset.done $0x0  }
0xad: {  	[sflag:s28] =	ssyncadd.s32 $0xFFFFF800  }
0xae: {  	[spmem:s2] =	stream.indirect.scatter.add.f32 [tilespmem:s19], [sflag:$0x5], $0x80, s1, s23, $0xb8;
	[tilespmem:$0x1FC00] =	vst v63  }
.Ltmp2:
0xaf: {  	_ = 	snop;
	(pc) =	sbr.rel @p2 .LBB2_4-.Ltmp2, $4  }
0xb0: {  	_ =	swait.ge [sflag:s31], $0x800  }
0xb1: {  	[sflag:s31] =	ssyncset.done $0x0  }
0xb2: {  	[sflag:s31] =	ssyncadd.s32 $0xFFFFF800  }
0xb3: {  	[spmem:s2] =	stream.indirect.scatter.add.f32 [tilespmem:s20], [sflag:$0x6], $0x80, s0, s23, $0xb8;
	[tilespmem:$0x1FC00] =	vst v63  }
.Ltmp3:
0xb4: {  	(pc) =	sbr.rel .LBB2_2-.Ltmp3, $4  }
0xb5: {  	_ = 	snop  }
0xb6: {  	s6 =	sadd.s32 s5, s13  }
0xb7: {  	s5 =	sadd.s32 $0x200, s5;
	s6 =	sadd.s32 $0xD300, s6  }
0xb8: {  	[tilespmem:s18], [sflag:$0x2] =	stream.linear.gather [hbm4b:s6+s4], $0x600, $0x38;
	[tilespmem:$0x1FC00] =	vst v63  }
.LBB2_5:
0xb9: {  	_ =	sfence.sel $0x180000  }
0xba: {  	[bflag:$0x0] =	sbarrier.arrive $0xFFFF  }
0xbb: {  	_ =	strace $0x90000047  }
0xbc: {  	s0 =	stileid.u32;
	[bflag:$0x2] =	sbarrier.arrive $0xFFFF  }
0xbd: {  	p0 =	sne.s32 s0, $0x0;
	s0 =	rddreg [dreg:$0x3]  }
0xbe: {  	s0 =	sadd.s32 @!p0 $0x100000, s0  }
0xbf: {  	[sflag:s0] =	ssyncadd.tile.s32 @!p0 $0x1;
	_ =	shalt  }
.Lfunc_end2:
_tile_overlayer_lowered:
.L_overlay_start_2:
0xc0: {  	(tag) =	ssettag $0x2  }
0xc1: {  	s0 =	rddreg [dreg:$0x0];
	s2 =	stileid.u32  }
0xc2: {  	s1 =	rddreg [dreg:$0x1];
	p0 =	sne.s32 s2, $0x0  }
0xc3: {  	s3 =	rddreg [dreg:$0x2];
	[bflag:$0x3] =	sbarrier.arrive $0xFFFF;
	s2 =	simm.s32 @!p0 $0x1C07  }
0xc4: {  	[timem:s3], [sflag:s2] =	dma.local @!p0 [hbm:s0], s1  }
0xc5: {  	s0 =	simm.s32 @!p0 $0x7  }
0xc6: {  	_ =	swait.ge @!p0 [sflag:s0], s1  }
0xc7: {  	s1 =	ssub.s32 @!p0 $0x0, s1;
	[sflag:s0] =	ssyncset.done @!p0 $0x0  }
0xc8: {  	[sflag:s0] =	ssyncadd.s32 @!p0 s1  }
0xc9: {  	[bflag:$0x3] =	sbarrier.arrive $0xFFFF  }
0xca: {  	_ =	shalt  }

</sc_bundles>
